<compile_context>
chip_gen: v7x
topology: tpu7x:2x2x1
jax: 0.10.2.dev20260603
libtpu: 0.0.44.dev20260713+nightly
codegen_flags: <defaults>
</compile_context>

<pallas_src>
import jax
import jax.numpy as jnp
from jax import lax
from jax.experimental import pallas as pl
from jax.experimental.pallas import tpu as pltpu
from jax.experimental.pallas import tpu_sc as plsc

NC = 2
NS = 16
NW = NC * NS
LANE = 16

VOCAB = 1000000
B = 16384
L = 16
SEM_D = 48
ETH_D = 16
D = 64
CD = 128

SCALE = 1.0 / L

BC = 16384
GRID = (VOCAB + BC - 1) // BC


def _combine_body(sem_ref, eth_ref, out_ref):
    both = jnp.concatenate([sem_ref[...], eth_ref[...]], axis=0)
    t = both.T
    out_ref[...] = jnp.concatenate(
        [t, jnp.zeros((BC, CD - D), jnp.float32)], axis=1)


BPW = B // NW
CHUNK = 128
NCH = BPW // CHUNK


def _lookup_body(idx_t, comb, pos_hbm, out_t,
                 idx_v, pos_v, pos_m, acc0, acc1, out_c, sg0, sg1):
    wid = lax.axis_index("s") * NC + lax.axis_index("c")
    base = wid * BPW

    pltpu.sync_copy(idx_t.at[:, pl.ds(base, BPW)], idx_v)
    pltpu.sync_copy(pos_hbm.at[pl.ds(0, L)], pos_v)
    for k in range(D // LANE):
        s = pos_v[0, pl.ds(k * LANE, LANE)]
        for r in range(1, L):
            s = s + pos_v[r, pl.ds(k * LANE, LANE)]
        pos_m[pl.ds(k * LANE, LANE)] = s * SCALE

    iota = lax.iota(jnp.int32, LANE)
    accs = (acc0, acc1)
    sems = (sg0, sg1)
    zvec = jnp.zeros((LANE,), jnp.float32)

    def zero(acc):
        def zr(r, _):
            for k in range(D // LANE):
                acc[r, pl.ds(k * LANE, LANE)] = zvec
            return 0

        lax.fori_loop(0, CHUNK, zr, 0)

    def fire(c, p):
        for l in range(L):
            pltpu.async_copy(
                comb.at[idx_v.at[l, pl.ds(c * CHUNK, CHUNK)]], accs[p],
                sems[p], add=True)

    def drain(p):
        for _ in range(L):
            pltpu.make_async_copy(
                comb.at[idx_v.at[0, pl.ds(0, CHUNK)]], accs[p],
                sems[p]).wait()

    def post(c, p):
        acc = accs[p]

        def feat_fn(d, _):
            dv = jnp.broadcast_to(d, (LANE,))
            pv = plsc.load_gather(pos_m, [dv])
            for k in range(CHUNK // LANE):
                v = plsc.load_gather(acc, [iota + (k * LANE), dv])
                out_c[d, pl.ds(k * LANE, LANE)] = v * SCALE + pv
            return 0

        lax.fori_loop(0, D, feat_fn, 0)
        pltpu.sync_copy(out_c, out_t.at[:, pl.ds(base + c * CHUNK, CHUNK)])

    zero(accs[0])
    fire(0, 0)
    for c in range(NCH):
        p = c % 2
        if c + 1 < NCH:
            zero(accs[1 - p])
            fire(c + 1, 1 - p)
        drain(p)
        post(c, p)


def kernel(indices, semantic_table, ethical_table, pos_enc):
    idx_t = indices.astype(jnp.int32).T
    sem_t = semantic_table.T
    eth_t = ethical_table.T
    pos2d = pos_enc.reshape(pos_enc.shape[1], D)

    comb = pl.pallas_call(
        _combine_body,
        grid=(GRID,),
        in_specs=[
            pl.BlockSpec((SEM_D, BC), lambda j: (0, j)),
            pl.BlockSpec((ETH_D, BC), lambda j: (0, j)),
        ],
        out_specs=pl.BlockSpec((BC, CD), lambda j: (j, 0)),
        out_shape=jax.ShapeDtypeStruct((VOCAB, CD), jnp.float32),
    )(sem_t, eth_t)

    out_t = pl.kernel(
        _lookup_body,
        out_type=jax.ShapeDtypeStruct((D, B), jnp.float32),
        mesh=plsc.VectorSubcoreMesh(core_axis_name="c", subcore_axis_name="s"),
        scratch_types=[
            pltpu.VMEM((L, BPW), jnp.int32),
            pltpu.VMEM((L, D), jnp.float32),
            pltpu.VMEM((D,), jnp.float32),
            pltpu.VMEM((CHUNK, CD), jnp.float32),
            pltpu.VMEM((CHUNK, CD), jnp.float32),
            pltpu.VMEM((D, CHUNK), jnp.float32),
            pltpu.SemaphoreType.DMA,
            pltpu.SemaphoreType.DMA,
        ],
        compiler_params=pltpu.CompilerParams(needs_layout_passes=False),
    )(idx_t, comb, pos2d)

    return out_t.T

# --- scband reference (transcript-rebuilt; emitter-appended) ---
"""Pipeline reference for scband-elite-lexicon-encoder-57372173140260 (READ-ONLY COPY).

The authoritative reference and input builder live on the scoring server;
editing this copy changes nothing except your own understanding.
"""

import jax, jax.numpy as jnp
import numpy as np

VOCAB = 1000000
D_MODEL = 64
ETHICAL_DIM = 16
SEM_DIM = D_MODEL - ETHICAL_DIM
BATCH = 16384
SEQ = 16


def setup_inputs(seed: int = 0) -> dict:
    key = jax.random.key(seed)
    k1, k2, k3, k4 = jax.random.split(key, 4)
    indices = jax.random.randint(k1, (BATCH, SEQ), 0, VOCAB, dtype=jnp.int64 if jax.config.jax_enable_x64 else jnp.int32)
    semantic_table = jax.random.normal(k2, (VOCAB, SEM_DIM), dtype=jnp.float32)
    # ethical table: first rows initialized from cosine-phased lexicon vectors, rest random (nn.Embedding init)
    ethical_table = jax.random.normal(k3, (VOCAB, ETHICAL_DIM), dtype=jnp.float32)
    n_lex = 40  # unique lexicon terms (20 positive + 20 negative)
    phases = jnp.cos(2 * jnp.pi * jnp.arange(ETHICAL_DIM) / ETHICAL_DIM)
    signs = jnp.where(jnp.arange(n_lex) < 20, 0.92, -0.92)
    lex_vecs = signs[:, None] * phases[None, :]
    ethical_table = ethical_table.at[:n_lex].set(lex_vecs.astype(jnp.float32))
    pos_enc = jax.random.normal(k4, (1, 32, D_MODEL), dtype=jnp.float32)
    return {"indices": indices, "semantic_table": semantic_table, "ethical_table": ethical_table, "pos_enc": pos_enc}


def reference(indices, semantic_table, ethical_table, pos_enc):
    # gather semantic + ethical embeddings per word index
    sem = jnp.take(semantic_table, indices, axis=0)   # [B, L, SEM_DIM]
    eth = jnp.take(ethical_table, indices, axis=0)    # [B, L, ETHICAL_DIM]
    combined = jnp.concatenate([sem, eth], axis=-1)   # [B, L, D_MODEL]
    seq_len = combined.shape[1]
    combined = combined + pos_enc[:, :seq_len, :]     # add positional encoding
    pooled = combined.mean(axis=1)                    # mean-pool over words -> [B, D_MODEL]
    return pooled

if __name__ == "__main__":
    import jax
    _d = setup_inputs()
    print(jax.jit(kernel)(*tuple(_d.values())))

</pallas_src>

<mosaic_0001>
#map = affine_map<(d0, d1) -> (0, 0)>
module attributes {stable_mosaic.version = 14 : i64} {
  func.func @_lookup_body(%arg0: i32, %arg1: i32, %arg2: memref<16x16384xi32, #tpu.memory_space<hbm>>, %arg3: memref<1000000x128xf32, #tpu.memory_space<hbm>>, %arg4: memref<32x64xf32, #tpu.memory_space<hbm>>, %arg5: memref<64x16384xf32, #tpu.memory_space<hbm>>, %arg6: memref<16x512xi32, #tpu.memory_space<vmem>>, %arg7: memref<16x64xf32, #tpu.memory_space<vmem>>, %arg8: memref<64xf32, #tpu.memory_space<vmem>>, %arg9: memref<128x128xf32, #tpu.memory_space<vmem>>, %arg10: memref<128x128xf32, #tpu.memory_space<vmem>>, %arg11: memref<64x128xf32, #tpu.memory_space<vmem>>, %arg12: memref<!tpu.dma_semaphore, #tpu.memory_space<semaphore_mem>>, %arg13: memref<!tpu.dma_semaphore, #tpu.memory_space<semaphore_mem>>) attributes {dimension_semantics = [#tpu.dimension_semantics<core_parallel>, #tpu.dimension_semantics<subcore_parallel>], iteration_bounds = array<i64: 2, 16>, scalar_prefetch = 0 : i64, scratch_operands = 8 : i64, tpu.core_type = #tpu.core_type<sc_vector_subcore>, window_params = [{transform_indices = #map}, {transform_indices = #map}, {transform_indices = #map}, {transform_indices = #map}]} {
    %mul3A = arith.constant 2 : i32
    %mul3A_0 = arith.muli %arg1, %mul3A : i32
    %add3A = arith.addi %mul3A_0, %arg0 : i32
    %mul3A_1 = arith.constant 512 : i32
    %mul3A_2 = arith.muli %add3A, %mul3A_1 : i32
    "tpu.region"() ({
      %run_scoped3A = tpu.sem_alloc : memref<!tpu.dma_semaphore, #tpu.memory_space<semaphore_mem>>
      %dma_start3A_1295 = arith.constant 0 : i32
      %dma_start3A_1296 = tpu.memref_slice %arg2[%dma_start3A_1295, %mul3A_2] : memref<16x16384xi32, #tpu.memory_space<hbm>> -> memref<16x512xi32, #tpu.memory_space<hbm>>
      %dma_start3A_1297 = arith.constant 0 : i32
      %dma_start3A_1298 = tpu.memref_slice %arg2[%dma_start3A_1297, %mul3A_2] : memref<16x16384xi32, #tpu.memory_space<hbm>> -> memref<16x512xi32, #tpu.memory_space<hbm>>
      tpu.enqueue_dma source(%dma_start3A_1298 : memref<16x512xi32, #tpu.memory_space<hbm>>) target(%arg6 : memref<16x512xi32, #tpu.memory_space<vmem>>) target_semaphore(%run_scoped3A : memref<!tpu.dma_semaphore, #tpu.memory_space<semaphore_mem>>)
      %dma_wait3A_1299 = arith.constant 0 : i32
      %dma_wait3A_1300 = tpu.memref_slice %arg2[%dma_wait3A_1299, %mul3A_2] : memref<16x16384xi32, #tpu.memory_space<hbm>> -> memref<16x512xi32, #tpu.memory_space<hbm>>
      %dma_wait3A_1301 = arith.constant 0 : i32
      %dma_wait3A_1302 = tpu.memref_slice %arg2[%dma_wait3A_1301, %mul3A_2] : memref<16x16384xi32, #tpu.memory_space<hbm>> -> memref<16x512xi32, #tpu.memory_space<hbm>>
      tpu.wait_dma2 semaphore(%run_scoped3A : memref<!tpu.dma_semaphore, #tpu.memory_space<semaphore_mem>>) src(%dma_wait3A_1302 : memref<16x512xi32, #tpu.memory_space<hbm>>) dst(%arg6 : memref<16x512xi32, #tpu.memory_space<vmem>>)
      tpu.yield
    }) : () -> ()
    "tpu.region"() ({
      %run_scoped3A = tpu.sem_alloc : memref<!tpu.dma_semaphore, #tpu.memory_space<semaphore_mem>>
      %dma_start3A_1295 = arith.constant 0 : i32
      %dma_start3A_1296 = arith.constant 0 : i32
      %dma_start3A_1297 = tpu.memref_slice %arg4[%dma_start3A_1295, %dma_start3A_1296] : memref<32x64xf32, #tpu.memory_space<hbm>> -> memref<16x64xf32, #tpu.memory_space<hbm>>
      %dma_start3A_1298 = arith.constant 0 : i32
      %dma_start3A_1299 = arith.constant 0 : i32
      %dma_start3A_1300 = tpu.memref_slice %arg4[%dma_start3A_1298, %dma_start3A_1299] : memref<32x64xf32, #tpu.memory_space<hbm>> -> memref<16x64xf32, #tpu.memory_space<hbm>>
      tpu.enqueue_dma source(%dma_start3A_1300 : memref<16x64xf32, #tpu.memory_space<hbm>>) target(%arg7 : memref<16x64xf32, #tpu.memory_space<vmem>>) target_semaphore(%run_scoped3A : memref<!tpu.dma_semaphore, #tpu.memory_space<semaphore_mem>>)
      %dma_wait3A_1301 = arith.constant 0 : i32
      %dma_wait3A_1302 = arith.constant 0 : i32
      %dma_wait3A_1303 = tpu.memref_slice %arg4[%dma_wait3A_1301, %dma_wait3A_1302] : memref<32x64xf32, #tpu.memory_space<hbm>> -> memref<16x64xf32, #tpu.memory_space<hbm>>
      %dma_wait3A_1304 = arith.constant 0 : i32
      %dma_wait3A_1305 = arith.constant 0 : i32
      %dma_wait3A_1306 = tpu.memref_slice %arg4[%dma_wait3A_1304, %dma_wait3A_1305] : memref<32x64xf32, #tpu.memory_space<hbm>> -> memref<16x64xf32, #tpu.memory_space<hbm>>
      tpu.wait_dma2 semaphore(%run_scoped3A : memref<!tpu.dma_semaphore, #tpu.memory_space<semaphore_mem>>) src(%dma_wait3A_1306 : memref<16x64xf32, #tpu.memory_space<hbm>>) dst(%arg7 : memref<16x64xf32, #tpu.memory_space<vmem>>)
      tpu.yield
    }) : () -> ()
    %get3A = arith.constant 0 : i32
    %get3A_3 = arith.index_cast %get3A : i32 to index
    %get3A_4 = arith.constant 0 : index
    %get3A_5 = tpu.vector_load %arg7[%get3A_3, %get3A_4] {strides = array<i32>} : memref<16x64xf32, #tpu.memory_space<vmem>>, vector<16xf32>,
    %get3A_6 = arith.constant 1 : i32
    %get3A_7 = arith.index_cast %get3A_6 : i32 to index
    %get3A_8 = arith.constant 0 : index
    %get3A_9 = tpu.vector_load %arg7[%get3A_7, %get3A_8] {strides = array<i32>} : memref<16x64xf32, #tpu.memory_space<vmem>>, vector<16xf32>,
    %add3A_10 = arith.addf %get3A_5, %get3A_9 : vector<16xf32>
    %get3A_11 = arith.constant 2 : i32
    %get3A_12 = arith.index_cast %get3A_11 : i32 to index
    %get3A_13 = arith.constant 0 : index
    %get3A_14 = tpu.vector_load %arg7[%get3A_12, %get3A_13] {strides = array<i32>} : memref<16x64xf32, #tpu.memory_space<vmem>>, vector<16xf32>,
    %add3A_15 = arith.addf %add3A_10, %get3A_14 : vector<16xf32>
    %get3A_16 = arith.constant 3 : i32
    %get3A_17 = arith.index_cast %get3A_16 : i32 to index
    %get3A_18 = arith.constant 0 : index
    %get3A_19 = tpu.vector_load %arg7[%get3A_17, %get3A_18] {strides = array<i32>} : memref<16x64xf32, #tpu.memory_space<vmem>>, vector<16xf32>,
    %add3A_20 = arith.addf %add3A_15, %get3A_19 : vector<16xf32>
    %get3A_21 = arith.constant 4 : i32
    %get3A_22 = arith.index_cast %get3A_21 : i32 to index
    %get3A_23 = arith.constant 0 : index
    %get3A_24 = tpu.vector_load %arg7[%get3A_22, %get3A_23] {strides = array<i32>} : memref<16x64xf32, #tpu.memory_space<vmem>>, vector<16xf32>,
    %add3A_25 = arith.addf %add3A_20, %get3A_24 : vector<16xf32>
    %get3A_26 = arith.constant 5 : i32
    %get3A_27 = arith.index_cast %get3A_26 : i32 to index
    %get3A_28 = arith.constant 0 : index
    %get3A_29 = tpu.vector_load %arg7[%get3A_27, %get3A_28] {strides = array<i32>} : memref<16x64xf32, #tpu.memory_space<vmem>>, vector<16xf32>,
    %add3A_30 = arith.addf %add3A_25, %get3A_29 : vector<16xf32>
    %get3A_31 = arith.constant 6 : i32
    %get3A_32 = arith.index_cast %get3A_31 : i32 to index
    %get3A_33 = arith.constant 0 : index
    %get3A_34 = tpu.vector_load %arg7[%get3A_32, %get3A_33] {strides = array<i32>} : memref<16x64xf32, #tpu.memory_space<vmem>>, vector<16xf32>,
    %add3A_35 = arith.addf %add3A_30, %get3A_34 : vector<16xf32>
    %get3A_36 = arith.constant 7 : i32
    %get3A_37 = arith.index_cast %get3A_36 : i32 to index
    %get3A_38 = arith.constant 0 : index
    %get3A_39 = tpu.vector_load %arg7[%get3A_37, %get3A_38] {strides = array<i32>} : memref<16x64xf32, #tpu.memory_space<vmem>>, vector<16xf32>,
    %add3A_40 = arith.addf %add3A_35, %get3A_39 : vector<16xf32>
    %get3A_41 = arith.constant 8 : i32
    %get3A_42 = arith.index_cast %get3A_41 : i32 to index
    %get3A_43 = arith.constant 0 : index
    %get3A_44 = tpu.vector_load %arg7[%get3A_42, %get3A_43] {strides = array<i32>} : memref<16x64xf32, #tpu.memory_space<vmem>>, vector<16xf32>,
    %add3A_45 = arith.addf %add3A_40, %get3A_44 : vector<16xf32>
    %get3A_46 = arith.constant 9 : i32
    %get3A_47 = arith.index_cast %get3A_46 : i32 to index
    %get3A_48 = arith.constant 0 : index
    %get3A_49 = tpu.vector_load %arg7[%get3A_47, %get3A_48] {strides = array<i32>} : memref<16x64xf32, #tpu.memory_space<vmem>>, vector<16xf32>,
    %add3A_50 = arith.addf %add3A_45, %get3A_49 : vector<16xf32>
    %get3A_51 = arith.constant 10 : i32
    %get3A_52 = arith.index_cast %get3A_51 : i32 to index
    %get3A_53 = arith.constant 0 : index
    %get3A_54 = tpu.vector_load %arg7[%get3A_52, %get3A_53] {strides = array<i32>} : memref<16x64xf32, #tpu.memory_space<vmem>>, vector<16xf32>,
    %add3A_55 = arith.addf %add3A_50, %get3A_54 : vector<16xf32>
    %get3A_56 = arith.constant 11 : i32
    %get3A_57 = arith.index_cast %get3A_56 : i32 to index
    %get3A_58 = arith.constant 0 : index
    %get3A_59 = tpu.vector_load %arg7[%get3A_57, %get3A_58] {strides = array<i32>} : memref<16x64xf32, #tpu.memory_space<vmem>>, vector<16xf32>,
    %add3A_60 = arith.addf %add3A_55, %get3A_59 : vector<16xf32>
    %get3A_61 = arith.constant 12 : i32
    %get3A_62 = arith.index_cast %get3A_61 : i32 to index
    %get3A_63 = arith.constant 0 : index
    %get3A_64 = tpu.vector_load %arg7[%get3A_62, %get3A_63] {strides = array<i32>} : memref<16x64xf32, #tpu.memory_space<vmem>>, vector<16xf32>,
    %add3A_65 = arith.addf %add3A_60, %get3A_64 : vector<16xf32>
    %get3A_66 = arith.constant 13 : i32
    %get3A_67 = arith.index_cast %get3A_66 : i32 to index
    %get3A_68 = arith.constant 0 : index
    %get3A_69 = tpu.vector_load %arg7[%get3A_67, %get3A_68] {strides = array<i32>} : memref<16x64xf32, #tpu.memory_space<vmem>>, vector<16xf32>,
    %add3A_70 = arith.addf %add3A_65, %get3A_69 : vector<16xf32>
    %get3A_71 = arith.constant 14 : i32
    %get3A_72 = arith.index_cast %get3A_71 : i32 to index
    %get3A_73 = arith.constant 0 : index
    %get3A_74 = tpu.vector_load %arg7[%get3A_72, %get3A_73] {strides = array<i32>} : memref<16x64xf32, #tpu.memory_space<vmem>>, vector<16xf32>,
    %add3A_75 = arith.addf %add3A_70, %get3A_74 : vector<16xf32>
    %get3A_76 = arith.constant 15 : i32
    %get3A_77 = arith.index_cast %get3A_76 : i32 to index
    %get3A_78 = arith.constant 0 : index
    %get3A_79 = tpu.vector_load %arg7[%get3A_77, %get3A_78] {strides = array<i32>} : memref<16x64xf32, #tpu.memory_space<vmem>>, vector<16xf32>,
    %add3A_80 = arith.addf %add3A_75, %get3A_79 : vector<16xf32>
    %mul3A_81 = arith.constant 6.250000e-02 : f32
    %mul3A_82 = vector.broadcast %mul3A_81 : f32 to vector<16xf32>
    %mul3A_83 = arith.mulf %add3A_80, %mul3A_82 : vector<16xf32>
    %swap3A = arith.constant 0 : index
    %swap3A_84 = tpu.vector_load %arg8[%swap3A] {strides = array<i32>} : memref<64xf32, #tpu.memory_space<vmem>>, vector<16xf32>,
    tpu.vector_store %arg8[%swap3A], %mul3A_83 {strides = array<i32>} : memref<64xf32, #tpu.memory_space<vmem>>, vector<16xf32>,
    %get3A_85 = arith.constant 0 : i32
    %get3A_86 = arith.index_cast %get3A_85 : i32 to index
    %get3A_87 = arith.constant 16 : index
    %get3A_88 = tpu.vector_load %arg7[%get3A_86, %get3A_87] {strides = array<i32>} : memref<16x64xf32, #tpu.memory_space<vmem>>, vector<16xf32>,
    %get3A_89 = arith.constant 1 : i32
    %get3A_90 = arith.index_cast %get3A_89 : i32 to index
    %get3A_91 = arith.constant 16 : index
    %get3A_92 = tpu.vector_load %arg7[%get3A_90, %get3A_91] {strides = array<i32>} : memref<16x64xf32, #tpu.memory_space<vmem>>, vector<16xf32>,
    %add3A_93 = arith.addf %get3A_88, %get3A_92 : vector<16xf32>
    %get3A_94 = arith.constant 2 : i32
    %get3A_95 = arith.index_cast %get3A_94 : i32 to index
    %get3A_96 = arith.constant 16 : index
    %get3A_97 = tpu.vector_load %arg7[%get3A_95, %get3A_96] {strides = array<i32>} : memref<16x64xf32, #tpu.memory_space<vmem>>, vector<16xf32>,
    %add3A_98 = arith.addf %add3A_93, %get3A_97 : vector<16xf32>
    %get3A_99 = arith.constant 3 : i32
    %get3A_100 = arith.index_cast %get3A_99 : i32 to index
    %get3A_101 = arith.constant 16 : index
    %get3A_102 = tpu.vector_load %arg7[%get3A_100, %get3A_101] {strides = array<i32>} : memref<16x64xf32, #tpu.memory_space<vmem>>, vector<16xf32>,
    %add3A_103 = arith.addf %add3A_98, %get3A_102 : vector<16xf32>
    %get3A_104 = arith.constant 4 : i32
    %get3A_105 = arith.index_cast %get3A_104 : i32 to index
    %get3A_106 = arith.constant 16 : index
    %get3A_107 = tpu.vector_load %arg7[%get3A_105, %get3A_106] {strides = array<i32>} : memref<16x64xf32, #tpu.memory_space<vmem>>, vector<16xf32>,
    %add3A_108 = arith.addf %add3A_103, %get3A_107 : vector<16xf32>
    %get3A_109 = arith.constant 5 : i32
    %get3A_110 = arith.index_cast %get3A_109 : i32 to index
    %get3A_111 = arith.constant 16 : index
    %get3A_112 = tpu.vector_load %arg7[%get3A_110, %get3A_111] {strides = array<i32>} : memref<16x64xf32, #tpu.memory_space<vmem>>, vector<16xf32>,
    %add3A_113 = arith.addf %add3A_108, %get3A_112 : vector<16xf32>
    %get3A_114 = arith.constant 6 : i32
    %get3A_115 = arith.index_cast %get3A_114 : i32 to index
    %get3A_116 = arith.constant 16 : index
    %get3A_117 = tpu.vector_load %arg7[%get3A_115, %get3A_116] {strides = array<i32>} : memref<16x64xf32, #tpu.memory_space<vmem>>, vector<16xf32>,
    %add3A_118 = arith.addf %add3A_113, %get3A_117 : vector<16xf32>
    %get3A_119 = arith.constant 7 : i32
    %get3A_120 = arith.index_cast %get3A_119 : i32 to index
    %get3A_121 = arith.constant 16 : index
    %get3A_122 = tpu.vector_load %arg7[%get3A_120, %get3A_121] {strides = array<i32>} : memref<16x64xf32, #tpu.memory_space<vmem>>, vector<16xf32>,
    %add3A_123 = arith.addf %add3A_118, %get3A_122 : vector<16xf32>
    %get3A_124 = arith.constant 8 : i32
    %get3A_125 = arith.index_cast %get3A_124 : i32 to index
    %get3A_126 = arith.constant 16 : index
    %get3A_127 = tpu.vector_load %arg7[%get3A_125, %get3A_126] {strides = array<i32>} : memref<16x64xf32, #tpu.memory_space<vmem>>, vector<16xf32>,
    %add3A_128 = arith.addf %add3A_123, %get3A_127 : vector<16xf32>
    %get3A_129 = arith.constant 9 : i32
    %get3A_130 = arith.index_cast %get3A_129 : i32 to index
    %get3A_131 = arith.constant 16 : index
    %get3A_132 = tpu.vector_load %arg7[%get3A_130, %get3A_131] {strides = array<i32>} : memref<16x64xf32, #tpu.memory_space<vmem>>, vector<16xf32>,
    %add3A_133 = arith.addf %add3A_128, %get3A_132 : vector<16xf32>
    %get3A_134 = arith.constant 10 : i32
    %get3A_135 = arith.index_cast %get3A_134 : i32 to index
    %get3A_136 = arith.constant 16 : index
    %get3A_137 = tpu.vector_load %arg7[%get3A_135, %get3A_136] {strides = array<i32>} : memref<16x64xf32, #tpu.memory_space<vmem>>, vector<16xf32>,
    %add3A_138 = arith.addf %add3A_133, %get3A_137 : vector<16xf32>
    %get3A_139 = arith.constant 11 : i32
    %get3A_140 = arith.index_cast %get3A_139 : i32 to index
    %get3A_141 = arith.constant 16 : index
    %get3A_142 = tpu.vector_load %arg7[%get3A_140, %get3A_141] {strides = array<i32>} : memref<16x64xf32, #tpu.memory_space<vmem>>, vector<16xf32>,
    %add3A_143 = arith.addf %add3A_138, %get3A_142 : vector<16xf32>
    %get3A_144 = arith.constant 12 : i32
    %get3A_145 = arith.index_cast %get3A_144 : i32 to index
    %get3A_146 = arith.constant 16 : index
    %get3A_147 = tpu.vector_load %arg7[%get3A_145, %get3A_146] {strides = array<i32>} : memref<16x64xf32, #tpu.memory_space<vmem>>, vector<16xf32>,
    %add3A_148 = arith.addf %add3A_143, %get3A_147 : vector<16xf32>
    %get3A_149 = arith.constant 13 : i32
    %get3A_150 = arith.index_cast %get3A_149 : i32 to index
    %get3A_151 = arith.constant 16 : index
    %get3A_152 = tpu.vector_load %arg7[%get3A_150, %get3A_151] {strides = array<i32>} : memref<16x64xf32, #tpu.memory_space<vmem>>, vector<16xf32>,
    %add3A_153 = arith.addf %add3A_148, %get3A_152 : vector<16xf32>
    %get3A_154 = arith.constant 14 : i32
    %get3A_155 = arith.index_cast %get3A_154 : i32 to index
    %get3A_156 = arith.constant 16 : index
    %get3A_157 = tpu.vector_load %arg7[%get3A_155, %get3A_156] {strides = array<i32>} : memref<16x64xf32, #tpu.memory_space<vmem>>, vector<16xf32>,
    %add3A_158 = arith.addf %add3A_153, %get3A_157 : vector<16xf32>
    %get3A_159 = arith.constant 15 : i32
    %get3A_160 = arith.index_cast %get3A_159 : i32 to index
    %get3A_161 = arith.constant 16 : index
    %get3A_162 = tpu.vector_load %arg7[%get3A_160, %get3A_161] {strides = array<i32>} : memref<16x64xf32, #tpu.memory_space<vmem>>, vector<16xf32>,
    %add3A_163 = arith.addf %add3A_158, %get3A_162 : vector<16xf32>
    %mul3A_164 = arith.constant 6.250000e-02 : f32
    %mul3A_165 = vector.broadcast %mul3A_164 : f32 to vector<16xf32>
    %mul3A_166 = arith.mulf %add3A_163, %mul3A_165 : vector<16xf32>
    %swap3A_167 = arith.constant 16 : index
    %swap3A_168 = tpu.vector_load %arg8[%swap3A_167] {strides = array<i32>} : memref<64xf32, #tpu.memory_space<vmem>>, vector<16xf32>,
    tpu.vector_store %arg8[%swap3A_167], %mul3A_166 {strides = array<i32>} : memref<64xf32, #tpu.memory_space<vmem>>, vector<16xf32>,
    %get3A_169 = arith.constant 0 : i32
    %get3A_170 = arith.index_cast %get3A_169 : i32 to index
    %get3A_171 = arith.constant 32 : index
    %get3A_172 = tpu.vector_load %arg7[%get3A_170, %get3A_171] {strides = array<i32>} : memref<16x64xf32, #tpu.memory_space<vmem>>, vector<16xf32>,
    %get3A_173 = arith.constant 1 : i32
    %get3A_174 = arith.index_cast %get3A_173 : i32 to index
    %get3A_175 = arith.constant 32 : index
    %get3A_176 = tpu.vector_load %arg7[%get3A_174, %get3A_175] {strides = array<i32>} : memref<16x64xf32, #tpu.memory_space<vmem>>, vector<16xf32>,
    %add3A_177 = arith.addf %get3A_172, %get3A_176 : vector<16xf32>
    %get3A_178 = arith.constant 2 : i32
    %get3A_179 = arith.index_cast %get3A_178 : i32 to index
    %get3A_180 = arith.constant 32 : index
    %get3A_181 = tpu.vector_load %arg7[%get3A_179, %get3A_180] {strides = array<i32>} : memref<16x64xf32, #tpu.memory_space<vmem>>, vector<16xf32>,
    %add3A_182 = arith.addf %add3A_177, %get3A_181 : vector<16xf32>
    %get3A_183 = arith.constant 3 : i32
    %get3A_184 = arith.index_cast %get3A_183 : i32 to index
    %get3A_185 = arith.constant 32 : index
    %get3A_186 = tpu.vector_load %arg7[%get3A_184, %get3A_185] {strides = array<i32>} : memref<16x64xf32, #tpu.memory_space<vmem>>, vector<16xf32>,
    %add3A_187 = arith.addf %add3A_182, %get3A_186 : vector<16xf32>
    %get3A_188 = arith.constant 4 : i32
    %get3A_189 = arith.index_cast %get3A_188 : i32 to index
    %get3A_190 = arith.constant 32 : index
    %get3A_191 = tpu.vector_load %arg7[%get3A_189, %get3A_190] {strides = array<i32>} : memref<16x64xf32, #tpu.memory_space<vmem>>, vector<16xf32>,
    %add3A_192 = arith.addf %add3A_187, %get3A_191 : vector<16xf32>
    %get3A_193 = arith.constant 5 : i32
    %get3A_194 = arith.index_cast %get3A_193 : i32 to index
    %get3A_195 = arith.constant 32 : index
    %get3A_196 = tpu.vector_load %arg7[%get3A_194, %get3A_195] {strides = array<i32>} : memref<16x64xf32, #tpu.memory_space<vmem>>, vector<16xf32>,
    %add3A_197 = arith.addf %add3A_192, %get3A_196 : vector<16xf32>
    %get3A_198 = arith.constant 6 : i32
    %get3A_199 = arith.index_cast %get3A_198 : i32 to index
    %get3A_200 = arith.constant 32 : index
    %get3A_201 = tpu.vector_load %arg7[%get3A_199, %get3A_200] {strides = array<i32>} : memref<16x64xf32, #tpu.memory_space<vmem>>, vector<16xf32>,
    %add3A_202 = arith.addf %add3A_197, %get3A_201 : vector<16xf32>
    %get3A_203 = arith.constant 7 : i32
    %get3A_204 = arith.index_cast %get3A_203 : i32 to index
    %get3A_205 = arith.constant 32 : index
    %get3A_206 = tpu.vector_load %arg7[%get3A_204, %get3A_205] {strides = array<i32>} : memref<16x64xf32, #tpu.memory_space<vmem>>, vector<16xf32>,
    %add3A_207 = arith.addf %add3A_202, %get3A_206 : vector<16xf32>
    %get3A_208 = arith.constant 8 : i32
    %get3A_209 = arith.index_cast %get3A_208 : i32 to index
    %get3A_210 = arith.constant 32 : index
    %get3A_211 = tpu.vector_load %arg7[%get3A_209, %get3A_210] {strides = array<i32>} : memref<16x64xf32, #tpu.memory_space<vmem>>, vector<16xf32>,
    %add3A_212 = arith.addf %add3A_207, %get3A_211 : vector<16xf32>
    %get3A_213 = arith.constant 9 : i32
    %get3A_214 = arith.index_cast %get3A_213 : i32 to index
    %get3A_215 = arith.constant 32 : index
    %get3A_216 = tpu.vector_load %arg7[%get3A_214, %get3A_215] {strides = array<i32>} : memref<16x64xf32, #tpu.memory_space<vmem>>, vector<16xf32>,
    %add3A_217 = arith.addf %add3A_212, %get3A_216 : vector<16xf32>
    %get3A_218 = arith.constant 10 : i32
    %get3A_219 = arith.index_cast %get3A_218 : i32 to index
    %get3A_220 = arith.constant 32 : index
    %get3A_221 = tpu.vector_load %arg7[%get3A_219, %get3A_220] {strides = array<i32>} : memref<16x64xf32, #tpu.memory_space<vmem>>, vector<16xf32>,
    %add3A_222 = arith.addf %add3A_217, %get3A_221 : vector<16xf32>
    %get3A_223 = arith.constant 11 : i32
    %get3A_224 = arith.index_cast %get3A_223 : i32 to index
    %get3A_225 = arith.constant 32 : index
    %get3A_226 = tpu.vector_load %arg7[%get3A_224, %get3A_225] {strides = array<i32>} : memref<16x64xf32, #tpu.memory_space<vmem>>, vector<16xf32>,
    %add3A_227 = arith.addf %add3A_222, %get3A_226 : vector<16xf32>
    %get3A_228 = arith.constant 12 : i32
    %get3A_229 = arith.index_cast %get3A_228 : i32 to index
    %get3A_230 = arith.constant 32 : index
    %get3A_231 = tpu.vector_load %arg7[%get3A_229, %get3A_230] {strides = array<i32>} : memref<16x64xf32, #tpu.memory_space<vmem>>, vector<16xf32>,
    %add3A_232 = arith.addf %add3A_227, %get3A_231 : vector<16xf32>
    %get3A_233 = arith.constant 13 : i32
    %get3A_234 = arith.index_cast %get3A_233 : i32 to index
    %get3A_235 = arith.constant 32 : index
    %get3A_236 = tpu.vector_load %arg7[%get3A_234, %get3A_235] {strides = array<i32>} : memref<16x64xf32, #tpu.memory_space<vmem>>, vector<16xf32>,
    %add3A_237 = arith.addf %add3A_232, %get3A_236 : vector<16xf32>
    %get3A_238 = arith.constant 14 : i32
    %get3A_239 = arith.index_cast %get3A_238 : i32 to index
    %get3A_240 = arith.constant 32 : index
    %get3A_241 = tpu.vector_load %arg7[%get3A_239, %get3A_240] {strides = array<i32>} : memref<16x64xf32, #tpu.memory_space<vmem>>, vector<16xf32>,
    %add3A_242 = arith.addf %add3A_237, %get3A_241 : vector<16xf32>
    %get3A_243 = arith.constant 15 : i32
    %get3A_244 = arith.index_cast %get3A_243 : i32 to index
    %get3A_245 = arith.constant 32 : index
    %get3A_246 = tpu.vector_load %arg7[%get3A_244, %get3A_245] {strides = array<i32>} : memref<16x64xf32, #tpu.memory_space<vmem>>, vector<16xf32>,
    %add3A_247 = arith.addf %add3A_242, %get3A_246 : vector<16xf32>
    %mul3A_248 = arith.constant 6.250000e-02 : f32
    %mul3A_249 = vector.broadcast %mul3A_248 : f32 to vector<16xf32>
    %mul3A_250 = arith.mulf %add3A_247, %mul3A_249 : vector<16xf32>
    %swap3A_251 = arith.constant 32 : index
    %swap3A_252 = tpu.vector_load %arg8[%swap3A_251] {strides = array<i32>} : memref<64xf32, #tpu.memory_space<vmem>>, vector<16xf32>,
    tpu.vector_store %arg8[%swap3A_251], %mul3A_250 {strides = array<i32>} : memref<64xf32, #tpu.memory_space<vmem>>, vector<16xf32>,
    %get3A_253 = arith.constant 0 : i32
    %get3A_254 = arith.index_cast %get3A_253 : i32 to index
    %get3A_255 = arith.constant 48 : index
    %get3A_256 = tpu.vector_load %arg7[%get3A_254, %get3A_255] {strides = array<i32>} : memref<16x64xf32, #tpu.memory_space<vmem>>, vector<16xf32>,
    %get3A_257 = arith.constant 1 : i32
    %get3A_258 = arith.index_cast %get3A_257 : i32 to index
    %get3A_259 = arith.constant 48 : index
    %get3A_260 = tpu.vector_load %arg7[%get3A_258, %get3A_259] {strides = array<i32>} : memref<16x64xf32, #tpu.memory_space<vmem>>, vector<16xf32>,
    %add3A_261 = arith.addf %get3A_256, %get3A_260 : vector<16xf32>
    %get3A_262 = arith.constant 2 : i32
    %get3A_263 = arith.index_cast %get3A_262 : i32 to index
    %get3A_264 = arith.constant 48 : index
    %get3A_265 = tpu.vector_load %arg7[%get3A_263, %get3A_264] {strides = array<i32>} : memref<16x64xf32, #tpu.memory_space<vmem>>, vector<16xf32>,
    %add3A_266 = arith.addf %add3A_261, %get3A_265 : vector<16xf32>
    %get3A_267 = arith.constant 3 : i32
    %get3A_268 = arith.index_cast %get3A_267 : i32 to index
    %get3A_269 = arith.constant 48 : index
    %get3A_270 = tpu.vector_load %arg7[%get3A_268, %get3A_269] {strides = array<i32>} : memref<16x64xf32, #tpu.memory_space<vmem>>, vector<16xf32>,
    %add3A_271 = arith.addf %add3A_266, %get3A_270 : vector<16xf32>
    %get3A_272 = arith.constant 4 : i32
    %get3A_273 = arith.index_cast %get3A_272 : i32 to index
    %get3A_274 = arith.constant 48 : index
    %get3A_275 = tpu.vector_load %arg7[%get3A_273, %get3A_274] {strides = array<i32>} : memref<16x64xf32, #tpu.memory_space<vmem>>, vector<16xf32>,
    %add3A_276 = arith.addf %add3A_271, %get3A_275 : vector<16xf32>
    %get3A_277 = arith.constant 5 : i32
    %get3A_278 = arith.index_cast %get3A_277 : i32 to index
    %get3A_279 = arith.constant 48 : index
    %get3A_280 = tpu.vector_load %arg7[%get3A_278, %get3A_279] {strides = array<i32>} : memref<16x64xf32, #tpu.memory_space<vmem>>, vector<16xf32>,
    %add3A_281 = arith.addf %add3A_276, %get3A_280 : vector<16xf32>
    %get3A_282 = arith.constant 6 : i32
    %get3A_283 = arith.index_cast %get3A_282 : i32 to index
    %get3A_284 = arith.constant 48 : index
    %get3A_285 = tpu.vector_load %arg7[%get3A_283, %get3A_284] {strides = array<i32>} : memref<16x64xf32, #tpu.memory_space<vmem>>, vector<16xf32>,
    %add3A_286 = arith.addf %add3A_281, %get3A_285 : vector<16xf32>
    %get3A_287 = arith.constant 7 : i32
    %get3A_288 = arith.index_cast %get3A_287 : i32 to index
    %get3A_289 = arith.constant 48 : index
    %get3A_290 = tpu.vector_load %arg7[%get3A_288, %get3A_289] {strides = array<i32>} : memref<16x64xf32, #tpu.memory_space<vmem>>, vector<16xf32>,
    %add3A_291 = arith.addf %add3A_286, %get3A_290 : vector<16xf32>
    %get3A_292 = arith.constant 8 : i32
    %get3A_293 = arith.index_cast %get3A_292 : i32 to index
    %get3A_294 = arith.constant 48 : index
    %get3A_295 = tpu.vector_load %arg7[%get3A_293, %get3A_294] {strides = array<i32>} : memref<16x64xf32, #tpu.memory_space<vmem>>, vector<16xf32>,
    %add3A_296 = arith.addf %add3A_291, %get3A_295 : vector<16xf32>
    %get3A_297 = arith.constant 9 : i32
    %get3A_298 = arith.index_cast %get3A_297 : i32 to index
    %get3A_299 = arith.constant 48 : index
    %get3A_300 = tpu.vector_load %arg7[%get3A_298, %get3A_299] {strides = array<i32>} : memref<16x64xf32, #tpu.memory_space<vmem>>, vector<16xf32>,
    %add3A_301 = arith.addf %add3A_296, %get3A_300 : vector<16xf32>
    %get3A_302 = arith.constant 10 : i32
    %get3A_303 = arith.index_cast %get3A_302 : i32 to index
    %get3A_304 = arith.constant 48 : index
    %get3A_305 = tpu.vector_load %arg7[%get3A_303, %get3A_304] {strides = array<i32>} : memref<16x64xf32, #tpu.memory_space<vmem>>, vector<16xf32>,
    %add3A_306 = arith.addf %add3A_301, %get3A_305 : vector<16xf32>
    %get3A_307 = arith.constant 11 : i32
    %get3A_308 = arith.index_cast %get3A_307 : i32 to index
    %get3A_309 = arith.constant 48 : index
    %get3A_310 = tpu.vector_load %arg7[%get3A_308, %get3A_309] {strides = array<i32>} : memref<16x64xf32, #tpu.memory_space<vmem>>, vector<16xf32>,
    %add3A_311 = arith.addf %add3A_306, %get3A_310 : vector<16xf32>
    %get3A_312 = arith.constant 12 : i32
    %get3A_313 = arith.index_cast %get3A_312 : i32 to index
    %get3A_314 = arith.constant 48 : index
    %get3A_315 = tpu.vector_load %arg7[%get3A_313, %get3A_314] {strides = array<i32>} : memref<16x64xf32, #tpu.memory_space<vmem>>, vector<16xf32>,
    %add3A_316 = arith.addf %add3A_311, %get3A_315 : vector<16xf32>
    %get3A_317 = arith.constant 13 : i32
    %get3A_318 = arith.index_cast %get3A_317 : i32 to index
    %get3A_319 = arith.constant 48 : index
    %get3A_320 = tpu.vector_load %arg7[%get3A_318, %get3A_319] {strides = array<i32>} : memref<16x64xf32, #tpu.memory_space<vmem>>, vector<16xf32>,
    %add3A_321 = arith.addf %add3A_316, %get3A_320 : vector<16xf32>
    %get3A_322 = arith.constant 14 : i32
    %get3A_323 = arith.index_cast %get3A_322 : i32 to index
    %get3A_324 = arith.constant 48 : index
    %get3A_325 = tpu.vector_load %arg7[%get3A_323, %get3A_324] {strides = array<i32>} : memref<16x64xf32, #tpu.memory_space<vmem>>, vector<16xf32>,
    %add3A_326 = arith.addf %add3A_321, %get3A_325 : vector<16xf32>
    %get3A_327 = arith.constant 15 : i32
    %get3A_328 = arith.index_cast %get3A_327 : i32 to index
    %get3A_329 = arith.constant 48 : index
    %get3A_330 = tpu.vector_load %arg7[%get3A_328, %get3A_329] {strides = array<i32>} : memref<16x64xf32, #tpu.memory_space<vmem>>, vector<16xf32>,
    %add3A_331 = arith.addf %add3A_326, %get3A_330 : vector<16xf32>
    %mul3A_332 = arith.constant 6.250000e-02 : f32
    %mul3A_333 = vector.broadcast %mul3A_332 : f32 to vector<16xf32>
    %mul3A_334 = arith.mulf %add3A_331, %mul3A_333 : vector<16xf32>
    %swap3A_335 = arith.constant 48 : index
    %swap3A_336 = tpu.vector_load %arg8[%swap3A_335] {strides = array<i32>} : memref<64xf32, #tpu.memory_space<vmem>>, vector<16xf32>,
    tpu.vector_store %arg8[%swap3A_335], %mul3A_334 {strides = array<i32>} : memref<64xf32, #tpu.memory_space<vmem>>, vector<16xf32>,
    %iota3A = tpu.iota {dimensions = array<i32: 0>} : vector<16xi32>
    %broadcast_in_dim3A = arith.constant 0.000000e+00 : f32
    %broadcast_in_dim3A_337 = vector.broadcast %broadcast_in_dim3A : f32 to vector<16xf32>
    %scan3A = arith.constant 0 : i32
    %scan3A_338 = arith.constant 0 : i32
    %scan3A_339 = arith.constant 128 : i32
    %scan3A_340 = arith.addi %scan3A_338, %scan3A_339 : i32
    %scan3A_341 = arith.constant 1 : i32
    %scan3A_342 = scf.for %scan3A_1295 = %scan3A_338 to %scan3A_340 step %scan3A_341 iter_args(%scan3A_1296 = %scan3A) -> (i32)  : i32 {
      %swap3A_1297 = arith.index_cast %scan3A_1295 : i32 to index
      %swap3A_1298 = arith.constant 0 : index
      %swap3A_1299 = tpu.vector_load %arg9[%swap3A_1297, %swap3A_1298] {strides = array<i32>} : memref<128x128xf32, #tpu.memory_space<vmem>>, vector<16xf32>,
      tpu.vector_store %arg9[%swap3A_1297, %swap3A_1298], %broadcast_in_dim3A_337 {strides = array<i32>} : memref<128x128xf32, #tpu.memory_space<vmem>>, vector<16xf32>,
      %swap3A_1300 = arith.index_cast %scan3A_1295 : i32 to index
      %swap3A_1301 = arith.constant 16 : index
      %swap3A_1302 = tpu.vector_load %arg9[%swap3A_1300, %swap3A_1301] {strides = array<i32>} : memref<128x128xf32, #tpu.memory_space<vmem>>, vector<16xf32>,
      tpu.vector_store %arg9[%swap3A_1300, %swap3A_1301], %broadcast_in_dim3A_337 {strides = array<i32>} : memref<128x128xf32, #tpu.memory_space<vmem>>, vector<16xf32>,
      %swap3A_1303 = arith.index_cast %scan3A_1295 : i32 to index
      %swap3A_1304 = arith.constant 32 : index
      %swap3A_1305 = tpu.vector_load %arg9[%swap3A_1303, %swap3A_1304] {strides = array<i32>} : memref<128x128xf32, #tpu.memory_space<vmem>>, vector<16xf32>,
      tpu.vector_store %arg9[%swap3A_1303, %swap3A_1304], %broadcast_in_dim3A_337 {strides = array<i32>} : memref<128x128xf32, #tpu.memory_space<vmem>>, vector<16xf32>,
      %swap3A_1306 = arith.index_cast %scan3A_1295 : i32 to index
      %swap3A_1307 = arith.constant 48 : index
      %swap3A_1308 = tpu.vector_load %arg9[%swap3A_1306, %swap3A_1307] {strides = array<i32>} : memref<128x128xf32, #tpu.memory_space<vmem>>, vector<16xf32>,
      tpu.vector_store %arg9[%swap3A_1306, %swap3A_1307], %broadcast_in_dim3A_337 {strides = array<i32>} : memref<128x128xf32, #tpu.memory_space<vmem>>, vector<16xf32>,
      %scan3A_1309 = arith.constant 0 : i32
      scf.yield %scan3A_1309 : i32
    }
    %scan3A_343 = arith.constant 128 : i32
    %dma_start3A = arith.constant 0 : i32
    %dma_start3A_344 = arith.constant 0 : i32
    %dma_start3A_345 = tpu.memref_slice %arg6[%dma_start3A, %dma_start3A_344] : memref<16x512xi32, #tpu.memory_space<vmem>> -> memref<1x128xi32, #tpu.memory_space<vmem>>
    %dma_start3A_346 = tpu.memref_squeeze %dma_start3A_345 : memref<1x128xi32, #tpu.memory_space<vmem>> -> memref<128xi32, #tpu.memory_space<vmem>>
    %dma_start3A_347 = arith.constant 0 : i32
    %dma_start3A_348 = arith.constant 0 : i32
    %dma_start3A_349 = tpu.memref_slice %arg3[%dma_start3A_347, %dma_start3A_348] : memref<1000000x128xf32, #tpu.memory_space<hbm>> -> memref<1000000x128xf32, #tpu.memory_space<hbm>>
    tpu.enqueue_indirect_dma source(%dma_start3A_349 : memref<1000000x128xf32, #tpu.memory_space<hbm>>) target(%arg9 : memref<128x128xf32, #tpu.memory_space<vmem>>) offsets(%dma_start3A_346 : memref<128xi32, #tpu.memory_space<vmem>>) semaphore(%arg12 : memref<!tpu.dma_semaphore, #tpu.memory_space<semaphore_mem>>) {add = true}
    %dma_start3A_350 = arith.constant 1 : i32
    %dma_start3A_351 = arith.constant 0 : i32
    %dma_start3A_352 = tpu.memref_slice %arg6[%dma_start3A_350, %dma_start3A_351] : memref<16x512xi32, #tpu.memory_space<vmem>> -> memref<1x128xi32, #tpu.memory_space<vmem>>
    %dma_start3A_353 = tpu.memref_squeeze %dma_start3A_352 : memref<1x128xi32, #tpu.memory_space<vmem>> -> memref<128xi32, #tpu.memory_space<vmem>>
    %dma_start3A_354 = arith.constant 0 : i32
    %dma_start3A_355 = arith.constant 0 : i32
    %dma_start3A_356 = tpu.memref_slice %arg3[%dma_start3A_354, %dma_start3A_355] : memref<1000000x128xf32, #tpu.memory_space<hbm>> -> memref<1000000x128xf32, #tpu.memory_space<hbm>>
    tpu.enqueue_indirect_dma source(%dma_start3A_356 : memref<1000000x128xf32, #tpu.memory_space<hbm>>) target(%arg9 : memref<128x128xf32, #tpu.memory_space<vmem>>) offsets(%dma_start3A_353 : memref<128xi32, #tpu.memory_space<vmem>>) semaphore(%arg12 : memref<!tpu.dma_semaphore, #tpu.memory_space<semaphore_mem>>) {add = true}
    %dma_start3A_357 = arith.constant 2 : i32
    %dma_start3A_358 = arith.constant 0 : i32
    %dma_start3A_359 = tpu.memref_slice %arg6[%dma_start3A_357, %dma_start3A_358] : memref<16x512xi32, #tpu.memory_space<vmem>> -> memref<1x128xi32, #tpu.memory_space<vmem>>
    %dma_start3A_360 = tpu.memref_squeeze %dma_start3A_359 : memref<1x128xi32, #tpu.memory_space<vmem>> -> memref<128xi32, #tpu.memory_space<vmem>>
    %dma_start3A_361 = arith.constant 0 : i32
    %dma_start3A_362 = arith.constant 0 : i32
    %dma_start3A_363 = tpu.memref_slice %arg3[%dma_start3A_361, %dma_start3A_362] : memref<1000000x128xf32, #tpu.memory_space<hbm>> -> memref<1000000x128xf32, #tpu.memory_space<hbm>>
    tpu.enqueue_indirect_dma source(%dma_start3A_363 : memref<1000000x128xf32, #tpu.memory_space<hbm>>) target(%arg9 : memref<128x128xf32, #tpu.memory_space<vmem>>) offsets(%dma_start3A_360 : memref<128xi32, #tpu.memory_space<vmem>>) semaphore(%arg12 : memref<!tpu.dma_semaphore, #tpu.memory_space<semaphore_mem>>) {add = true}
    %dma_start3A_364 = arith.constant 3 : i32
    %dma_start3A_365 = arith.constant 0 : i32
    %dma_start3A_366 = tpu.memref_slice %arg6[%dma_start3A_364, %dma_start3A_365] : memref<16x512xi32, #tpu.memory_space<vmem>> -> memref<1x128xi32, #tpu.memory_space<vmem>>
    %dma_start3A_367 = tpu.memref_squeeze %dma_start3A_366 : memref<1x128xi32, #tpu.memory_space<vmem>> -> memref<128xi32, #tpu.memory_space<vmem>>
    %dma_start3A_368 = arith.constant 0 : i32
    %dma_start3A_369 = arith.constant 0 : i32
    %dma_start3A_370 = tpu.memref_slice %arg3[%dma_start3A_368, %dma_start3A_369] : memref<1000000x128xf32, #tpu.memory_space<hbm>> -> memref<1000000x128xf32, #tpu.memory_space<hbm>>
    tpu.enqueue_indirect_dma source(%dma_start3A_370 : memref<1000000x128xf32, #tpu.memory_space<hbm>>) target(%arg9 : memref<128x128xf32, #tpu.memory_space<vmem>>) offsets(%dma_start3A_367 : memref<128xi32, #tpu.memory_space<vmem>>) semaphore(%arg12 : memref<!tpu.dma_semaphore, #tpu.memory_space<semaphore_mem>>) {add = true}
    %dma_start3A_371 = arith.constant 4 : i32
    %dma_start3A_372 = arith.constant 0 : i32
    %dma_start3A_373 = tpu.memref_slice %arg6[%dma_start3A_371, %dma_start3A_372] : memref<16x512xi32, #tpu.memory_space<vmem>> -> memref<1x128xi32, #tpu.memory_space<vmem>>
    %dma_start3A_374 = tpu.memref_squeeze %dma_start3A_373 : memref<1x128xi32, #tpu.memory_space<vmem>> -> memref<128xi32, #tpu.memory_space<vmem>>
    %dma_start3A_375 = arith.constant 0 : i32
    %dma_start3A_376 = arith.constant 0 : i32
    %dma_start3A_377 = tpu.memref_slice %arg3[%dma_start3A_375, %dma_start3A_376] : memref<1000000x128xf32, #tpu.memory_space<hbm>> -> memref<1000000x128xf32, #tpu.memory_space<hbm>>
    tpu.enqueue_indirect_dma source(%dma_start3A_377 : memref<1000000x128xf32, #tpu.memory_space<hbm>>) target(%arg9 : memref<128x128xf32, #tpu.memory_space<vmem>>) offsets(%dma_start3A_374 : memref<128xi32, #tpu.memory_space<vmem>>) semaphore(%arg12 : memref<!tpu.dma_semaphore, #tpu.memory_space<semaphore_mem>>) {add = true}
    %dma_start3A_378 = arith.constant 5 : i32
    %dma_start3A_379 = arith.constant 0 : i32
    %dma_start3A_380 = tpu.memref_slice %arg6[%dma_start3A_378, %dma_start3A_379] : memref<16x512xi32, #tpu.memory_space<vmem>> -> memref<1x128xi32, #tpu.memory_space<vmem>>
    %dma_start3A_381 = tpu.memref_squeeze %dma_start3A_380 : memref<1x128xi32, #tpu.memory_space<vmem>> -> memref<128xi32, #tpu.memory_space<vmem>>
    %dma_start3A_382 = arith.constant 0 : i32
    %dma_start3A_383 = arith.constant 0 : i32
    %dma_start3A_384 = tpu.memref_slice %arg3[%dma_start3A_382, %dma_start3A_383] : memref<1000000x128xf32, #tpu.memory_space<hbm>> -> memref<1000000x128xf32, #tpu.memory_space<hbm>>
    tpu.enqueue_indirect_dma source(%dma_start3A_384 : memref<1000000x128xf32, #tpu.memory_space<hbm>>) target(%arg9 : memref<128x128xf32, #tpu.memory_space<vmem>>) offsets(%dma_start3A_381 : memref<128xi32, #tpu.memory_space<vmem>>) semaphore(%arg12 : memref<!tpu.dma_semaphore, #tpu.memory_space<semaphore_mem>>) {add = true}
    %dma_start3A_385 = arith.constant 6 : i32
    %dma_start3A_386 = arith.constant 0 : i32
    %dma_start3A_387 = tpu.memref_slice %arg6[%dma_start3A_385, %dma_start3A_386] : memref<16x512xi32, #tpu.memory_space<vmem>> -> memref<1x128xi32, #tpu.memory_space<vmem>>
    %dma_start3A_388 = tpu.memref_squeeze %dma_start3A_387 : memref<1x128xi32, #tpu.memory_space<vmem>> -> memref<128xi32, #tpu.memory_space<vmem>>
    %dma_start3A_389 = arith.constant 0 : i32
    %dma_start3A_390 = arith.constant 0 : i32
    %dma_start3A_391 = tpu.memref_slice %arg3[%dma_start3A_389, %dma_start3A_390] : memref<1000000x128xf32, #tpu.memory_space<hbm>> -> memref<1000000x128xf32, #tpu.memory_space<hbm>>
    tpu.enqueue_indirect_dma source(%dma_start3A_391 : memref<1000000x128xf32, #tpu.memory_space<hbm>>) target(%arg9 : memref<128x128xf32, #tpu.memory_space<vmem>>) offsets(%dma_start3A_388 : memref<128xi32, #tpu.memory_space<vmem>>) semaphore(%arg12 : memref<!tpu.dma_semaphore, #tpu.memory_space<semaphore_mem>>) {add = true}
    %dma_start3A_392 = arith.constant 7 : i32
    %dma_start3A_393 = arith.constant 0 : i32
    %dma_start3A_394 = tpu.memref_slice %arg6[%dma_start3A_392, %dma_start3A_393] : memref<16x512xi32, #tpu.memory_space<vmem>> -> memref<1x128xi32, #tpu.memory_space<vmem>>
    %dma_start3A_395 = tpu.memref_squeeze %dma_start3A_394 : memref<1x128xi32, #tpu.memory_space<vmem>> -> memref<128xi32, #tpu.memory_space<vmem>>
    %dma_start3A_396 = arith.constant 0 : i32
    %dma_start3A_397 = arith.constant 0 : i32
    %dma_start3A_398 = tpu.memref_slice %arg3[%dma_start3A_396, %dma_start3A_397] : memref<1000000x128xf32, #tpu.memory_space<hbm>> -> memref<1000000x128xf32, #tpu.memory_space<hbm>>
    tpu.enqueue_indirect_dma source(%dma_start3A_398 : memref<1000000x128xf32, #tpu.memory_space<hbm>>) target(%arg9 : memref<128x128xf32, #tpu.memory_space<vmem>>) offsets(%dma_start3A_395 : memref<128xi32, #tpu.memory_space<vmem>>) semaphore(%arg12 : memref<!tpu.dma_semaphore, #tpu.memory_space<semaphore_mem>>) {add = true}
    %dma_start3A_399 = arith.constant 8 : i32
    %dma_start3A_400 = arith.constant 0 : i32
    %dma_start3A_401 = tpu.memref_slice %arg6[%dma_start3A_399, %dma_start3A_400] : memref<16x512xi32, #tpu.memory_space<vmem>> -> memref<1x128xi32, #tpu.memory_space<vmem>>
    %dma_start3A_402 = tpu.memref_squeeze %dma_start3A_401 : memref<1x128xi32, #tpu.memory_space<vmem>> -> memref<128xi32, #tpu.memory_space<vmem>>
    %dma_start3A_403 = arith.constant 0 : i32
    %dma_start3A_404 = arith.constant 0 : i32
    %dma_start3A_405 = tpu.memref_slice %arg3[%dma_start3A_403, %dma_start3A_404] : memref<1000000x128xf32, #tpu.memory_space<hbm>> -> memref<1000000x128xf32, #tpu.memory_space<hbm>>
    tpu.enqueue_indirect_dma source(%dma_start3A_405 : memref<1000000x128xf32, #tpu.memory_space<hbm>>) target(%arg9 : memref<128x128xf32, #tpu.memory_space<vmem>>) offsets(%dma_start3A_402 : memref<128xi32, #tpu.memory_space<vmem>>) semaphore(%arg12 : memref<!tpu.dma_semaphore, #tpu.memory_space<semaphore_mem>>) {add = true}
    %dma_start3A_406 = arith.constant 9 : i32
    %dma_start3A_407 = arith.constant 0 : i32
    %dma_start3A_408 = tpu.memref_slice %arg6[%dma_start3A_406, %dma_start3A_407] : memref<16x512xi32, #tpu.memory_space<vmem>> -> memref<1x128xi32, #tpu.memory_space<vmem>>
    %dma_start3A_409 = tpu.memref_squeeze %dma_start3A_408 : memref<1x128xi32, #tpu.memory_space<vmem>> -> memref<128xi32, #tpu.memory_space<vmem>>
    %dma_start3A_410 = arith.constant 0 : i32
    %dma_start3A_411 = arith.constant 0 : i32
    %dma_start3A_412 = tpu.memref_slice %arg3[%dma_start3A_410, %dma_start3A_411] : memref<1000000x128xf32, #tpu.memory_space<hbm>> -> memref<1000000x128xf32, #tpu.memory_space<hbm>>
    tpu.enqueue_indirect_dma source(%dma_start3A_412 : memref<1000000x128xf32, #tpu.memory_space<hbm>>) target(%arg9 : memref<128x128xf32, #tpu.memory_space<vmem>>) offsets(%dma_start3A_409 : memref<128xi32, #tpu.memory_space<vmem>>) semaphore(%arg12 : memref<!tpu.dma_semaphore, #tpu.memory_space<semaphore_mem>>) {add = true}
    %dma_start3A_413 = arith.constant 10 : i32
    %dma_start3A_414 = arith.constant 0 : i32
    %dma_start3A_415 = tpu.memref_slice %arg6[%dma_start3A_413, %dma_start3A_414] : memref<16x512xi32, #tpu.memory_space<vmem>> -> memref<1x128xi32, #tpu.memory_space<vmem>>
    %dma_start3A_416 = tpu.memref_squeeze %dma_start3A_415 : memref<1x128xi32, #tpu.memory_space<vmem>> -> memref<128xi32, #tpu.memory_space<vmem>>
    %dma_start3A_417 = arith.constant 0 : i32
    %dma_start3A_418 = arith.constant 0 : i32
    %dma_start3A_419 = tpu.memref_slice %arg3[%dma_start3A_417, %dma_start3A_418] : memref<1000000x128xf32, #tpu.memory_space<hbm>> -> memref<1000000x128xf32, #tpu.memory_space<hbm>>
    tpu.enqueue_indirect_dma source(%dma_start3A_419 : memref<1000000x128xf32, #tpu.memory_space<hbm>>) target(%arg9 : memref<128x128xf32, #tpu.memory_space<vmem>>) offsets(%dma_start3A_416 : memref<128xi32, #tpu.memory_space<vmem>>) semaphore(%arg12 : memref<!tpu.dma_semaphore, #tpu.memory_space<semaphore_mem>>) {add = true}
    %dma_start3A_420 = arith.constant 11 : i32
    %dma_start3A_421 = arith.constant 0 : i32
    %dma_start3A_422 = tpu.memref_slice %arg6[%dma_start3A_420, %dma_start3A_421] : memref<16x512xi32, #tpu.memory_space<vmem>> -> memref<1x128xi32, #tpu.memory_space<vmem>>
    %dma_start3A_423 = tpu.memref_squeeze %dma_start3A_422 : memref<1x128xi32, #tpu.memory_space<vmem>> -> memref<128xi32, #tpu.memory_space<vmem>>
    %dma_start3A_424 = arith.constant 0 : i32
    %dma_start3A_425 = arith.constant 0 : i32
    %dma_start3A_426 = tpu.memref_slice %arg3[%dma_start3A_424, %dma_start3A_425] : memref<1000000x128xf32, #tpu.memory_space<hbm>> -> memref<1000000x128xf32, #tpu.memory_space<hbm>>
    tpu.enqueue_indirect_dma source(%dma_start3A_426 : memref<1000000x128xf32, #tpu.memory_space<hbm>>) target(%arg9 : memref<128x128xf32, #tpu.memory_space<vmem>>) offsets(%dma_start3A_423 : memref<128xi32, #tpu.memory_space<vmem>>) semaphore(%arg12 : memref<!tpu.dma_semaphore, #tpu.memory_space<semaphore_mem>>) {add = true}
    %dma_start3A_427 = arith.constant 12 : i32
    %dma_start3A_428 = arith.constant 0 : i32
    %dma_start3A_429 = tpu.memref_slice %arg6[%dma_start3A_427, %dma_start3A_428] : memref<16x512xi32, #tpu.memory_space<vmem>> -> memref<1x128xi32, #tpu.memory_space<vmem>>
    %dma_start3A_430 = tpu.memref_squeeze %dma_start3A_429 : memref<1x128xi32, #tpu.memory_space<vmem>> -> memref<128xi32, #tpu.memory_space<vmem>>
    %dma_start3A_431 = arith.constant 0 : i32
    %dma_start3A_432 = arith.constant 0 : i32
    %dma_start3A_433 = tpu.memref_slice %arg3[%dma_start3A_431, %dma_start3A_432] : memref<1000000x128xf32, #tpu.memory_space<hbm>> -> memref<1000000x128xf32, #tpu.memory_space<hbm>>
    tpu.enqueue_indirect_dma source(%dma_start3A_433 : memref<1000000x128xf32, #tpu.memory_space<hbm>>) target(%arg9 : memref<128x128xf32, #tpu.memory_space<vmem>>) offsets(%dma_start3A_430 : memref<128xi32, #tpu.memory_space<vmem>>) semaphore(%arg12 : memref<!tpu.dma_semaphore, #tpu.memory_space<semaphore_mem>>) {add = true}
    %dma_start3A_434 = arith.constant 13 : i32
    %dma_start3A_435 = arith.constant 0 : i32
    %dma_start3A_436 = tpu.memref_slice %arg6[%dma_start3A_434, %dma_start3A_435] : memref<16x512xi32, #tpu.memory_space<vmem>> -> memref<1x128xi32, #tpu.memory_space<vmem>>
    %dma_start3A_437 = tpu.memref_squeeze %dma_start3A_436 : memref<1x128xi32, #tpu.memory_space<vmem>> -> memref<128xi32, #tpu.memory_space<vmem>>
    %dma_start3A_438 = arith.constant 0 : i32
    %dma_start3A_439 = arith.constant 0 : i32
    %dma_start3A_440 = tpu.memref_slice %arg3[%dma_start3A_438, %dma_start3A_439] : memref<1000000x128xf32, #tpu.memory_space<hbm>> -> memref<1000000x128xf32, #tpu.memory_space<hbm>>
    tpu.enqueue_indirect_dma source(%dma_start3A_440 : memref<1000000x128xf32, #tpu.memory_space<hbm>>) target(%arg9 : memref<128x128xf32, #tpu.memory_space<vmem>>) offsets(%dma_start3A_437 : memref<128xi32, #tpu.memory_space<vmem>>) semaphore(%arg12 : memref<!tpu.dma_semaphore, #tpu.memory_space<semaphore_mem>>) {add = true}
    %dma_start3A_441 = arith.constant 14 : i32
    %dma_start3A_442 = arith.constant 0 : i32
    %dma_start3A_443 = tpu.memref_slice %arg6[%dma_start3A_441, %dma_start3A_442] : memref<16x512xi32, #tpu.memory_space<vmem>> -> memref<1x128xi32, #tpu.memory_space<vmem>>
    %dma_start3A_444 = tpu.memref_squeeze %dma_start3A_443 : memref<1x128xi32, #tpu.memory_space<vmem>> -> memref<128xi32, #tpu.memory_space<vmem>>
    %dma_start3A_445 = arith.constant 0 : i32
    %dma_start3A_446 = arith.constant 0 : i32
    %dma_start3A_447 = tpu.memref_slice %arg3[%dma_start3A_445, %dma_start3A_446] : memref<1000000x128xf32, #tpu.memory_space<hbm>> -> memref<1000000x128xf32, #tpu.memory_space<hbm>>
    tpu.enqueue_indirect_dma source(%dma_start3A_447 : memref<1000000x128xf32, #tpu.memory_space<hbm>>) target(%arg9 : memref<128x128xf32, #tpu.memory_space<vmem>>) offsets(%dma_start3A_444 : memref<128xi32, #tpu.memory_space<vmem>>) semaphore(%arg12 : memref<!tpu.dma_semaphore, #tpu.memory_space<semaphore_mem>>) {add = true}
    %dma_start3A_448 = arith.constant 15 : i32
    %dma_start3A_449 = arith.constant 0 : i32
    %dma_start3A_450 = tpu.memref_slice %arg6[%dma_start3A_448, %dma_start3A_449] : memref<16x512xi32, #tpu.memory_space<vmem>> -> memref<1x128xi32, #tpu.memory_space<vmem>>
    %dma_start3A_451 = tpu.memref_squeeze %dma_start3A_450 : memref<1x128xi32, #tpu.memory_space<vmem>> -> memref<128xi32, #tpu.memory_space<vmem>>
    %dma_start3A_452 = arith.constant 0 : i32
    %dma_start3A_453 = arith.constant 0 : i32
    %dma_start3A_454 = tpu.memref_slice %arg3[%dma_start3A_452, %dma_start3A_453] : memref<1000000x128xf32, #tpu.memory_space<hbm>> -> memref<1000000x128xf32, #tpu.memory_space<hbm>>
    tpu.enqueue_indirect_dma source(%dma_start3A_454 : memref<1000000x128xf32, #tpu.memory_space<hbm>>) target(%arg9 : memref<128x128xf32, #tpu.memory_space<vmem>>) offsets(%dma_start3A_451 : memref<128xi32, #tpu.memory_space<vmem>>) semaphore(%arg12 : memref<!tpu.dma_semaphore, #tpu.memory_space<semaphore_mem>>) {add = true}
    %scan3A_455 = arith.constant 0 : i32
    %scan3A_456 = arith.constant 0 : i32
    %scan3A_457 = arith.constant 128 : i32
    %scan3A_458 = arith.addi %scan3A_456, %scan3A_457 : i32
    %scan3A_459 = arith.constant 1 : i32
    %scan3A_460 = scf.for %scan3A_1295 = %scan3A_456 to %scan3A_458 step %scan3A_459 iter_args(%scan3A_1296 = %scan3A_455) -> (i32)  : i32 {
      %swap3A_1297 = arith.index_cast %scan3A_1295 : i32 to index
      %swap3A_1298 = arith.constant 0 : index
      %swap3A_1299 = tpu.vector_load %arg10[%swap3A_1297, %swap3A_1298] {strides = array<i32>} : memref<128x128xf32, #tpu.memory_space<vmem>>, vector<16xf32>,
      tpu.vector_store %arg10[%swap3A_1297, %swap3A_1298], %broadcast_in_dim3A_337 {strides = array<i32>} : memref<128x128xf32, #tpu.memory_space<vmem>>, vector<16xf32>,
      %swap3A_1300 = arith.index_cast %scan3A_1295 : i32 to index
      %swap3A_1301 = arith.constant 16 : index
      %swap3A_1302 = tpu.vector_load %arg10[%swap3A_1300, %swap3A_1301] {strides = array<i32>} : memref<128x128xf32, #tpu.memory_space<vmem>>, vector<16xf32>,
      tpu.vector_store %arg10[%swap3A_1300, %swap3A_1301], %broadcast_in_dim3A_337 {strides = array<i32>} : memref<128x128xf32, #tpu.memory_space<vmem>>, vector<16xf32>,
      %swap3A_1303 = arith.index_cast %scan3A_1295 : i32 to index
      %swap3A_1304 = arith.constant 32 : index
      %swap3A_1305 = tpu.vector_load %arg10[%swap3A_1303, %swap3A_1304] {strides = array<i32>} : memref<128x128xf32, #tpu.memory_space<vmem>>, vector<16xf32>,
      tpu.vector_store %arg10[%swap3A_1303, %swap3A_1304], %broadcast_in_dim3A_337 {strides = array<i32>} : memref<128x128xf32, #tpu.memory_space<vmem>>, vector<16xf32>,
      %swap3A_1306 = arith.index_cast %scan3A_1295 : i32 to index
      %swap3A_1307 = arith.constant 48 : index
      %swap3A_1308 = tpu.vector_load %arg10[%swap3A_1306, %swap3A_1307] {strides = array<i32>} : memref<128x128xf32, #tpu.memory_space<vmem>>, vector<16xf32>,
      tpu.vector_store %arg10[%swap3A_1306, %swap3A_1307], %broadcast_in_dim3A_337 {strides = array<i32>} : memref<128x128xf32, #tpu.memory_space<vmem>>, vector<16xf32>,
      %scan3A_1309 = arith.constant 0 : i32
      scf.yield %scan3A_1309 : i32
    }
    %scan3A_461 = arith.constant 128 : i32
    %dma_start3A_462 = arith.constant 0 : i32
    %dma_start3A_463 = arith.constant 128 : i32
    %dma_start3A_464 = tpu.memref_slice %arg6[%dma_start3A_462, %dma_start3A_463] : memref<16x512xi32, #tpu.memory_space<vmem>> -> memref<1x128xi32, #tpu.memory_space<vmem>>
    %dma_start3A_465 = tpu.memref_squeeze %dma_start3A_464 : memref<1x128xi32, #tpu.memory_space<vmem>> -> memref<128xi32, #tpu.memory_space<vmem>>
    %dma_start3A_466 = arith.constant 0 : i32
    %dma_start3A_467 = arith.constant 0 : i32
    %dma_start3A_468 = tpu.memref_slice %arg3[%dma_start3A_466, %dma_start3A_467] : memref<1000000x128xf32, #tpu.memory_space<hbm>> -> memref<1000000x128xf32, #tpu.memory_space<hbm>>
    tpu.enqueue_indirect_dma source(%dma_start3A_468 : memref<1000000x128xf32, #tpu.memory_space<hbm>>) target(%arg10 : memref<128x128xf32, #tpu.memory_space<vmem>>) offsets(%dma_start3A_465 : memref<128xi32, #tpu.memory_space<vmem>>) semaphore(%arg13 : memref<!tpu.dma_semaphore, #tpu.memory_space<semaphore_mem>>) {add = true}
    %dma_start3A_469 = arith.constant 1 : i32
    %dma_start3A_470 = arith.constant 128 : i32
    %dma_start3A_471 = tpu.memref_slice %arg6[%dma_start3A_469, %dma_start3A_470] : memref<16x512xi32, #tpu.memory_space<vmem>> -> memref<1x128xi32, #tpu.memory_space<vmem>>
    %dma_start3A_472 = tpu.memref_squeeze %dma_start3A_471 : memref<1x128xi32, #tpu.memory_space<vmem>> -> memref<128xi32, #tpu.memory_space<vmem>>
    %dma_start3A_473 = arith.constant 0 : i32
    %dma_start3A_474 = arith.constant 0 : i32
    %dma_start3A_475 = tpu.memref_slice %arg3[%dma_start3A_473, %dma_start3A_474] : memref<1000000x128xf32, #tpu.memory_space<hbm>> -> memref<1000000x128xf32, #tpu.memory_space<hbm>>
    tpu.enqueue_indirect_dma source(%dma_start3A_475 : memref<1000000x128xf32, #tpu.memory_space<hbm>>) target(%arg10 : memref<128x128xf32, #tpu.memory_space<vmem>>) offsets(%dma_start3A_472 : memref<128xi32, #tpu.memory_space<vmem>>) semaphore(%arg13 : memref<!tpu.dma_semaphore, #tpu.memory_space<semaphore_mem>>) {add = true}
    %dma_start3A_476 = arith.constant 2 : i32
    %dma_start3A_477 = arith.constant 128 : i32
    %dma_start3A_478 = tpu.memref_slice %arg6[%dma_start3A_476, %dma_start3A_477] : memref<16x512xi32, #tpu.memory_space<vmem>> -> memref<1x128xi32, #tpu.memory_space<vmem>>
    %dma_start3A_479 = tpu.memref_squeeze %dma_start3A_478 : memref<1x128xi32, #tpu.memory_space<vmem>> -> memref<128xi32, #tpu.memory_space<vmem>>
    %dma_start3A_480 = arith.constant 0 : i32
    %dma_start3A_481 = arith.constant 0 : i32
    %dma_start3A_482 = tpu.memref_slice %arg3[%dma_start3A_480, %dma_start3A_481] : memref<1000000x128xf32, #tpu.memory_space<hbm>> -> memref<1000000x128xf32, #tpu.memory_space<hbm>>
    tpu.enqueue_indirect_dma source(%dma_start3A_482 : memref<1000000x128xf32, #tpu.memory_space<hbm>>) target(%arg10 : memref<128x128xf32, #tpu.memory_space<vmem>>) offsets(%dma_start3A_479 : memref<128xi32, #tpu.memory_space<vmem>>) semaphore(%arg13 : memref<!tpu.dma_semaphore, #tpu.memory_space<semaphore_mem>>) {add = true}
    %dma_start3A_483 = arith.constant 3 : i32
    %dma_start3A_484 = arith.constant 128 : i32
    %dma_start3A_485 = tpu.memref_slice %arg6[%dma_start3A_483, %dma_start3A_484] : memref<16x512xi32, #tpu.memory_space<vmem>> -> memref<1x128xi32, #tpu.memory_space<vmem>>
    %dma_start3A_486 = tpu.memref_squeeze %dma_start3A_485 : memref<1x128xi32, #tpu.memory_space<vmem>> -> memref<128xi32, #tpu.memory_space<vmem>>
    %dma_start3A_487 = arith.constant 0 : i32
    %dma_start3A_488 = arith.constant 0 : i32
    %dma_start3A_489 = tpu.memref_slice %arg3[%dma_start3A_487, %dma_start3A_488] : memref<1000000x128xf32, #tpu.memory_space<hbm>> -> memref<1000000x128xf32, #tpu.memory_space<hbm>>
    tpu.enqueue_indirect_dma source(%dma_start3A_489 : memref<1000000x128xf32, #tpu.memory_space<hbm>>) target(%arg10 : memref<128x128xf32, #tpu.memory_space<vmem>>) offsets(%dma_start3A_486 : memref<128xi32, #tpu.memory_space<vmem>>) semaphore(%arg13 : memref<!tpu.dma_semaphore, #tpu.memory_space<semaphore_mem>>) {add = true}
    %dma_start3A_490 = arith.constant 4 : i32
    %dma_start3A_491 = arith.constant 128 : i32
    %dma_start3A_492 = tpu.memref_slice %arg6[%dma_start3A_490, %dma_start3A_491] : memref<16x512xi32, #tpu.memory_space<vmem>> -> memref<1x128xi32, #tpu.memory_space<vmem>>
    %dma_start3A_493 = tpu.memref_squeeze %dma_start3A_492 : memref<1x128xi32, #tpu.memory_space<vmem>> -> memref<128xi32, #tpu.memory_space<vmem>>
    %dma_start3A_494 = arith.constant 0 : i32
    %dma_start3A_495 = arith.constant 0 : i32
    %dma_start3A_496 = tpu.memref_slice %arg3[%dma_start3A_494, %dma_start3A_495] : memref<1000000x128xf32, #tpu.memory_space<hbm>> -> memref<1000000x128xf32, #tpu.memory_space<hbm>>
    tpu.enqueue_indirect_dma source(%dma_start3A_496 : memref<1000000x128xf32, #tpu.memory_space<hbm>>) target(%arg10 : memref<128x128xf32, #tpu.memory_space<vmem>>) offsets(%dma_start3A_493 : memref<128xi32, #tpu.memory_space<vmem>>) semaphore(%arg13 : memref<!tpu.dma_semaphore, #tpu.memory_space<semaphore_mem>>) {add = true}
    %dma_start3A_497 = arith.constant 5 : i32
    %dma_start3A_498 = arith.constant 128 : i32
    %dma_start3A_499 = tpu.memref_slice %arg6[%dma_start3A_497, %dma_start3A_498] : memref<16x512xi32, #tpu.memory_space<vmem>> -> memref<1x128xi32, #tpu.memory_space<vmem>>
    %dma_start3A_500 = tpu.memref_squeeze %dma_start3A_499 : memref<1x128xi32, #tpu.memory_space<vmem>> -> memref<128xi32, #tpu.memory_space<vmem>>
    %dma_start3A_501 = arith.constant 0 : i32
    %dma_start3A_502 = arith.constant 0 : i32
    %dma_start3A_503 = tpu.memref_slice %arg3[%dma_start3A_501, %dma_start3A_502] : memref<1000000x128xf32, #tpu.memory_space<hbm>> -> memref<1000000x128xf32, #tpu.memory_space<hbm>>
    tpu.enqueue_indirect_dma source(%dma_start3A_503 : memref<1000000x128xf32, #tpu.memory_space<hbm>>) target(%arg10 : memref<128x128xf32, #tpu.memory_space<vmem>>) offsets(%dma_start3A_500 : memref<128xi32, #tpu.memory_space<vmem>>) semaphore(%arg13 : memref<!tpu.dma_semaphore, #tpu.memory_space<semaphore_mem>>) {add = true}
    %dma_start3A_504 = arith.constant 6 : i32
    %dma_start3A_505 = arith.constant 128 : i32
    %dma_start3A_506 = tpu.memref_slice %arg6[%dma_start3A_504, %dma_start3A_505] : memref<16x512xi32, #tpu.memory_space<vmem>> -> memref<1x128xi32, #tpu.memory_space<vmem>>
    %dma_start3A_507 = tpu.memref_squeeze %dma_start3A_506 : memref<1x128xi32, #tpu.memory_space<vmem>> -> memref<128xi32, #tpu.memory_space<vmem>>
    %dma_start3A_508 = arith.constant 0 : i32
    %dma_start3A_509 = arith.constant 0 : i32
    %dma_start3A_510 = tpu.memref_slice %arg3[%dma_start3A_508, %dma_start3A_509] : memref<1000000x128xf32, #tpu.memory_space<hbm>> -> memref<1000000x128xf32, #tpu.memory_space<hbm>>
    tpu.enqueue_indirect_dma source(%dma_start3A_510 : memref<1000000x128xf32, #tpu.memory_space<hbm>>) target(%arg10 : memref<128x128xf32, #tpu.memory_space<vmem>>) offsets(%dma_start3A_507 : memref<128xi32, #tpu.memory_space<vmem>>) semaphore(%arg13 : memref<!tpu.dma_semaphore, #tpu.memory_space<semaphore_mem>>) {add = true}
    %dma_start3A_511 = arith.constant 7 : i32
    %dma_start3A_512 = arith.constant 128 : i32
    %dma_start3A_513 = tpu.memref_slice %arg6[%dma_start3A_511, %dma_start3A_512] : memref<16x512xi32, #tpu.memory_space<vmem>> -> memref<1x128xi32, #tpu.memory_space<vmem>>
    %dma_start3A_514 = tpu.memref_squeeze %dma_start3A_513 : memref<1x128xi32, #tpu.memory_space<vmem>> -> memref<128xi32, #tpu.memory_space<vmem>>
    %dma_start3A_515 = arith.constant 0 : i32
    %dma_start3A_516 = arith.constant 0 : i32
    %dma_start3A_517 = tpu.memref_slice %arg3[%dma_start3A_515, %dma_start3A_516] : memref<1000000x128xf32, #tpu.memory_space<hbm>> -> memref<1000000x128xf32, #tpu.memory_space<hbm>>
    tpu.enqueue_indirect_dma source(%dma_start3A_517 : memref<1000000x128xf32, #tpu.memory_space<hbm>>) target(%arg10 : memref<128x128xf32, #tpu.memory_space<vmem>>) offsets(%dma_start3A_514 : memref<128xi32, #tpu.memory_space<vmem>>) semaphore(%arg13 : memref<!tpu.dma_semaphore, #tpu.memory_space<semaphore_mem>>) {add = true}
    %dma_start3A_518 = arith.constant 8 : i32
    %dma_start3A_519 = arith.constant 128 : i32
    %dma_start3A_520 = tpu.memref_slice %arg6[%dma_start3A_518, %dma_start3A_519] : memref<16x512xi32, #tpu.memory_space<vmem>> -> memref<1x128xi32, #tpu.memory_space<vmem>>
    %dma_start3A_521 = tpu.memref_squeeze %dma_start3A_520 : memref<1x128xi32, #tpu.memory_space<vmem>> -> memref<128xi32, #tpu.memory_space<vmem>>
    %dma_start3A_522 = arith.constant 0 : i32
    %dma_start3A_523 = arith.constant 0 : i32
    %dma_start3A_524 = tpu.memref_slice %arg3[%dma_start3A_522, %dma_start3A_523] : memref<1000000x128xf32, #tpu.memory_space<hbm>> -> memref<1000000x128xf32, #tpu.memory_space<hbm>>
    tpu.enqueue_indirect_dma source(%dma_start3A_524 : memref<1000000x128xf32, #tpu.memory_space<hbm>>) target(%arg10 : memref<128x128xf32, #tpu.memory_space<vmem>>) offsets(%dma_start3A_521 : memref<128xi32, #tpu.memory_space<vmem>>) semaphore(%arg13 : memref<!tpu.dma_semaphore, #tpu.memory_space<semaphore_mem>>) {add = true}
    %dma_start3A_525 = arith.constant 9 : i32
    %dma_start3A_526 = arith.constant 128 : i32
    %dma_start3A_527 = tpu.memref_slice %arg6[%dma_start3A_525, %dma_start3A_526] : memref<16x512xi32, #tpu.memory_space<vmem>> -> memref<1x128xi32, #tpu.memory_space<vmem>>
    %dma_start3A_528 = tpu.memref_squeeze %dma_start3A_527 : memref<1x128xi32, #tpu.memory_space<vmem>> -> memref<128xi32, #tpu.memory_space<vmem>>
    %dma_start3A_529 = arith.constant 0 : i32
    %dma_start3A_530 = arith.constant 0 : i32
    %dma_start3A_531 = tpu.memref_slice %arg3[%dma_start3A_529, %dma_start3A_530] : memref<1000000x128xf32, #tpu.memory_space<hbm>> -> memref<1000000x128xf32, #tpu.memory_space<hbm>>
    tpu.enqueue_indirect_dma source(%dma_start3A_531 : memref<1000000x128xf32, #tpu.memory_space<hbm>>) target(%arg10 : memref<128x128xf32, #tpu.memory_space<vmem>>) offsets(%dma_start3A_528 : memref<128xi32, #tpu.memory_space<vmem>>) semaphore(%arg13 : memref<!tpu.dma_semaphore, #tpu.memory_space<semaphore_mem>>) {add = true}
    %dma_start3A_532 = arith.constant 10 : i32
    %dma_start3A_533 = arith.constant 128 : i32
    %dma_start3A_534 = tpu.memref_slice %arg6[%dma_start3A_532, %dma_start3A_533] : memref<16x512xi32, #tpu.memory_space<vmem>> -> memref<1x128xi32, #tpu.memory_space<vmem>>
    %dma_start3A_535 = tpu.memref_squeeze %dma_start3A_534 : memref<1x128xi32, #tpu.memory_space<vmem>> -> memref<128xi32, #tpu.memory_space<vmem>>
    %dma_start3A_536 = arith.constant 0 : i32
    %dma_start3A_537 = arith.constant 0 : i32
    %dma_start3A_538 = tpu.memref_slice %arg3[%dma_start3A_536, %dma_start3A_537] : memref<1000000x128xf32, #tpu.memory_space<hbm>> -> memref<1000000x128xf32, #tpu.memory_space<hbm>>
    tpu.enqueue_indirect_dma source(%dma_start3A_538 : memref<1000000x128xf32, #tpu.memory_space<hbm>>) target(%arg10 : memref<128x128xf32, #tpu.memory_space<vmem>>) offsets(%dma_start3A_535 : memref<128xi32, #tpu.memory_space<vmem>>) semaphore(%arg13 : memref<!tpu.dma_semaphore, #tpu.memory_space<semaphore_mem>>) {add = true}
    %dma_start3A_539 = arith.constant 11 : i32
    %dma_start3A_540 = arith.constant 128 : i32
    %dma_start3A_541 = tpu.memref_slice %arg6[%dma_start3A_539, %dma_start3A_540] : memref<16x512xi32, #tpu.memory_space<vmem>> -> memref<1x128xi32, #tpu.memory_space<vmem>>
    %dma_start3A_542 = tpu.memref_squeeze %dma_start3A_541 : memref<1x128xi32, #tpu.memory_space<vmem>> -> memref<128xi32, #tpu.memory_space<vmem>>
    %dma_start3A_543 = arith.constant 0 : i32
    %dma_start3A_544 = arith.constant 0 : i32
    %dma_start3A_545 = tpu.memref_slice %arg3[%dma_start3A_543, %dma_start3A_544] : memref<1000000x128xf32, #tpu.memory_space<hbm>> -> memref<1000000x128xf32, #tpu.memory_space<hbm>>
    tpu.enqueue_indirect_dma source(%dma_start3A_545 : memref<1000000x128xf32, #tpu.memory_space<hbm>>) target(%arg10 : memref<128x128xf32, #tpu.memory_space<vmem>>) offsets(%dma_start3A_542 : memref<128xi32, #tpu.memory_space<vmem>>) semaphore(%arg13 : memref<!tpu.dma_semaphore, #tpu.memory_space<semaphore_mem>>) {add = true}
    %dma_start3A_546 = arith.constant 12 : i32
    %dma_start3A_547 = arith.constant 128 : i32
    %dma_start3A_548 = tpu.memref_slice %arg6[%dma_start3A_546, %dma_start3A_547] : memref<16x512xi32, #tpu.memory_space<vmem>> -> memref<1x128xi32, #tpu.memory_space<vmem>>
    %dma_start3A_549 = tpu.memref_squeeze %dma_start3A_548 : memref<1x128xi32, #tpu.memory_space<vmem>> -> memref<128xi32, #tpu.memory_space<vmem>>
    %dma_start3A_550 = arith.constant 0 : i32
    %dma_start3A_551 = arith.constant 0 : i32
    %dma_start3A_552 = tpu.memref_slice %arg3[%dma_start3A_550, %dma_start3A_551] : memref<1000000x128xf32, #tpu.memory_space<hbm>> -> memref<1000000x128xf32, #tpu.memory_space<hbm>>
    tpu.enqueue_indirect_dma source(%dma_start3A_552 : memref<1000000x128xf32, #tpu.memory_space<hbm>>) target(%arg10 : memref<128x128xf32, #tpu.memory_space<vmem>>) offsets(%dma_start3A_549 : memref<128xi32, #tpu.memory_space<vmem>>) semaphore(%arg13 : memref<!tpu.dma_semaphore, #tpu.memory_space<semaphore_mem>>) {add = true}
    %dma_start3A_553 = arith.constant 13 : i32
    %dma_start3A_554 = arith.constant 128 : i32
    %dma_start3A_555 = tpu.memref_slice %arg6[%dma_start3A_553, %dma_start3A_554] : memref<16x512xi32, #tpu.memory_space<vmem>> -> memref<1x128xi32, #tpu.memory_space<vmem>>
    %dma_start3A_556 = tpu.memref_squeeze %dma_start3A_555 : memref<1x128xi32, #tpu.memory_space<vmem>> -> memref<128xi32, #tpu.memory_space<vmem>>
    %dma_start3A_557 = arith.constant 0 : i32
    %dma_start3A_558 = arith.constant 0 : i32
    %dma_start3A_559 = tpu.memref_slice %arg3[%dma_start3A_557, %dma_start3A_558] : memref<1000000x128xf32, #tpu.memory_space<hbm>> -> memref<1000000x128xf32, #tpu.memory_space<hbm>>
    tpu.enqueue_indirect_dma source(%dma_start3A_559 : memref<1000000x128xf32, #tpu.memory_space<hbm>>) target(%arg10 : memref<128x128xf32, #tpu.memory_space<vmem>>) offsets(%dma_start3A_556 : memref<128xi32, #tpu.memory_space<vmem>>) semaphore(%arg13 : memref<!tpu.dma_semaphore, #tpu.memory_space<semaphore_mem>>) {add = true}
    %dma_start3A_560 = arith.constant 14 : i32
    %dma_start3A_561 = arith.constant 128 : i32
    %dma_start3A_562 = tpu.memref_slice %arg6[%dma_start3A_560, %dma_start3A_561] : memref<16x512xi32, #tpu.memory_space<vmem>> -> memref<1x128xi32, #tpu.memory_space<vmem>>
    %dma_start3A_563 = tpu.memref_squeeze %dma_start3A_562 : memref<1x128xi32, #tpu.memory_space<vmem>> -> memref<128xi32, #tpu.memory_space<vmem>>
    %dma_start3A_564 = arith.constant 0 : i32
    %dma_start3A_565 = arith.constant 0 : i32
    %dma_start3A_566 = tpu.memref_slice %arg3[%dma_start3A_564, %dma_start3A_565] : memref<1000000x128xf32, #tpu.memory_space<hbm>> -> memref<1000000x128xf32, #tpu.memory_space<hbm>>
    tpu.enqueue_indirect_dma source(%dma_start3A_566 : memref<1000000x128xf32, #tpu.memory_space<hbm>>) target(%arg10 : memref<128x128xf32, #tpu.memory_space<vmem>>) offsets(%dma_start3A_563 : memref<128xi32, #tpu.memory_space<vmem>>) semaphore(%arg13 : memref<!tpu.dma_semaphore, #tpu.memory_space<semaphore_mem>>) {add = true}
    %dma_start3A_567 = arith.constant 15 : i32
    %dma_start3A_568 = arith.constant 128 : i32
    %dma_start3A_569 = tpu.memref_slice %arg6[%dma_start3A_567, %dma_start3A_568] : memref<16x512xi32, #tpu.memory_space<vmem>> -> memref<1x128xi32, #tpu.memory_space<vmem>>
    %dma_start3A_570 = tpu.memref_squeeze %dma_start3A_569 : memref<1x128xi32, #tpu.memory_space<vmem>> -> memref<128xi32, #tpu.memory_space<vmem>>
    %dma_start3A_571 = arith.constant 0 : i32
    %dma_start3A_572 = arith.constant 0 : i32
    %dma_start3A_573 = tpu.memref_slice %arg3[%dma_start3A_571, %dma_start3A_572] : memref<1000000x128xf32, #tpu.memory_space<hbm>> -> memref<1000000x128xf32, #tpu.memory_space<hbm>>
    tpu.enqueue_indirect_dma source(%dma_start3A_573 : memref<1000000x128xf32, #tpu.memory_space<hbm>>) target(%arg10 : memref<128x128xf32, #tpu.memory_space<vmem>>) offsets(%dma_start3A_570 : memref<128xi32, #tpu.memory_space<vmem>>) semaphore(%arg13 : memref<!tpu.dma_semaphore, #tpu.memory_space<semaphore_mem>>) {add = true}
    %dma_wait3A = arith.constant 0 : i32
    %dma_wait3A_574 = arith.constant 0 : i32
    %dma_wait3A_575 = tpu.memref_slice %arg6[%dma_wait3A, %dma_wait3A_574] : memref<16x512xi32, #tpu.memory_space<vmem>> -> memref<1x128xi32, #tpu.memory_space<vmem>>
    %dma_wait3A_576 = tpu.memref_squeeze %dma_wait3A_575 : memref<1x128xi32, #tpu.memory_space<vmem>> -> memref<128xi32, #tpu.memory_space<vmem>>
    %dma_wait3A_577 = arith.constant 0 : i32
    %dma_wait3A_578 = arith.constant 0 : i32
    %dma_wait3A_579 = tpu.memref_slice %arg3[%dma_wait3A_577, %dma_wait3A_578] : memref<1000000x128xf32, #tpu.memory_space<hbm>> -> memref<1000000x128xf32, #tpu.memory_space<hbm>>
    tpu.wait_indirect_dma semaphore(%arg12 : memref<!tpu.dma_semaphore, #tpu.memory_space<semaphore_mem>>) src(%dma_wait3A_579 : memref<1000000x128xf32, #tpu.memory_space<hbm>>) dst(%arg9 : memref<128x128xf32, #tpu.memory_space<vmem>>)
    %dma_wait3A_580 = arith.constant 0 : i32
    %dma_wait3A_581 = arith.constant 0 : i32
    %dma_wait3A_582 = tpu.memref_slice %arg6[%dma_wait3A_580, %dma_wait3A_581] : memref<16x512xi32, #tpu.memory_space<vmem>> -> memref<1x128xi32, #tpu.memory_space<vmem>>
    %dma_wait3A_583 = tpu.memref_squeeze %dma_wait3A_582 : memref<1x128xi32, #tpu.memory_space<vmem>> -> memref<128xi32, #tpu.memory_space<vmem>>
    %dma_wait3A_584 = arith.constant 0 : i32
    %dma_wait3A_585 = arith.constant 0 : i32
    %dma_wait3A_586 = tpu.memref_slice %arg3[%dma_wait3A_584, %dma_wait3A_585] : memref<1000000x128xf32, #tpu.memory_space<hbm>> -> memref<1000000x128xf32, #tpu.memory_space<hbm>>
    tpu.wait_indirect_dma semaphore(%arg12 : memref<!tpu.dma_semaphore, #tpu.memory_space<semaphore_mem>>) src(%dma_wait3A_586 : memref<1000000x128xf32, #tpu.memory_space<hbm>>) dst(%arg9 : memref<128x128xf32, #tpu.memory_space<vmem>>)
    %dma_wait3A_587 = arith.constant 0 : i32
    %dma_wait3A_588 = arith.constant 0 : i32
    %dma_wait3A_589 = tpu.memref_slice %arg6[%dma_wait3A_587, %dma_wait3A_588] : memref<16x512xi32, #tpu.memory_space<vmem>> -> memref<1x128xi32, #tpu.memory_space<vmem>>
    %dma_wait3A_590 = tpu.memref_squeeze %dma_wait3A_589 : memref<1x128xi32, #tpu.memory_space<vmem>> -> memref<128xi32, #tpu.memory_space<vmem>>
    %dma_wait3A_591 = arith.constant 0 : i32
    %dma_wait3A_592 = arith.constant 0 : i32
    %dma_wait3A_593 = tpu.memref_slice %arg3[%dma_wait3A_591, %dma_wait3A_592] : memref<1000000x128xf32, #tpu.memory_space<hbm>> -> memref<1000000x128xf32, #tpu.memory_space<hbm>>
    tpu.wait_indirect_dma semaphore(%arg12 : memref<!tpu.dma_semaphore, #tpu.memory_space<semaphore_mem>>) src(%dma_wait3A_593 : memref<1000000x128xf32, #tpu.memory_space<hbm>>) dst(%arg9 : memref<128x128xf32, #tpu.memory_space<vmem>>)
    %dma_wait3A_594 = arith.constant 0 : i32
    %dma_wait3A_595 = arith.constant 0 : i32
    %dma_wait3A_596 = tpu.memref_slice %arg6[%dma_wait3A_594, %dma_wait3A_595] : memref<16x512xi32, #tpu.memory_space<vmem>> -> memref<1x128xi32, #tpu.memory_space<vmem>>
    %dma_wait3A_597 = tpu.memref_squeeze %dma_wait3A_596 : memref<1x128xi32, #tpu.memory_space<vmem>> -> memref<128xi32, #tpu.memory_space<vmem>>
    %dma_wait3A_598 = arith.constant 0 : i32
    %dma_wait3A_599 = arith.constant 0 : i32
    %dma_wait3A_600 = tpu.memref_slice %arg3[%dma_wait3A_598, %dma_wait3A_599] : memref<1000000x128xf32, #tpu.memory_space<hbm>> -> memref<1000000x128xf32, #tpu.memory_space<hbm>>
    tpu.wait_indirect_dma semaphore(%arg12 : memref<!tpu.dma_semaphore, #tpu.memory_space<semaphore_mem>>) src(%dma_wait3A_600 : memref<1000000x128xf32, #tpu.memory_space<hbm>>) dst(%arg9 : memref<128x128xf32, #tpu.memory_space<vmem>>)
    %dma_wait3A_601 = arith.constant 0 : i32
    %dma_wait3A_602 = arith.constant 0 : i32
    %dma_wait3A_603 = tpu.memref_slice %arg6[%dma_wait3A_601, %dma_wait3A_602] : memref<16x512xi32, #tpu.memory_space<vmem>> -> memref<1x128xi32, #tpu.memory_space<vmem>>
    %dma_wait3A_604 = tpu.memref_squeeze %dma_wait3A_603 : memref<1x128xi32, #tpu.memory_space<vmem>> -> memref<128xi32, #tpu.memory_space<vmem>>
    %dma_wait3A_605 = arith.constant 0 : i32
    %dma_wait3A_606 = arith.constant 0 : i32
    %dma_wait3A_607 = tpu.memref_slice %arg3[%dma_wait3A_605, %dma_wait3A_606] : memref<1000000x128xf32, #tpu.memory_space<hbm>> -> memref<1000000x128xf32, #tpu.memory_space<hbm>>
    tpu.wait_indirect_dma semaphore(%arg12 : memref<!tpu.dma_semaphore, #tpu.memory_space<semaphore_mem>>) src(%dma_wait3A_607 : memref<1000000x128xf32, #tpu.memory_space<hbm>>) dst(%arg9 : memref<128x128xf32, #tpu.memory_space<vmem>>)
    %dma_wait3A_608 = arith.constant 0 : i32
    %dma_wait3A_609 = arith.constant 0 : i32
    %dma_wait3A_610 = tpu.memref_slice %arg6[%dma_wait3A_608, %dma_wait3A_609] : memref<16x512xi32, #tpu.memory_space<vmem>> -> memref<1x128xi32, #tpu.memory_space<vmem>>
    %dma_wait3A_611 = tpu.memref_squeeze %dma_wait3A_610 : memref<1x128xi32, #tpu.memory_space<vmem>> -> memref<128xi32, #tpu.memory_space<vmem>>
    %dma_wait3A_612 = arith.constant 0 : i32
    %dma_wait3A_613 = arith.constant 0 : i32
    %dma_wait3A_614 = tpu.memref_slice %arg3[%dma_wait3A_612, %dma_wait3A_613] : memref<1000000x128xf32, #tpu.memory_space<hbm>> -> memref<1000000x128xf32, #tpu.memory_space<hbm>>
    tpu.wait_indirect_dma semaphore(%arg12 : memref<!tpu.dma_semaphore, #tpu.memory_space<semaphore_mem>>) src(%dma_wait3A_614 : memref<1000000x128xf32, #tpu.memory_space<hbm>>) dst(%arg9 : memref<128x128xf32, #tpu.memory_space<vmem>>)
    %dma_wait3A_615 = arith.constant 0 : i32
    %dma_wait3A_616 = arith.constant 0 : i32
    %dma_wait3A_617 = tpu.memref_slice %arg6[%dma_wait3A_615, %dma_wait3A_616] : memref<16x512xi32, #tpu.memory_space<vmem>> -> memref<1x128xi32, #tpu.memory_space<vmem>>
    %dma_wait3A_618 = tpu.memref_squeeze %dma_wait3A_617 : memref<1x128xi32, #tpu.memory_space<vmem>> -> memref<128xi32, #tpu.memory_space<vmem>>
    %dma_wait3A_619 = arith.constant 0 : i32
    %dma_wait3A_620 = arith.constant 0 : i32
    %dma_wait3A_621 = tpu.memref_slice %arg3[%dma_wait3A_619, %dma_wait3A_620] : memref<1000000x128xf32, #tpu.memory_space<hbm>> -> memref<1000000x128xf32, #tpu.memory_space<hbm>>
    tpu.wait_indirect_dma semaphore(%arg12 : memref<!tpu.dma_semaphore, #tpu.memory_space<semaphore_mem>>) src(%dma_wait3A_621 : memref<1000000x128xf32, #tpu.memory_space<hbm>>) dst(%arg9 : memref<128x128xf32, #tpu.memory_space<vmem>>)
    %dma_wait3A_622 = arith.constant 0 : i32
    %dma_wait3A_623 = arith.constant 0 : i32
    %dma_wait3A_624 = tpu.memref_slice %arg6[%dma_wait3A_622, %dma_wait3A_623] : memref<16x512xi32, #tpu.memory_space<vmem>> -> memref<1x128xi32, #tpu.memory_space<vmem>>
    %dma_wait3A_625 = tpu.memref_squeeze %dma_wait3A_624 : memref<1x128xi32, #tpu.memory_space<vmem>> -> memref<128xi32, #tpu.memory_space<vmem>>
    %dma_wait3A_626 = arith.constant 0 : i32
    %dma_wait3A_627 = arith.constant 0 : i32
    %dma_wait3A_628 = tpu.memref_slice %arg3[%dma_wait3A_626, %dma_wait3A_627] : memref<1000000x128xf32, #tpu.memory_space<hbm>> -> memref<1000000x128xf32, #tpu.memory_space<hbm>>
    tpu.wait_indirect_dma semaphore(%arg12 : memref<!tpu.dma_semaphore, #tpu.memory_space<semaphore_mem>>) src(%dma_wait3A_628 : memref<1000000x128xf32, #tpu.memory_space<hbm>>) dst(%arg9 : memref<128x128xf32, #tpu.memory_space<vmem>>)
    %dma_wait3A_629 = arith.constant 0 : i32
    %dma_wait3A_630 = arith.constant 0 : i32
    %dma_wait3A_631 = tpu.memref_slice %arg6[%dma_wait3A_629, %dma_wait3A_630] : memref<16x512xi32, #tpu.memory_space<vmem>> -> memref<1x128xi32, #tpu.memory_space<vmem>>
    %dma_wait3A_632 = tpu.memref_squeeze %dma_wait3A_631 : memref<1x128xi32, #tpu.memory_space<vmem>> -> memref<128xi32, #tpu.memory_space<vmem>>
    %dma_wait3A_633 = arith.constant 0 : i32
    %dma_wait3A_634 = arith.constant 0 : i32
    %dma_wait3A_635 = tpu.memref_slice %arg3[%dma_wait3A_633, %dma_wait3A_634] : memref<1000000x128xf32, #tpu.memory_space<hbm>> -> memref<1000000x128xf32, #tpu.memory_space<hbm>>
    tpu.wait_indirect_dma semaphore(%arg12 : memref<!tpu.dma_semaphore, #tpu.memory_space<semaphore_mem>>) src(%dma_wait3A_635 : memref<1000000x128xf32, #tpu.memory_space<hbm>>) dst(%arg9 : memref<128x128xf32, #tpu.memory_space<vmem>>)
    %dma_wait3A_636 = arith.constant 0 : i32
    %dma_wait3A_637 = arith.constant 0 : i32
    %dma_wait3A_638 = tpu.memref_slice %arg6[%dma_wait3A_636, %dma_wait3A_637] : memref<16x512xi32, #tpu.memory_space<vmem>> -> memref<1x128xi32, #tpu.memory_space<vmem>>
    %dma_wait3A_639 = tpu.memref_squeeze %dma_wait3A_638 : memref<1x128xi32, #tpu.memory_space<vmem>> -> memref<128xi32, #tpu.memory_space<vmem>>
    %dma_wait3A_640 = arith.constant 0 : i32
    %dma_wait3A_641 = arith.constant 0 : i32
    %dma_wait3A_642 = tpu.memref_slice %arg3[%dma_wait3A_640, %dma_wait3A_641] : memref<1000000x128xf32, #tpu.memory_space<hbm>> -> memref<1000000x128xf32, #tpu.memory_space<hbm>>
    tpu.wait_indirect_dma semaphore(%arg12 : memref<!tpu.dma_semaphore, #tpu.memory_space<semaphore_mem>>) src(%dma_wait3A_642 : memref<1000000x128xf32, #tpu.memory_space<hbm>>) dst(%arg9 : memref<128x128xf32, #tpu.memory_space<vmem>>)
    %dma_wait3A_643 = arith.constant 0 : i32
    %dma_wait3A_644 = arith.constant 0 : i32
    %dma_wait3A_645 = tpu.memref_slice %arg6[%dma_wait3A_643, %dma_wait3A_644] : memref<16x512xi32, #tpu.memory_space<vmem>> -> memref<1x128xi32, #tpu.memory_space<vmem>>
    %dma_wait3A_646 = tpu.memref_squeeze %dma_wait3A_645 : memref<1x128xi32, #tpu.memory_space<vmem>> -> memref<128xi32, #tpu.memory_space<vmem>>
    %dma_wait3A_647 = arith.constant 0 : i32
    %dma_wait3A_648 = arith.constant 0 : i32
    %dma_wait3A_649 = tpu.memref_slice %arg3[%dma_wait3A_647, %dma_wait3A_648] : memref<1000000x128xf32, #tpu.memory_space<hbm>> -> memref<1000000x128xf32, #tpu.memory_space<hbm>>
    tpu.wait_indirect_dma semaphore(%arg12 : memref<!tpu.dma_semaphore, #tpu.memory_space<semaphore_mem>>) src(%dma_wait3A_649 : memref<1000000x128xf32, #tpu.memory_space<hbm>>) dst(%arg9 : memref<128x128xf32, #tpu.memory_space<vmem>>)
    %dma_wait3A_650 = arith.constant 0 : i32
    %dma_wait3A_651 = arith.constant 0 : i32
    %dma_wait3A_652 = tpu.memref_slice %arg6[%dma_wait3A_650, %dma_wait3A_651] : memref<16x512xi32, #tpu.memory_space<vmem>> -> memref<1x128xi32, #tpu.memory_space<vmem>>
    %dma_wait3A_653 = tpu.memref_squeeze %dma_wait3A_652 : memref<1x128xi32, #tpu.memory_space<vmem>> -> memref<128xi32, #tpu.memory_space<vmem>>
    %dma_wait3A_654 = arith.constant 0 : i32
    %dma_wait3A_655 = arith.constant 0 : i32
    %dma_wait3A_656 = tpu.memref_slice %arg3[%dma_wait3A_654, %dma_wait3A_655] : memref<1000000x128xf32, #tpu.memory_space<hbm>> -> memref<1000000x128xf32, #tpu.memory_space<hbm>>
    tpu.wait_indirect_dma semaphore(%arg12 : memref<!tpu.dma_semaphore, #tpu.memory_space<semaphore_mem>>) src(%dma_wait3A_656 : memref<1000000x128xf32, #tpu.memory_space<hbm>>) dst(%arg9 : memref<128x128xf32, #tpu.memory_space<vmem>>)
    %dma_wait3A_657 = arith.constant 0 : i32
    %dma_wait3A_658 = arith.constant 0 : i32
    %dma_wait3A_659 = tpu.memref_slice %arg6[%dma_wait3A_657, %dma_wait3A_658] : memref<16x512xi32, #tpu.memory_space<vmem>> -> memref<1x128xi32, #tpu.memory_space<vmem>>
    %dma_wait3A_660 = tpu.memref_squeeze %dma_wait3A_659 : memref<1x128xi32, #tpu.memory_space<vmem>> -> memref<128xi32, #tpu.memory_space<vmem>>
    %dma_wait3A_661 = arith.constant 0 : i32
    %dma_wait3A_662 = arith.constant 0 : i32
    %dma_wait3A_663 = tpu.memref_slice %arg3[%dma_wait3A_661, %dma_wait3A_662] : memref<1000000x128xf32, #tpu.memory_space<hbm>> -> memref<1000000x128xf32, #tpu.memory_space<hbm>>
    tpu.wait_indirect_dma semaphore(%arg12 : memref<!tpu.dma_semaphore, #tpu.memory_space<semaphore_mem>>) src(%dma_wait3A_663 : memref<1000000x128xf32, #tpu.memory_space<hbm>>) dst(%arg9 : memref<128x128xf32, #tpu.memory_space<vmem>>)
    %dma_wait3A_664 = arith.constant 0 : i32
    %dma_wait3A_665 = arith.constant 0 : i32
    %dma_wait3A_666 = tpu.memref_slice %arg6[%dma_wait3A_664, %dma_wait3A_665] : memref<16x512xi32, #tpu.memory_space<vmem>> -> memref<1x128xi32, #tpu.memory_space<vmem>>
    %dma_wait3A_667 = tpu.memref_squeeze %dma_wait3A_666 : memref<1x128xi32, #tpu.memory_space<vmem>> -> memref<128xi32, #tpu.memory_space<vmem>>
    %dma_wait3A_668 = arith.constant 0 : i32
    %dma_wait3A_669 = arith.constant 0 : i32
    %dma_wait3A_670 = tpu.memref_slice %arg3[%dma_wait3A_668, %dma_wait3A_669] : memref<1000000x128xf32, #tpu.memory_space<hbm>> -> memref<1000000x128xf32, #tpu.memory_space<hbm>>
    tpu.wait_indirect_dma semaphore(%arg12 : memref<!tpu.dma_semaphore, #tpu.memory_space<semaphore_mem>>) src(%dma_wait3A_670 : memref<1000000x128xf32, #tpu.memory_space<hbm>>) dst(%arg9 : memref<128x128xf32, #tpu.memory_space<vmem>>)
    %dma_wait3A_671 = arith.constant 0 : i32
    %dma_wait3A_672 = arith.constant 0 : i32
    %dma_wait3A_673 = tpu.memref_slice %arg6[%dma_wait3A_671, %dma_wait3A_672] : memref<16x512xi32, #tpu.memory_space<vmem>> -> memref<1x128xi32, #tpu.memory_space<vmem>>
    %dma_wait3A_674 = tpu.memref_squeeze %dma_wait3A_673 : memref<1x128xi32, #tpu.memory_space<vmem>> -> memref<128xi32, #tpu.memory_space<vmem>>
    %dma_wait3A_675 = arith.constant 0 : i32
    %dma_wait3A_676 = arith.constant 0 : i32
    %dma_wait3A_677 = tpu.memref_slice %arg3[%dma_wait3A_675, %dma_wait3A_676] : memref<1000000x128xf32, #tpu.memory_space<hbm>> -> memref<1000000x128xf32, #tpu.memory_space<hbm>>
    tpu.wait_indirect_dma semaphore(%arg12 : memref<!tpu.dma_semaphore, #tpu.memory_space<semaphore_mem>>) src(%dma_wait3A_677 : memref<1000000x128xf32, #tpu.memory_space<hbm>>) dst(%arg9 : memref<128x128xf32, #tpu.memory_space<vmem>>)
    %dma_wait3A_678 = arith.constant 0 : i32
    %dma_wait3A_679 = arith.constant 0 : i32
    %dma_wait3A_680 = tpu.memref_slice %arg6[%dma_wait3A_678, %dma_wait3A_679] : memref<16x512xi32, #tpu.memory_space<vmem>> -> memref<1x128xi32, #tpu.memory_space<vmem>>
    %dma_wait3A_681 = tpu.memref_squeeze %dma_wait3A_680 : memref<1x128xi32, #tpu.memory_space<vmem>> -> memref<128xi32, #tpu.memory_space<vmem>>
    %dma_wait3A_682 = arith.constant 0 : i32
    %dma_wait3A_683 = arith.constant 0 : i32
    %dma_wait3A_684 = tpu.memref_slice %arg3[%dma_wait3A_682, %dma_wait3A_683] : memref<1000000x128xf32, #tpu.memory_space<hbm>> -> memref<1000000x128xf32, #tpu.memory_space<hbm>>
    tpu.wait_indirect_dma semaphore(%arg12 : memref<!tpu.dma_semaphore, #tpu.memory_space<semaphore_mem>>) src(%dma_wait3A_684 : memref<1000000x128xf32, #tpu.memory_space<hbm>>) dst(%arg9 : memref<128x128xf32, #tpu.memory_space<vmem>>)
    %scan3A_685 = arith.constant 0 : i32
    %scan3A_686 = arith.constant 0 : i32
    %scan3A_687 = arith.constant 64 : i32
    %scan3A_688 = arith.addi %scan3A_686, %scan3A_687 : i32
    %scan3A_689 = arith.constant 1 : i32
    %scan3A_690 = scf.for %scan3A_1295 = %scan3A_686 to %scan3A_688 step %scan3A_689 iter_args(%scan3A_1296 = %scan3A_685) -> (i32)  : i32 {
      %broadcast_in_dim3A_1297 = vector.broadcast %scan3A_1295 : i32 to vector<16xi32>
      %gather3A = tpu.vector_load_idx %arg8[%broadcast_in_dim3A_1297] : memref<64xf32, #tpu.memory_space<vmem>>[vector<16xi32>], vector<16xf32>,
      %add3A_1298 = arith.constant 0 : i32
      %add3A_1299 = vector.broadcast %add3A_1298 : i32 to vector<16xi32>
      %add3A_1300 = arith.addi %iota3A, %add3A_1299 : vector<16xi32>
      %gather3A_1301 = tpu.vector_load_idx %arg9[%add3A_1300, %broadcast_in_dim3A_1297] : memref<128x128xf32, #tpu.memory_space<vmem>>[vector<16xi32>, vector<16xi32>], vector<16xf32>,
      %mul3A_1302 = arith.constant 6.250000e-02 : f32
      %mul3A_1303 = vector.broadcast %mul3A_1302 : f32 to vector<16xf32>
      %mul3A_1304 = arith.mulf %gather3A_1301, %mul3A_1303 : vector<16xf32>
      %add3A_1305 = arith.addf %mul3A_1304, %gather3A : vector<16xf32>
      %swap3A_1306 = arith.index_cast %scan3A_1295 : i32 to index
      %swap3A_1307 = arith.constant 0 : index
      %swap3A_1308 = tpu.vector_load %arg11[%swap3A_1306, %swap3A_1307] {strides = array<i32>} : memref<64x128xf32, #tpu.memory_space<vmem>>, vector<16xf32>,
      tpu.vector_store %arg11[%swap3A_1306, %swap3A_1307], %add3A_1305 {strides = array<i32>} : memref<64x128xf32, #tpu.memory_space<vmem>>, vector<16xf32>,
      %add3A_1309 = arith.constant 16 : i32
      %add3A_1310 = vector.broadcast %add3A_1309 : i32 to vector<16xi32>
      %add3A_1311 = arith.addi %iota3A, %add3A_1310 : vector<16xi32>
      %gather3A_1312 = tpu.vector_load_idx %arg9[%add3A_1311, %broadcast_in_dim3A_1297] : memref<128x128xf32, #tpu.memory_space<vmem>>[vector<16xi32>, vector<16xi32>], vector<16xf32>,
      %mul3A_1313 = arith.constant 6.250000e-02 : f32
      %mul3A_1314 = vector.broadcast %mul3A_1313 : f32 to vector<16xf32>
      %mul3A_1315 = arith.mulf %gather3A_1312, %mul3A_1314 : vector<16xf32>
      %add3A_1316 = arith.addf %mul3A_1315, %gather3A : vector<16xf32>
      %swap3A_1317 = arith.index_cast %scan3A_1295 : i32 to index
      %swap3A_1318 = arith.constant 16 : index
      %swap3A_1319 = tpu.vector_load %arg11[%swap3A_1317, %swap3A_1318] {strides = array<i32>} : memref<64x128xf32, #tpu.memory_space<vmem>>, vector<16xf32>,
      tpu.vector_store %arg11[%swap3A_1317, %swap3A_1318], %add3A_1316 {strides = array<i32>} : memref<64x128xf32, #tpu.memory_space<vmem>>, vector<16xf32>,
      %add3A_1320 = arith.constant 32 : i32
      %add3A_1321 = vector.broadcast %add3A_1320 : i32 to vector<16xi32>
      %add3A_1322 = arith.addi %iota3A, %add3A_1321 : vector<16xi32>
      %gather3A_1323 = tpu.vector_load_idx %arg9[%add3A_1322, %broadcast_in_dim3A_1297] : memref<128x128xf32, #tpu.memory_space<vmem>>[vector<16xi32>, vector<16xi32>], vector<16xf32>,
      %mul3A_1324 = arith.constant 6.250000e-02 : f32
      %mul3A_1325 = vector.broadcast %mul3A_1324 : f32 to vector<16xf32>
      %mul3A_1326 = arith.mulf %gather3A_1323, %mul3A_1325 : vector<16xf32>
      %add3A_1327 = arith.addf %mul3A_1326, %gather3A : vector<16xf32>
      %swap3A_1328 = arith.index_cast %scan3A_1295 : i32 to index
      %swap3A_1329 = arith.constant 32 : index
      %swap3A_1330 = tpu.vector_load %arg11[%swap3A_1328, %swap3A_1329] {strides = array<i32>} : memref<64x128xf32, #tpu.memory_space<vmem>>, vector<16xf32>,
      tpu.vector_store %arg11[%swap3A_1328, %swap3A_1329], %add3A_1327 {strides = array<i32>} : memref<64x128xf32, #tpu.memory_space<vmem>>, vector<16xf32>,
      %add3A_1331 = arith.constant 48 : i32
      %add3A_1332 = vector.broadcast %add3A_1331 : i32 to vector<16xi32>
      %add3A_1333 = arith.addi %iota3A, %add3A_1332 : vector<16xi32>
      %gather3A_1334 = tpu.vector_load_idx %arg9[%add3A_1333, %broadcast_in_dim3A_1297] : memref<128x128xf32, #tpu.memory_space<vmem>>[vector<16xi32>, vector<16xi32>], vector<16xf32>,
      %mul3A_1335 = arith.constant 6.250000e-02 : f32
      %mul3A_1336 = vector.broadcast %mul3A_1335 : f32 to vector<16xf32>
      %mul3A_1337 = arith.mulf %gather3A_1334, %mul3A_1336 : vector<16xf32>
      %add3A_1338 = arith.addf %mul3A_1337, %gather3A : vector<16xf32>
      %swap3A_1339 = arith.index_cast %scan3A_1295 : i32 to index
      %swap3A_1340 = arith.constant 48 : index
      %swap3A_1341 = tpu.vector_load %arg11[%swap3A_1339, %swap3A_1340] {strides = array<i32>} : memref<64x128xf32, #tpu.memory_space<vmem>>, vector<16xf32>,
      tpu.vector_store %arg11[%swap3A_1339, %swap3A_1340], %add3A_1338 {strides = array<i32>} : memref<64x128xf32, #tpu.memory_space<vmem>>, vector<16xf32>,
      %add3A_1342 = arith.constant 64 : i32
      %add3A_1343 = vector.broadcast %add3A_1342 : i32 to vector<16xi32>
      %add3A_1344 = arith.addi %iota3A, %add3A_1343 : vector<16xi32>
      %gather3A_1345 = tpu.vector_load_idx %arg9[%add3A_1344, %broadcast_in_dim3A_1297] : memref<128x128xf32, #tpu.memory_space<vmem>>[vector<16xi32>, vector<16xi32>], vector<16xf32>,
      %mul3A_1346 = arith.constant 6.250000e-02 : f32
      %mul3A_1347 = vector.broadcast %mul3A_1346 : f32 to vector<16xf32>
      %mul3A_1348 = arith.mulf %gather3A_1345, %mul3A_1347 : vector<16xf32>
      %add3A_1349 = arith.addf %mul3A_1348, %gather3A : vector<16xf32>
      %swap3A_1350 = arith.index_cast %scan3A_1295 : i32 to index
      %swap3A_1351 = arith.constant 64 : index
      %swap3A_1352 = tpu.vector_load %arg11[%swap3A_1350, %swap3A_1351] {strides = array<i32>} : memref<64x128xf32, #tpu.memory_space<vmem>>, vector<16xf32>,
      tpu.vector_store %arg11[%swap3A_1350, %swap3A_1351], %add3A_1349 {strides = array<i32>} : memref<64x128xf32, #tpu.memory_space<vmem>>, vector<16xf32>,
      %add3A_1353 = arith.constant 80 : i32
      %add3A_1354 = vector.broadcast %add3A_1353 : i32 to vector<16xi32>
      %add3A_1355 = arith.addi %iota3A, %add3A_1354 : vector<16xi32>
      %gather3A_1356 = tpu.vector_load_idx %arg9[%add3A_1355, %broadcast_in_dim3A_1297] : memref<128x128xf32, #tpu.memory_space<vmem>>[vector<16xi32>, vector<16xi32>], vector<16xf32>,
      %mul3A_1357 = arith.constant 6.250000e-02 : f32
      %mul3A_1358 = vector.broadcast %mul3A_1357 : f32 to vector<16xf32>
      %mul3A_1359 = arith.mulf %gather3A_1356, %mul3A_1358 : vector<16xf32>
      %add3A_1360 = arith.addf %mul3A_1359, %gather3A : vector<16xf32>
      %swap3A_1361 = arith.index_cast %scan3A_1295 : i32 to index
      %swap3A_1362 = arith.constant 80 : index
      %swap3A_1363 = tpu.vector_load %arg11[%swap3A_1361, %swap3A_1362] {strides = array<i32>} : memref<64x128xf32, #tpu.memory_space<vmem>>, vector<16xf32>,
      tpu.vector_store %arg11[%swap3A_1361, %swap3A_1362], %add3A_1360 {strides = array<i32>} : memref<64x128xf32, #tpu.memory_space<vmem>>, vector<16xf32>,
      %add3A_1364 = arith.constant 96 : i32
      %add3A_1365 = vector.broadcast %add3A_1364 : i32 to vector<16xi32>
      %add3A_1366 = arith.addi %iota3A, %add3A_1365 : vector<16xi32>
      %gather3A_1367 = tpu.vector_load_idx %arg9[%add3A_1366, %broadcast_in_dim3A_1297] : memref<128x128xf32, #tpu.memory_space<vmem>>[vector<16xi32>, vector<16xi32>], vector<16xf32>,
      %mul3A_1368 = arith.constant 6.250000e-02 : f32
      %mul3A_1369 = vector.broadcast %mul3A_1368 : f32 to vector<16xf32>
      %mul3A_1370 = arith.mulf %gather3A_1367, %mul3A_1369 : vector<16xf32>
      %add3A_1371 = arith.addf %mul3A_1370, %gather3A : vector<16xf32>
      %swap3A_1372 = arith.index_cast %scan3A_1295 : i32 to index
      %swap3A_1373 = arith.constant 96 : index
      %swap3A_1374 = tpu.vector_load %arg11[%swap3A_1372, %swap3A_1373] {strides = array<i32>} : memref<64x128xf32, #tpu.memory_space<vmem>>, vector<16xf32>,
      tpu.vector_store %arg11[%swap3A_1372, %swap3A_1373], %add3A_1371 {strides = array<i32>} : memref<64x128xf32, #tpu.memory_space<vmem>>, vector<16xf32>,
      %add3A_1375 = arith.constant 112 : i32
      %add3A_1376 = vector.broadcast %add3A_1375 : i32 to vector<16xi32>
      %add3A_1377 = arith.addi %iota3A, %add3A_1376 : vector<16xi32>
      %gather3A_1378 = tpu.vector_load_idx %arg9[%add3A_1377, %broadcast_in_dim3A_1297] : memref<128x128xf32, #tpu.memory_space<vmem>>[vector<16xi32>, vector<16xi32>], vector<16xf32>,
      %mul3A_1379 = arith.constant 6.250000e-02 : f32
      %mul3A_1380 = vector.broadcast %mul3A_1379 : f32 to vector<16xf32>
      %mul3A_1381 = arith.mulf %gather3A_1378, %mul3A_1380 : vector<16xf32>
      %add3A_1382 = arith.addf %mul3A_1381, %gather3A : vector<16xf32>
      %swap3A_1383 = arith.index_cast %scan3A_1295 : i32 to index
      %swap3A_1384 = arith.constant 112 : index
      %swap3A_1385 = tpu.vector_load %arg11[%swap3A_1383, %swap3A_1384] {strides = array<i32>} : memref<64x128xf32, #tpu.memory_space<vmem>>, vector<16xf32>,
      tpu.vector_store %arg11[%swap3A_1383, %swap3A_1384], %add3A_1382 {strides = array<i32>} : memref<64x128xf32, #tpu.memory_space<vmem>>, vector<16xf32>,
      %scan3A_1386 = arith.constant 0 : i32
      scf.yield %scan3A_1386 : i32
    }
    %scan3A_691 = arith.constant 64 : i32
    %add3A_692 = arith.constant 0 : i32
    %add3A_693 = arith.addi %mul3A_2, %add3A_692 : i32
    "tpu.region"() ({
      %run_scoped3A = tpu.sem_alloc : memref<!tpu.dma_semaphore, #tpu.memory_space<semaphore_mem>>
      %dma_start3A_1295 = arith.constant 0 : i32
      %dma_start3A_1296 = tpu.memref_slice %arg5[%dma_start3A_1295, %add3A_693] : memref<64x16384xf32, #tpu.memory_space<hbm>> -> memref<64x128xf32, #tpu.memory_space<hbm>>
      %dma_start3A_1297 = arith.constant 0 : i32
      %dma_start3A_1298 = tpu.memref_slice %arg5[%dma_start3A_1297, %add3A_693] : memref<64x16384xf32, #tpu.memory_space<hbm>> -> memref<64x128xf32, #tpu.memory_space<hbm>>
      tpu.enqueue_dma source(%arg11 : memref<64x128xf32, #tpu.memory_space<vmem>>) target(%dma_start3A_1298 : memref<64x128xf32, #tpu.memory_space<hbm>>) target_semaphore(%run_scoped3A : memref<!tpu.dma_semaphore, #tpu.memory_space<semaphore_mem>>)
      %dma_wait3A_1299 = arith.constant 0 : i32
      %dma_wait3A_1300 = tpu.memref_slice %arg5[%dma_wait3A_1299, %add3A_693] : memref<64x16384xf32, #tpu.memory_space<hbm>> -> memref<64x128xf32, #tpu.memory_space<hbm>>
      %dma_wait3A_1301 = arith.constant 0 : i32
      %dma_wait3A_1302 = tpu.memref_slice %arg5[%dma_wait3A_1301, %add3A_693] : memref<64x16384xf32, #tpu.memory_space<hbm>> -> memref<64x128xf32, #tpu.memory_space<hbm>>
      tpu.wait_dma2 semaphore(%run_scoped3A : memref<!tpu.dma_semaphore, #tpu.memory_space<semaphore_mem>>) src(%arg11 : memref<64x128xf32, #tpu.memory_space<vmem>>) dst(%dma_wait3A_1302 : memref<64x128xf32, #tpu.memory_space<hbm>>)
      tpu.yield
    }) : () -> ()
    %scan3A_694 = arith.constant 0 : i32
    %scan3A_695 = arith.constant 0 : i32
    %scan3A_696 = arith.constant 128 : i32
    %scan3A_697 = arith.addi %scan3A_695, %scan3A_696 : i32
    %scan3A_698 = arith.constant 1 : i32
    %scan3A_699 = scf.for %scan3A_1295 = %scan3A_695 to %scan3A_697 step %scan3A_698 iter_args(%scan3A_1296 = %scan3A_694) -> (i32)  : i32 {
      %swap3A_1297 = arith.index_cast %scan3A_1295 : i32 to index
      %swap3A_1298 = arith.constant 0 : index
      %swap3A_1299 = tpu.vector_load %arg9[%swap3A_1297, %swap3A_1298] {strides = array<i32>} : memref<128x128xf32, #tpu.memory_space<vmem>>, vector<16xf32>,
      tpu.vector_store %arg9[%swap3A_1297, %swap3A_1298], %broadcast_in_dim3A_337 {strides = array<i32>} : memref<128x128xf32, #tpu.memory_space<vmem>>, vector<16xf32>,
      %swap3A_1300 = arith.index_cast %scan3A_1295 : i32 to index
      %swap3A_1301 = arith.constant 16 : index
      %swap3A_1302 = tpu.vector_load %arg9[%swap3A_1300, %swap3A_1301] {strides = array<i32>} : memref<128x128xf32, #tpu.memory_space<vmem>>, vector<16xf32>,
      tpu.vector_store %arg9[%swap3A_1300, %swap3A_1301], %broadcast_in_dim3A_337 {strides = array<i32>} : memref<128x128xf32, #tpu.memory_space<vmem>>, vector<16xf32>,
      %swap3A_1303 = arith.index_cast %scan3A_1295 : i32 to index
      %swap3A_1304 = arith.constant 32 : index
      %swap3A_1305 = tpu.vector_load %arg9[%swap3A_1303, %swap3A_1304] {strides = array<i32>} : memref<128x128xf32, #tpu.memory_space<vmem>>, vector<16xf32>,
      tpu.vector_store %arg9[%swap3A_1303, %swap3A_1304], %broadcast_in_dim3A_337 {strides = array<i32>} : memref<128x128xf32, #tpu.memory_space<vmem>>, vector<16xf32>,
      %swap3A_1306 = arith.index_cast %scan3A_1295 : i32 to index
      %swap3A_1307 = arith.constant 48 : index
      %swap3A_1308 = tpu.vector_load %arg9[%swap3A_1306, %swap3A_1307] {strides = array<i32>} : memref<128x128xf32, #tpu.memory_space<vmem>>, vector<16xf32>,
      tpu.vector_store %arg9[%swap3A_1306, %swap3A_1307], %broadcast_in_dim3A_337 {strides = array<i32>} : memref<128x128xf32, #tpu.memory_space<vmem>>, vector<16xf32>,
      %scan3A_1309 = arith.constant 0 : i32
      scf.yield %scan3A_1309 : i32
    }
    %scan3A_700 = arith.constant 128 : i32
    %dma_start3A_701 = arith.constant 0 : i32
    %dma_start3A_702 = arith.constant 256 : i32
    %dma_start3A_703 = tpu.memref_slice %arg6[%dma_start3A_701, %dma_start3A_702] : memref<16x512xi32, #tpu.memory_space<vmem>> -> memref<1x128xi32, #tpu.memory_space<vmem>>
    %dma_start3A_704 = tpu.memref_squeeze %dma_start3A_703 : memref<1x128xi32, #tpu.memory_space<vmem>> -> memref<128xi32, #tpu.memory_space<vmem>>
    %dma_start3A_705 = arith.constant 0 : i32
    %dma_start3A_706 = arith.constant 0 : i32
    %dma_start3A_707 = tpu.memref_slice %arg3[%dma_start3A_705, %dma_start3A_706] : memref<1000000x128xf32, #tpu.memory_space<hbm>> -> memref<1000000x128xf32, #tpu.memory_space<hbm>>
    tpu.enqueue_indirect_dma source(%dma_start3A_707 : memref<1000000x128xf32, #tpu.memory_space<hbm>>) target(%arg9 : memref<128x128xf32, #tpu.memory_space<vmem>>) offsets(%dma_start3A_704 : memref<128xi32, #tpu.memory_space<vmem>>) semaphore(%arg12 : memref<!tpu.dma_semaphore, #tpu.memory_space<semaphore_mem>>) {add = true}
    %dma_start3A_708 = arith.constant 1 : i32
    %dma_start3A_709 = arith.constant 256 : i32
    %dma_start3A_710 = tpu.memref_slice %arg6[%dma_start3A_708, %dma_start3A_709] : memref<16x512xi32, #tpu.memory_space<vmem>> -> memref<1x128xi32, #tpu.memory_space<vmem>>
    %dma_start3A_711 = tpu.memref_squeeze %dma_start3A_710 : memref<1x128xi32, #tpu.memory_space<vmem>> -> memref<128xi32, #tpu.memory_space<vmem>>
    %dma_start3A_712 = arith.constant 0 : i32
    %dma_start3A_713 = arith.constant 0 : i32
    %dma_start3A_714 = tpu.memref_slice %arg3[%dma_start3A_712, %dma_start3A_713] : memref<1000000x128xf32, #tpu.memory_space<hbm>> -> memref<1000000x128xf32, #tpu.memory_space<hbm>>
    tpu.enqueue_indirect_dma source(%dma_start3A_714 : memref<1000000x128xf32, #tpu.memory_space<hbm>>) target(%arg9 : memref<128x128xf32, #tpu.memory_space<vmem>>) offsets(%dma_start3A_711 : memref<128xi32, #tpu.memory_space<vmem>>) semaphore(%arg12 : memref<!tpu.dma_semaphore, #tpu.memory_space<semaphore_mem>>) {add = true}
    %dma_start3A_715 = arith.constant 2 : i32
    %dma_start3A_716 = arith.constant 256 : i32
    %dma_start3A_717 = tpu.memref_slice %arg6[%dma_start3A_715, %dma_start3A_716] : memref<16x512xi32, #tpu.memory_space<vmem>> -> memref<1x128xi32, #tpu.memory_space<vmem>>
    %dma_start3A_718 = tpu.memref_squeeze %dma_start3A_717 : memref<1x128xi32, #tpu.memory_space<vmem>> -> memref<128xi32, #tpu.memory_space<vmem>>
    %dma_start3A_719 = arith.constant 0 : i32
    %dma_start3A_720 = arith.constant 0 : i32
    %dma_start3A_721 = tpu.memref_slice %arg3[%dma_start3A_719, %dma_start3A_720] : memref<1000000x128xf32, #tpu.memory_space<hbm>> -> memref<1000000x128xf32, #tpu.memory_space<hbm>>
    tpu.enqueue_indirect_dma source(%dma_start3A_721 : memref<1000000x128xf32, #tpu.memory_space<hbm>>) target(%arg9 : memref<128x128xf32, #tpu.memory_space<vmem>>) offsets(%dma_start3A_718 : memref<128xi32, #tpu.memory_space<vmem>>) semaphore(%arg12 : memref<!tpu.dma_semaphore, #tpu.memory_space<semaphore_mem>>) {add = true}
    %dma_start3A_722 = arith.constant 3 : i32
    %dma_start3A_723 = arith.constant 256 : i32
    %dma_start3A_724 = tpu.memref_slice %arg6[%dma_start3A_722, %dma_start3A_723] : memref<16x512xi32, #tpu.memory_space<vmem>> -> memref<1x128xi32, #tpu.memory_space<vmem>>
    %dma_start3A_725 = tpu.memref_squeeze %dma_start3A_724 : memref<1x128xi32, #tpu.memory_space<vmem>> -> memref<128xi32, #tpu.memory_space<vmem>>
    %dma_start3A_726 = arith.constant 0 : i32
    %dma_start3A_727 = arith.constant 0 : i32
    %dma_start3A_728 = tpu.memref_slice %arg3[%dma_start3A_726, %dma_start3A_727] : memref<1000000x128xf32, #tpu.memory_space<hbm>> -> memref<1000000x128xf32, #tpu.memory_space<hbm>>
    tpu.enqueue_indirect_dma source(%dma_start3A_728 : memref<1000000x128xf32, #tpu.memory_space<hbm>>) target(%arg9 : memref<128x128xf32, #tpu.memory_space<vmem>>) offsets(%dma_start3A_725 : memref<128xi32, #tpu.memory_space<vmem>>) semaphore(%arg12 : memref<!tpu.dma_semaphore, #tpu.memory_space<semaphore_mem>>) {add = true}
    %dma_start3A_729 = arith.constant 4 : i32
    %dma_start3A_730 = arith.constant 256 : i32
    %dma_start3A_731 = tpu.memref_slice %arg6[%dma_start3A_729, %dma_start3A_730] : memref<16x512xi32, #tpu.memory_space<vmem>> -> memref<1x128xi32, #tpu.memory_space<vmem>>
    %dma_start3A_732 = tpu.memref_squeeze %dma_start3A_731 : memref<1x128xi32, #tpu.memory_space<vmem>> -> memref<128xi32, #tpu.memory_space<vmem>>
    %dma_start3A_733 = arith.constant 0 : i32
    %dma_start3A_734 = arith.constant 0 : i32
    %dma_start3A_735 = tpu.memref_slice %arg3[%dma_start3A_733, %dma_start3A_734] : memref<1000000x128xf32, #tpu.memory_space<hbm>> -> memref<1000000x128xf32, #tpu.memory_space<hbm>>
    tpu.enqueue_indirect_dma source(%dma_start3A_735 : memref<1000000x128xf32, #tpu.memory_space<hbm>>) target(%arg9 : memref<128x128xf32, #tpu.memory_space<vmem>>) offsets(%dma_start3A_732 : memref<128xi32, #tpu.memory_space<vmem>>) semaphore(%arg12 : memref<!tpu.dma_semaphore, #tpu.memory_space<semaphore_mem>>) {add = true}
    %dma_start3A_736 = arith.constant 5 : i32
    %dma_start3A_737 = arith.constant 256 : i32
    %dma_start3A_738 = tpu.memref_slice %arg6[%dma_start3A_736, %dma_start3A_737] : memref<16x512xi32, #tpu.memory_space<vmem>> -> memref<1x128xi32, #tpu.memory_space<vmem>>
    %dma_start3A_739 = tpu.memref_squeeze %dma_start3A_738 : memref<1x128xi32, #tpu.memory_space<vmem>> -> memref<128xi32, #tpu.memory_space<vmem>>
    %dma_start3A_740 = arith.constant 0 : i32
    %dma_start3A_741 = arith.constant 0 : i32
    %dma_start3A_742 = tpu.memref_slice %arg3[%dma_start3A_740, %dma_start3A_741] : memref<1000000x128xf32, #tpu.memory_space<hbm>> -> memref<1000000x128xf32, #tpu.memory_space<hbm>>
    tpu.enqueue_indirect_dma source(%dma_start3A_742 : memref<1000000x128xf32, #tpu.memory_space<hbm>>) target(%arg9 : memref<128x128xf32, #tpu.memory_space<vmem>>) offsets(%dma_start3A_739 : memref<128xi32, #tpu.memory_space<vmem>>) semaphore(%arg12 : memref<!tpu.dma_semaphore, #tpu.memory_space<semaphore_mem>>) {add = true}
    %dma_start3A_743 = arith.constant 6 : i32
    %dma_start3A_744 = arith.constant 256 : i32
    %dma_start3A_745 = tpu.memref_slice %arg6[%dma_start3A_743, %dma_start3A_744] : memref<16x512xi32, #tpu.memory_space<vmem>> -> memref<1x128xi32, #tpu.memory_space<vmem>>
    %dma_start3A_746 = tpu.memref_squeeze %dma_start3A_745 : memref<1x128xi32, #tpu.memory_space<vmem>> -> memref<128xi32, #tpu.memory_space<vmem>>
    %dma_start3A_747 = arith.constant 0 : i32
    %dma_start3A_748 = arith.constant 0 : i32
    %dma_start3A_749 = tpu.memref_slice %arg3[%dma_start3A_747, %dma_start3A_748] : memref<1000000x128xf32, #tpu.memory_space<hbm>> -> memref<1000000x128xf32, #tpu.memory_space<hbm>>
    tpu.enqueue_indirect_dma source(%dma_start3A_749 : memref<1000000x128xf32, #tpu.memory_space<hbm>>) target(%arg9 : memref<128x128xf32, #tpu.memory_space<vmem>>) offsets(%dma_start3A_746 : memref<128xi32, #tpu.memory_space<vmem>>) semaphore(%arg12 : memref<!tpu.dma_semaphore, #tpu.memory_space<semaphore_mem>>) {add = true}
    %dma_start3A_750 = arith.constant 7 : i32
    %dma_start3A_751 = arith.constant 256 : i32
    %dma_start3A_752 = tpu.memref_slice %arg6[%dma_start3A_750, %dma_start3A_751] : memref<16x512xi32, #tpu.memory_space<vmem>> -> memref<1x128xi32, #tpu.memory_space<vmem>>
    %dma_start3A_753 = tpu.memref_squeeze %dma_start3A_752 : memref<1x128xi32, #tpu.memory_space<vmem>> -> memref<128xi32, #tpu.memory_space<vmem>>
    %dma_start3A_754 = arith.constant 0 : i32
    %dma_start3A_755 = arith.constant 0 : i32
    %dma_start3A_756 = tpu.memref_slice %arg3[%dma_start3A_754, %dma_start3A_755] : memref<1000000x128xf32, #tpu.memory_space<hbm>> -> memref<1000000x128xf32, #tpu.memory_space<hbm>>
    tpu.enqueue_indirect_dma source(%dma_start3A_756 : memref<1000000x128xf32, #tpu.memory_space<hbm>>) target(%arg9 : memref<128x128xf32, #tpu.memory_space<vmem>>) offsets(%dma_start3A_753 : memref<128xi32, #tpu.memory_space<vmem>>) semaphore(%arg12 : memref<!tpu.dma_semaphore, #tpu.memory_space<semaphore_mem>>) {add = true}
    %dma_start3A_757 = arith.constant 8 : i32
    %dma_start3A_758 = arith.constant 256 : i32
    %dma_start3A_759 = tpu.memref_slice %arg6[%dma_start3A_757, %dma_start3A_758] : memref<16x512xi32, #tpu.memory_space<vmem>> -> memref<1x128xi32, #tpu.memory_space<vmem>>
    %dma_start3A_760 = tpu.memref_squeeze %dma_start3A_759 : memref<1x128xi32, #tpu.memory_space<vmem>> -> memref<128xi32, #tpu.memory_space<vmem>>
    %dma_start3A_761 = arith.constant 0 : i32
    %dma_start3A_762 = arith.constant 0 : i32
    %dma_start3A_763 = tpu.memref_slice %arg3[%dma_start3A_761, %dma_start3A_762] : memref<1000000x128xf32, #tpu.memory_space<hbm>> -> memref<1000000x128xf32, #tpu.memory_space<hbm>>
    tpu.enqueue_indirect_dma source(%dma_start3A_763 : memref<1000000x128xf32, #tpu.memory_space<hbm>>) target(%arg9 : memref<128x128xf32, #tpu.memory_space<vmem>>) offsets(%dma_start3A_760 : memref<128xi32, #tpu.memory_space<vmem>>) semaphore(%arg12 : memref<!tpu.dma_semaphore, #tpu.memory_space<semaphore_mem>>) {add = true}
    %dma_start3A_764 = arith.constant 9 : i32
    %dma_start3A_765 = arith.constant 256 : i32
    %dma_start3A_766 = tpu.memref_slice %arg6[%dma_start3A_764, %dma_start3A_765] : memref<16x512xi32, #tpu.memory_space<vmem>> -> memref<1x128xi32, #tpu.memory_space<vmem>>
    %dma_start3A_767 = tpu.memref_squeeze %dma_start3A_766 : memref<1x128xi32, #tpu.memory_space<vmem>> -> memref<128xi32, #tpu.memory_space<vmem>>
    %dma_start3A_768 = arith.constant 0 : i32
    %dma_start3A_769 = arith.constant 0 : i32
    %dma_start3A_770 = tpu.memref_slice %arg3[%dma_start3A_768, %dma_start3A_769] : memref<1000000x128xf32, #tpu.memory_space<hbm>> -> memref<1000000x128xf32, #tpu.memory_space<hbm>>
    tpu.enqueue_indirect_dma source(%dma_start3A_770 : memref<1000000x128xf32, #tpu.memory_space<hbm>>) target(%arg9 : memref<128x128xf32, #tpu.memory_space<vmem>>) offsets(%dma_start3A_767 : memref<128xi32, #tpu.memory_space<vmem>>) semaphore(%arg12 : memref<!tpu.dma_semaphore, #tpu.memory_space<semaphore_mem>>) {add = true}
    %dma_start3A_771 = arith.constant 10 : i32
    %dma_start3A_772 = arith.constant 256 : i32
    %dma_start3A_773 = tpu.memref_slice %arg6[%dma_start3A_771, %dma_start3A_772] : memref<16x512xi32, #tpu.memory_space<vmem>> -> memref<1x128xi32, #tpu.memory_space<vmem>>
    %dma_start3A_774 = tpu.memref_squeeze %dma_start3A_773 : memref<1x128xi32, #tpu.memory_space<vmem>> -> memref<128xi32, #tpu.memory_space<vmem>>
    %dma_start3A_775 = arith.constant 0 : i32
    %dma_start3A_776 = arith.constant 0 : i32
    %dma_start3A_777 = tpu.memref_slice %arg3[%dma_start3A_775, %dma_start3A_776] : memref<1000000x128xf32, #tpu.memory_space<hbm>> -> memref<1000000x128xf32, #tpu.memory_space<hbm>>
    tpu.enqueue_indirect_dma source(%dma_start3A_777 : memref<1000000x128xf32, #tpu.memory_space<hbm>>) target(%arg9 : memref<128x128xf32, #tpu.memory_space<vmem>>) offsets(%dma_start3A_774 : memref<128xi32, #tpu.memory_space<vmem>>) semaphore(%arg12 : memref<!tpu.dma_semaphore, #tpu.memory_space<semaphore_mem>>) {add = true}
    %dma_start3A_778 = arith.constant 11 : i32
    %dma_start3A_779 = arith.constant 256 : i32
    %dma_start3A_780 = tpu.memref_slice %arg6[%dma_start3A_778, %dma_start3A_779] : memref<16x512xi32, #tpu.memory_space<vmem>> -> memref<1x128xi32, #tpu.memory_space<vmem>>
    %dma_start3A_781 = tpu.memref_squeeze %dma_start3A_780 : memref<1x128xi32, #tpu.memory_space<vmem>> -> memref<128xi32, #tpu.memory_space<vmem>>
    %dma_start3A_782 = arith.constant 0 : i32
    %dma_start3A_783 = arith.constant 0 : i32
    %dma_start3A_784 = tpu.memref_slice %arg3[%dma_start3A_782, %dma_start3A_783] : memref<1000000x128xf32, #tpu.memory_space<hbm>> -> memref<1000000x128xf32, #tpu.memory_space<hbm>>
    tpu.enqueue_indirect_dma source(%dma_start3A_784 : memref<1000000x128xf32, #tpu.memory_space<hbm>>) target(%arg9 : memref<128x128xf32, #tpu.memory_space<vmem>>) offsets(%dma_start3A_781 : memref<128xi32, #tpu.memory_space<vmem>>) semaphore(%arg12 : memref<!tpu.dma_semaphore, #tpu.memory_space<semaphore_mem>>) {add = true}
    %dma_start3A_785 = arith.constant 12 : i32
    %dma_start3A_786 = arith.constant 256 : i32
    %dma_start3A_787 = tpu.memref_slice %arg6[%dma_start3A_785, %dma_start3A_786] : memref<16x512xi32, #tpu.memory_space<vmem>> -> memref<1x128xi32, #tpu.memory_space<vmem>>
    %dma_start3A_788 = tpu.memref_squeeze %dma_start3A_787 : memref<1x128xi32, #tpu.memory_space<vmem>> -> memref<128xi32, #tpu.memory_space<vmem>>
    %dma_start3A_789 = arith.constant 0 : i32
    %dma_start3A_790 = arith.constant 0 : i32
    %dma_start3A_791 = tpu.memref_slice %arg3[%dma_start3A_789, %dma_start3A_790] : memref<1000000x128xf32, #tpu.memory_space<hbm>> -> memref<1000000x128xf32, #tpu.memory_space<hbm>>
    tpu.enqueue_indirect_dma source(%dma_start3A_791 : memref<1000000x128xf32, #tpu.memory_space<hbm>>) target(%arg9 : memref<128x128xf32, #tpu.memory_space<vmem>>) offsets(%dma_start3A_788 : memref<128xi32, #tpu.memory_space<vmem>>) semaphore(%arg12 : memref<!tpu.dma_semaphore, #tpu.memory_space<semaphore_mem>>) {add = true}
    %dma_start3A_792 = arith.constant 13 : i32
    %dma_start3A_793 = arith.constant 256 : i32
    %dma_start3A_794 = tpu.memref_slice %arg6[%dma_start3A_792, %dma_start3A_793] : memref<16x512xi32, #tpu.memory_space<vmem>> -> memref<1x128xi32, #tpu.memory_space<vmem>>
    %dma_start3A_795 = tpu.memref_squeeze %dma_start3A_794 : memref<1x128xi32, #tpu.memory_space<vmem>> -> memref<128xi32, #tpu.memory_space<vmem>>
    %dma_start3A_796 = arith.constant 0 : i32
    %dma_start3A_797 = arith.constant 0 : i32
    %dma_start3A_798 = tpu.memref_slice %arg3[%dma_start3A_796, %dma_start3A_797] : memref<1000000x128xf32, #tpu.memory_space<hbm>> -> memref<1000000x128xf32, #tpu.memory_space<hbm>>
    tpu.enqueue_indirect_dma source(%dma_start3A_798 : memref<1000000x128xf32, #tpu.memory_space<hbm>>) target(%arg9 : memref<128x128xf32, #tpu.memory_space<vmem>>) offsets(%dma_start3A_795 : memref<128xi32, #tpu.memory_space<vmem>>) semaphore(%arg12 : memref<!tpu.dma_semaphore, #tpu.memory_space<semaphore_mem>>) {add = true}
    %dma_start3A_799 = arith.constant 14 : i32
    %dma_start3A_800 = arith.constant 256 : i32
    %dma_start3A_801 = tpu.memref_slice %arg6[%dma_start3A_799, %dma_start3A_800] : memref<16x512xi32, #tpu.memory_space<vmem>> -> memref<1x128xi32, #tpu.memory_space<vmem>>
    %dma_start3A_802 = tpu.memref_squeeze %dma_start3A_801 : memref<1x128xi32, #tpu.memory_space<vmem>> -> memref<128xi32, #tpu.memory_space<vmem>>
    %dma_start3A_803 = arith.constant 0 : i32
    %dma_start3A_804 = arith.constant 0 : i32
    %dma_start3A_805 = tpu.memref_slice %arg3[%dma_start3A_803, %dma_start3A_804] : memref<1000000x128xf32, #tpu.memory_space<hbm>> -> memref<1000000x128xf32, #tpu.memory_space<hbm>>
    tpu.enqueue_indirect_dma source(%dma_start3A_805 : memref<1000000x128xf32, #tpu.memory_space<hbm>>) target(%arg9 : memref<128x128xf32, #tpu.memory_space<vmem>>) offsets(%dma_start3A_802 : memref<128xi32, #tpu.memory_space<vmem>>) semaphore(%arg12 : memref<!tpu.dma_semaphore, #tpu.memory_space<semaphore_mem>>) {add = true}
    %dma_start3A_806 = arith.constant 15 : i32
    %dma_start3A_807 = arith.constant 256 : i32
    %dma_start3A_808 = tpu.memref_slice %arg6[%dma_start3A_806, %dma_start3A_807] : memref<16x512xi32, #tpu.memory_space<vmem>> -> memref<1x128xi32, #tpu.memory_space<vmem>>
    %dma_start3A_809 = tpu.memref_squeeze %dma_start3A_808 : memref<1x128xi32, #tpu.memory_space<vmem>> -> memref<128xi32, #tpu.memory_space<vmem>>
    %dma_start3A_810 = arith.constant 0 : i32
    %dma_start3A_811 = arith.constant 0 : i32
    %dma_start3A_812 = tpu.memref_slice %arg3[%dma_start3A_810, %dma_start3A_811] : memref<1000000x128xf32, #tpu.memory_space<hbm>> -> memref<1000000x128xf32, #tpu.memory_space<hbm>>
    tpu.enqueue_indirect_dma source(%dma_start3A_812 : memref<1000000x128xf32, #tpu.memory_space<hbm>>) target(%arg9 : memref<128x128xf32, #tpu.memory_space<vmem>>) offsets(%dma_start3A_809 : memref<128xi32, #tpu.memory_space<vmem>>) semaphore(%arg12 : memref<!tpu.dma_semaphore, #tpu.memory_space<semaphore_mem>>) {add = true}
    %dma_wait3A_813 = arith.constant 0 : i32
    %dma_wait3A_814 = arith.constant 0 : i32
    %dma_wait3A_815 = tpu.memref_slice %arg6[%dma_wait3A_813, %dma_wait3A_814] : memref<16x512xi32, #tpu.memory_space<vmem>> -> memref<1x128xi32, #tpu.memory_space<vmem>>
    %dma_wait3A_816 = tpu.memref_squeeze %dma_wait3A_815 : memref<1x128xi32, #tpu.memory_space<vmem>> -> memref<128xi32, #tpu.memory_space<vmem>>
    %dma_wait3A_817 = arith.constant 0 : i32
    %dma_wait3A_818 = arith.constant 0 : i32
    %dma_wait3A_819 = tpu.memref_slice %arg3[%dma_wait3A_817, %dma_wait3A_818] : memref<1000000x128xf32, #tpu.memory_space<hbm>> -> memref<1000000x128xf32, #tpu.memory_space<hbm>>
    tpu.wait_indirect_dma semaphore(%arg13 : memref<!tpu.dma_semaphore, #tpu.memory_space<semaphore_mem>>) src(%dma_wait3A_819 : memref<1000000x128xf32, #tpu.memory_space<hbm>>) dst(%arg10 : memref<128x128xf32, #tpu.memory_space<vmem>>)
    %dma_wait3A_820 = arith.constant 0 : i32
    %dma_wait3A_821 = arith.constant 0 : i32
    %dma_wait3A_822 = tpu.memref_slice %arg6[%dma_wait3A_820, %dma_wait3A_821] : memref<16x512xi32, #tpu.memory_space<vmem>> -> memref<1x128xi32, #tpu.memory_space<vmem>>
    %dma_wait3A_823 = tpu.memref_squeeze %dma_wait3A_822 : memref<1x128xi32, #tpu.memory_space<vmem>> -> memref<128xi32, #tpu.memory_space<vmem>>
    %dma_wait3A_824 = arith.constant 0 : i32
    %dma_wait3A_825 = arith.constant 0 : i32
    %dma_wait3A_826 = tpu.memref_slice %arg3[%dma_wait3A_824, %dma_wait3A_825] : memref<1000000x128xf32, #tpu.memory_space<hbm>> -> memref<1000000x128xf32, #tpu.memory_space<hbm>>
    tpu.wait_indirect_dma semaphore(%arg13 : memref<!tpu.dma_semaphore, #tpu.memory_space<semaphore_mem>>) src(%dma_wait3A_826 : memref<1000000x128xf32, #tpu.memory_space<hbm>>) dst(%arg10 : memref<128x128xf32, #tpu.memory_space<vmem>>)
    %dma_wait3A_827 = arith.constant 0 : i32
    %dma_wait3A_828 = arith.constant 0 : i32
    %dma_wait3A_829 = tpu.memref_slice %arg6[%dma_wait3A_827, %dma_wait3A_828] : memref<16x512xi32, #tpu.memory_space<vmem>> -> memref<1x128xi32, #tpu.memory_space<vmem>>
    %dma_wait3A_830 = tpu.memref_squeeze %dma_wait3A_829 : memref<1x128xi32, #tpu.memory_space<vmem>> -> memref<128xi32, #tpu.memory_space<vmem>>
    %dma_wait3A_831 = arith.constant 0 : i32
    %dma_wait3A_832 = arith.constant 0 : i32
    %dma_wait3A_833 = tpu.memref_slice %arg3[%dma_wait3A_831, %dma_wait3A_832] : memref<1000000x128xf32, #tpu.memory_space<hbm>> -> memref<1000000x128xf32, #tpu.memory_space<hbm>>
    tpu.wait_indirect_dma semaphore(%arg13 : memref<!tpu.dma_semaphore, #tpu.memory_space<semaphore_mem>>) src(%dma_wait3A_833 : memref<1000000x128xf32, #tpu.memory_space<hbm>>) dst(%arg10 : memref<128x128xf32, #tpu.memory_space<vmem>>)
    %dma_wait3A_834 = arith.constant 0 : i32
    %dma_wait3A_835 = arith.constant 0 : i32
    %dma_wait3A_836 = tpu.memref_slice %arg6[%dma_wait3A_834, %dma_wait3A_835] : memref<16x512xi32, #tpu.memory_space<vmem>> -> memref<1x128xi32, #tpu.memory_space<vmem>>
    %dma_wait3A_837 = tpu.memref_squeeze %dma_wait3A_836 : memref<1x128xi32, #tpu.memory_space<vmem>> -> memref<128xi32, #tpu.memory_space<vmem>>
    %dma_wait3A_838 = arith.constant 0 : i32
    %dma_wait3A_839 = arith.constant 0 : i32
    %dma_wait3A_840 = tpu.memref_slice %arg3[%dma_wait3A_838, %dma_wait3A_839] : memref<1000000x128xf32, #tpu.memory_space<hbm>> -> memref<1000000x128xf32, #tpu.memory_space<hbm>>
    tpu.wait_indirect_dma semaphore(%arg13 : memref<!tpu.dma_semaphore, #tpu.memory_space<semaphore_mem>>) src(%dma_wait3A_840 : memref<1000000x128xf32, #tpu.memory_space<hbm>>) dst(%arg10 : memref<128x128xf32, #tpu.memory_space<vmem>>)
    %dma_wait3A_841 = arith.constant 0 : i32
    %dma_wait3A_842 = arith.constant 0 : i32
    %dma_wait3A_843 = tpu.memref_slice %arg6[%dma_wait3A_841, %dma_wait3A_842] : memref<16x512xi32, #tpu.memory_space<vmem>> -> memref<1x128xi32, #tpu.memory_space<vmem>>
    %dma_wait3A_844 = tpu.memref_squeeze %dma_wait3A_843 : memref<1x128xi32, #tpu.memory_space<vmem>> -> memref<128xi32, #tpu.memory_space<vmem>>
    %dma_wait3A_845 = arith.constant 0 : i32
    %dma_wait3A_846 = arith.constant 0 : i32
    %dma_wait3A_847 = tpu.memref_slice %arg3[%dma_wait3A_845, %dma_wait3A_846] : memref<1000000x128xf32, #tpu.memory_space<hbm>> -> memref<1000000x128xf32, #tpu.memory_space<hbm>>
    tpu.wait_indirect_dma semaphore(%arg13 : memref<!tpu.dma_semaphore, #tpu.memory_space<semaphore_mem>>) src(%dma_wait3A_847 : memref<1000000x128xf32, #tpu.memory_space<hbm>>) dst(%arg10 : memref<128x128xf32, #tpu.memory_space<vmem>>)
    %dma_wait3A_848 = arith.constant 0 : i32
    %dma_wait3A_849 = arith.constant 0 : i32
    %dma_wait3A_850 = tpu.memref_slice %arg6[%dma_wait3A_848, %dma_wait3A_849] : memref<16x512xi32, #tpu.memory_space<vmem>> -> memref<1x128xi32, #tpu.memory_space<vmem>>
    %dma_wait3A_851 = tpu.memref_squeeze %dma_wait3A_850 : memref<1x128xi32, #tpu.memory_space<vmem>> -> memref<128xi32, #tpu.memory_space<vmem>>
    %dma_wait3A_852 = arith.constant 0 : i32
    %dma_wait3A_853 = arith.constant 0 : i32
    %dma_wait3A_854 = tpu.memref_slice %arg3[%dma_wait3A_852, %dma_wait3A_853] : memref<1000000x128xf32, #tpu.memory_space<hbm>> -> memref<1000000x128xf32, #tpu.memory_space<hbm>>
    tpu.wait_indirect_dma semaphore(%arg13 : memref<!tpu.dma_semaphore, #tpu.memory_space<semaphore_mem>>) src(%dma_wait3A_854 : memref<1000000x128xf32, #tpu.memory_space<hbm>>) dst(%arg10 : memref<128x128xf32, #tpu.memory_space<vmem>>)
    %dma_wait3A_855 = arith.constant 0 : i32
    %dma_wait3A_856 = arith.constant 0 : i32
    %dma_wait3A_857 = tpu.memref_slice %arg6[%dma_wait3A_855, %dma_wait3A_856] : memref<16x512xi32, #tpu.memory_space<vmem>> -> memref<1x128xi32, #tpu.memory_space<vmem>>
    %dma_wait3A_858 = tpu.memref_squeeze %dma_wait3A_857 : memref<1x128xi32, #tpu.memory_space<vmem>> -> memref<128xi32, #tpu.memory_space<vmem>>
    %dma_wait3A_859 = arith.constant 0 : i32
    %dma_wait3A_860 = arith.constant 0 : i32
    %dma_wait3A_861 = tpu.memref_slice %arg3[%dma_wait3A_859, %dma_wait3A_860] : memref<1000000x128xf32, #tpu.memory_space<hbm>> -> memref<1000000x128xf32, #tpu.memory_space<hbm>>
    tpu.wait_indirect_dma semaphore(%arg13 : memref<!tpu.dma_semaphore, #tpu.memory_space<semaphore_mem>>) src(%dma_wait3A_861 : memref<1000000x128xf32, #tpu.memory_space<hbm>>) dst(%arg10 : memref<128x128xf32, #tpu.memory_space<vmem>>)
    %dma_wait3A_862 = arith.constant 0 : i32
    %dma_wait3A_863 = arith.constant 0 : i32
    %dma_wait3A_864 = tpu.memref_slice %arg6[%dma_wait3A_862, %dma_wait3A_863] : memref<16x512xi32, #tpu.memory_space<vmem>> -> memref<1x128xi32, #tpu.memory_space<vmem>>
    %dma_wait3A_865 = tpu.memref_squeeze %dma_wait3A_864 : memref<1x128xi32, #tpu.memory_space<vmem>> -> memref<128xi32, #tpu.memory_space<vmem>>
    %dma_wait3A_866 = arith.constant 0 : i32
    %dma_wait3A_867 = arith.constant 0 : i32
    %dma_wait3A_868 = tpu.memref_slice %arg3[%dma_wait3A_866, %dma_wait3A_867] : memref<1000000x128xf32, #tpu.memory_space<hbm>> -> memref<1000000x128xf32, #tpu.memory_space<hbm>>
    tpu.wait_indirect_dma semaphore(%arg13 : memref<!tpu.dma_semaphore, #tpu.memory_space<semaphore_mem>>) src(%dma_wait3A_868 : memref<1000000x128xf32, #tpu.memory_space<hbm>>) dst(%arg10 : memref<128x128xf32, #tpu.memory_space<vmem>>)
    %dma_wait3A_869 = arith.constant 0 : i32
    %dma_wait3A_870 = arith.constant 0 : i32
    %dma_wait3A_871 = tpu.memref_slice %arg6[%dma_wait3A_869, %dma_wait3A_870] : memref<16x512xi32, #tpu.memory_space<vmem>> -> memref<1x128xi32, #tpu.memory_space<vmem>>
    %dma_wait3A_872 = tpu.memref_squeeze %dma_wait3A_871 : memref<1x128xi32, #tpu.memory_space<vmem>> -> memref<128xi32, #tpu.memory_space<vmem>>
    %dma_wait3A_873 = arith.constant 0 : i32
    %dma_wait3A_874 = arith.constant 0 : i32
    %dma_wait3A_875 = tpu.memref_slice %arg3[%dma_wait3A_873, %dma_wait3A_874] : memref<1000000x128xf32, #tpu.memory_space<hbm>> -> memref<1000000x128xf32, #tpu.memory_space<hbm>>
    tpu.wait_indirect_dma semaphore(%arg13 : memref<!tpu.dma_semaphore, #tpu.memory_space<semaphore_mem>>) src(%dma_wait3A_875 : memref<1000000x128xf32, #tpu.memory_space<hbm>>) dst(%arg10 : memref<128x128xf32, #tpu.memory_space<vmem>>)
    %dma_wait3A_876 = arith.constant 0 : i32
    %dma_wait3A_877 = arith.constant 0 : i32
    %dma_wait3A_878 = tpu.memref_slice %arg6[%dma_wait3A_876, %dma_wait3A_877] : memref<16x512xi32, #tpu.memory_space<vmem>> -> memref<1x128xi32, #tpu.memory_space<vmem>>
    %dma_wait3A_879 = tpu.memref_squeeze %dma_wait3A_878 : memref<1x128xi32, #tpu.memory_space<vmem>> -> memref<128xi32, #tpu.memory_space<vmem>>
    %dma_wait3A_880 = arith.constant 0 : i32
    %dma_wait3A_881 = arith.constant 0 : i32
    %dma_wait3A_882 = tpu.memref_slice %arg3[%dma_wait3A_880, %dma_wait3A_881] : memref<1000000x128xf32, #tpu.memory_space<hbm>> -> memref<1000000x128xf32, #tpu.memory_space<hbm>>
    tpu.wait_indirect_dma semaphore(%arg13 : memref<!tpu.dma_semaphore, #tpu.memory_space<semaphore_mem>>) src(%dma_wait3A_882 : memref<1000000x128xf32, #tpu.memory_space<hbm>>) dst(%arg10 : memref<128x128xf32, #tpu.memory_space<vmem>>)
    %dma_wait3A_883 = arith.constant 0 : i32
    %dma_wait3A_884 = arith.constant 0 : i32
    %dma_wait3A_885 = tpu.memref_slice %arg6[%dma_wait3A_883, %dma_wait3A_884] : memref<16x512xi32, #tpu.memory_space<vmem>> -> memref<1x128xi32, #tpu.memory_space<vmem>>
    %dma_wait3A_886 = tpu.memref_squeeze %dma_wait3A_885 : memref<1x128xi32, #tpu.memory_space<vmem>> -> memref<128xi32, #tpu.memory_space<vmem>>
    %dma_wait3A_887 = arith.constant 0 : i32
    %dma_wait3A_888 = arith.constant 0 : i32
    %dma_wait3A_889 = tpu.memref_slice %arg3[%dma_wait3A_887, %dma_wait3A_888] : memref<1000000x128xf32, #tpu.memory_space<hbm>> -> memref<1000000x128xf32, #tpu.memory_space<hbm>>
    tpu.wait_indirect_dma semaphore(%arg13 : memref<!tpu.dma_semaphore, #tpu.memory_space<semaphore_mem>>) src(%dma_wait3A_889 : memref<1000000x128xf32, #tpu.memory_space<hbm>>) dst(%arg10 : memref<128x128xf32, #tpu.memory_space<vmem>>)
    %dma_wait3A_890 = arith.constant 0 : i32
    %dma_wait3A_891 = arith.constant 0 : i32
    %dma_wait3A_892 = tpu.memref_slice %arg6[%dma_wait3A_890, %dma_wait3A_891] : memref<16x512xi32, #tpu.memory_space<vmem>> -> memref<1x128xi32, #tpu.memory_space<vmem>>
    %dma_wait3A_893 = tpu.memref_squeeze %dma_wait3A_892 : memref<1x128xi32, #tpu.memory_space<vmem>> -> memref<128xi32, #tpu.memory_space<vmem>>
    %dma_wait3A_894 = arith.constant 0 : i32
    %dma_wait3A_895 = arith.constant 0 : i32
    %dma_wait3A_896 = tpu.memref_slice %arg3[%dma_wait3A_894, %dma_wait3A_895] : memref<1000000x128xf32, #tpu.memory_space<hbm>> -> memref<1000000x128xf32, #tpu.memory_space<hbm>>
    tpu.wait_indirect_dma semaphore(%arg13 : memref<!tpu.dma_semaphore, #tpu.memory_space<semaphore_mem>>) src(%dma_wait3A_896 : memref<1000000x128xf32, #tpu.memory_space<hbm>>) dst(%arg10 : memref<128x128xf32, #tpu.memory_space<vmem>>)
    %dma_wait3A_897 = arith.constant 0 : i32
    %dma_wait3A_898 = arith.constant 0 : i32
    %dma_wait3A_899 = tpu.memref_slice %arg6[%dma_wait3A_897, %dma_wait3A_898] : memref<16x512xi32, #tpu.memory_space<vmem>> -> memref<1x128xi32, #tpu.memory_space<vmem>>
    %dma_wait3A_900 = tpu.memref_squeeze %dma_wait3A_899 : memref<1x128xi32, #tpu.memory_space<vmem>> -> memref<128xi32, #tpu.memory_space<vmem>>
    %dma_wait3A_901 = arith.constant 0 : i32
    %dma_wait3A_902 = arith.constant 0 : i32
    %dma_wait3A_903 = tpu.memref_slice %arg3[%dma_wait3A_901, %dma_wait3A_902] : memref<1000000x128xf32, #tpu.memory_space<hbm>> -> memref<1000000x128xf32, #tpu.memory_space<hbm>>
    tpu.wait_indirect_dma semaphore(%arg13 : memref<!tpu.dma_semaphore, #tpu.memory_space<semaphore_mem>>) src(%dma_wait3A_903 : memref<1000000x128xf32, #tpu.memory_space<hbm>>) dst(%arg10 : memref<128x128xf32, #tpu.memory_space<vmem>>)
    %dma_wait3A_904 = arith.constant 0 : i32
    %dma_wait3A_905 = arith.constant 0 : i32
    %dma_wait3A_906 = tpu.memref_slice %arg6[%dma_wait3A_904, %dma_wait3A_905] : memref<16x512xi32, #tpu.memory_space<vmem>> -> memref<1x128xi32, #tpu.memory_space<vmem>>
    %dma_wait3A_907 = tpu.memref_squeeze %dma_wait3A_906 : memref<1x128xi32, #tpu.memory_space<vmem>> -> memref<128xi32, #tpu.memory_space<vmem>>
    %dma_wait3A_908 = arith.constant 0 : i32
    %dma_wait3A_909 = arith.constant 0 : i32
    %dma_wait3A_910 = tpu.memref_slice %arg3[%dma_wait3A_908, %dma_wait3A_909] : memref<1000000x128xf32, #tpu.memory_space<hbm>> -> memref<1000000x128xf32, #tpu.memory_space<hbm>>
    tpu.wait_indirect_dma semaphore(%arg13 : memref<!tpu.dma_semaphore, #tpu.memory_space<semaphore_mem>>) src(%dma_wait3A_910 : memref<1000000x128xf32, #tpu.memory_space<hbm>>) dst(%arg10 : memref<128x128xf32, #tpu.memory_space<vmem>>)
    %dma_wait3A_911 = arith.constant 0 : i32
    %dma_wait3A_912 = arith.constant 0 : i32
    %dma_wait3A_913 = tpu.memref_slice %arg6[%dma_wait3A_911, %dma_wait3A_912] : memref<16x512xi32, #tpu.memory_space<vmem>> -> memref<1x128xi32, #tpu.memory_space<vmem>>
    %dma_wait3A_914 = tpu.memref_squeeze %dma_wait3A_913 : memref<1x128xi32, #tpu.memory_space<vmem>> -> memref<128xi32, #tpu.memory_space<vmem>>
    %dma_wait3A_915 = arith.constant 0 : i32
    %dma_wait3A_916 = arith.constant 0 : i32
    %dma_wait3A_917 = tpu.memref_slice %arg3[%dma_wait3A_915, %dma_wait3A_916] : memref<1000000x128xf32, #tpu.memory_space<hbm>> -> memref<1000000x128xf32, #tpu.memory_space<hbm>>
    tpu.wait_indirect_dma semaphore(%arg13 : memref<!tpu.dma_semaphore, #tpu.memory_space<semaphore_mem>>) src(%dma_wait3A_917 : memref<1000000x128xf32, #tpu.memory_space<hbm>>) dst(%arg10 : memref<128x128xf32, #tpu.memory_space<vmem>>)
    %dma_wait3A_918 = arith.constant 0 : i32
    %dma_wait3A_919 = arith.constant 0 : i32
    %dma_wait3A_920 = tpu.memref_slice %arg6[%dma_wait3A_918, %dma_wait3A_919] : memref<16x512xi32, #tpu.memory_space<vmem>> -> memref<1x128xi32, #tpu.memory_space<vmem>>
    %dma_wait3A_921 = tpu.memref_squeeze %dma_wait3A_920 : memref<1x128xi32, #tpu.memory_space<vmem>> -> memref<128xi32, #tpu.memory_space<vmem>>
    %dma_wait3A_922 = arith.constant 0 : i32
    %dma_wait3A_923 = arith.constant 0 : i32
    %dma_wait3A_924 = tpu.memref_slice %arg3[%dma_wait3A_922, %dma_wait3A_923] : memref<1000000x128xf32, #tpu.memory_space<hbm>> -> memref<1000000x128xf32, #tpu.memory_space<hbm>>
    tpu.wait_indirect_dma semaphore(%arg13 : memref<!tpu.dma_semaphore, #tpu.memory_space<semaphore_mem>>) src(%dma_wait3A_924 : memref<1000000x128xf32, #tpu.memory_space<hbm>>) dst(%arg10 : memref<128x128xf32, #tpu.memory_space<vmem>>)
    %scan3A_925 = arith.constant 0 : i32
    %scan3A_926 = arith.constant 0 : i32
    %scan3A_927 = arith.constant 64 : i32
    %scan3A_928 = arith.addi %scan3A_926, %scan3A_927 : i32
    %scan3A_929 = arith.constant 1 : i32
    %scan3A_930 = scf.for %scan3A_1295 = %scan3A_926 to %scan3A_928 step %scan3A_929 iter_args(%scan3A_1296 = %scan3A_925) -> (i32)  : i32 {
      %broadcast_in_dim3A_1297 = vector.broadcast %scan3A_1295 : i32 to vector<16xi32>
      %gather3A = tpu.vector_load_idx %arg8[%broadcast_in_dim3A_1297] : memref<64xf32, #tpu.memory_space<vmem>>[vector<16xi32>], vector<16xf32>,
      %add3A_1298 = arith.constant 0 : i32
      %add3A_1299 = vector.broadcast %add3A_1298 : i32 to vector<16xi32>
      %add3A_1300 = arith.addi %iota3A, %add3A_1299 : vector<16xi32>
      %gather3A_1301 = tpu.vector_load_idx %arg10[%add3A_1300, %broadcast_in_dim3A_1297] : memref<128x128xf32, #tpu.memory_space<vmem>>[vector<16xi32>, vector<16xi32>], vector<16xf32>,
      %mul3A_1302 = arith.constant 6.250000e-02 : f32
      %mul3A_1303 = vector.broadcast %mul3A_1302 : f32 to vector<16xf32>
      %mul3A_1304 = arith.mulf %gather3A_1301, %mul3A_1303 : vector<16xf32>
      %add3A_1305 = arith.addf %mul3A_1304, %gather3A : vector<16xf32>
      %swap3A_1306 = arith.index_cast %scan3A_1295 : i32 to index
      %swap3A_1307 = arith.constant 0 : index
      %swap3A_1308 = tpu.vector_load %arg11[%swap3A_1306, %swap3A_1307] {strides = array<i32>} : memref<64x128xf32, #tpu.memory_space<vmem>>, vector<16xf32>,
      tpu.vector_store %arg11[%swap3A_1306, %swap3A_1307], %add3A_1305 {strides = array<i32>} : memref<64x128xf32, #tpu.memory_space<vmem>>, vector<16xf32>,
      %add3A_1309 = arith.constant 16 : i32
      %add3A_1310 = vector.broadcast %add3A_1309 : i32 to vector<16xi32>
      %add3A_1311 = arith.addi %iota3A, %add3A_1310 : vector<16xi32>
      %gather3A_1312 = tpu.vector_load_idx %arg10[%add3A_1311, %broadcast_in_dim3A_1297] : memref<128x128xf32, #tpu.memory_space<vmem>>[vector<16xi32>, vector<16xi32>], vector<16xf32>,
      %mul3A_1313 = arith.constant 6.250000e-02 : f32
      %mul3A_1314 = vector.broadcast %mul3A_1313 : f32 to vector<16xf32>
      %mul3A_1315 = arith.mulf %gather3A_1312, %mul3A_1314 : vector<16xf32>
      %add3A_1316 = arith.addf %mul3A_1315, %gather3A : vector<16xf32>
      %swap3A_1317 = arith.index_cast %scan3A_1295 : i32 to index
      %swap3A_1318 = arith.constant 16 : index
      %swap3A_1319 = tpu.vector_load %arg11[%swap3A_1317, %swap3A_1318] {strides = array<i32>} : memref<64x128xf32, #tpu.memory_space<vmem>>, vector<16xf32>,
      tpu.vector_store %arg11[%swap3A_1317, %swap3A_1318], %add3A_1316 {strides = array<i32>} : memref<64x128xf32, #tpu.memory_space<vmem>>, vector<16xf32>,
      %add3A_1320 = arith.constant 32 : i32
      %add3A_1321 = vector.broadcast %add3A_1320 : i32 to vector<16xi32>
      %add3A_1322 = arith.addi %iota3A, %add3A_1321 : vector<16xi32>
      %gather3A_1323 = tpu.vector_load_idx %arg10[%add3A_1322, %broadcast_in_dim3A_1297] : memref<128x128xf32, #tpu.memory_space<vmem>>[vector<16xi32>, vector<16xi32>], vector<16xf32>,
      %mul3A_1324 = arith.constant 6.250000e-02 : f32
      %mul3A_1325 = vector.broadcast %mul3A_1324 : f32 to vector<16xf32>
      %mul3A_1326 = arith.mulf %gather3A_1323, %mul3A_1325 : vector<16xf32>
      %add3A_1327 = arith.addf %mul3A_1326, %gather3A : vector<16xf32>
      %swap3A_1328 = arith.index_cast %scan3A_1295 : i32 to index
      %swap3A_1329 = arith.constant 32 : index
      %swap3A_1330 = tpu.vector_load %arg11[%swap3A_1328, %swap3A_1329] {strides = array<i32>} : memref<64x128xf32, #tpu.memory_space<vmem>>, vector<16xf32>,
      tpu.vector_store %arg11[%swap3A_1328, %swap3A_1329], %add3A_1327 {strides = array<i32>} : memref<64x128xf32, #tpu.memory_space<vmem>>, vector<16xf32>,
      %add3A_1331 = arith.constant 48 : i32
      %add3A_1332 = vector.broadcast %add3A_1331 : i32 to vector<16xi32>
      %add3A_1333 = arith.addi %iota3A, %add3A_1332 : vector<16xi32>
      %gather3A_1334 = tpu.vector_load_idx %arg10[%add3A_1333, %broadcast_in_dim3A_1297] : memref<128x128xf32, #tpu.memory_space<vmem>>[vector<16xi32>, vector<16xi32>], vector<16xf32>,
      %mul3A_1335 = arith.constant 6.250000e-02 : f32
      %mul3A_1336 = vector.broadcast %mul3A_1335 : f32 to vector<16xf32>
      %mul3A_1337 = arith.mulf %gather3A_1334, %mul3A_1336 : vector<16xf32>
      %add3A_1338 = arith.addf %mul3A_1337, %gather3A : vector<16xf32>
      %swap3A_1339 = arith.index_cast %scan3A_1295 : i32 to index
      %swap3A_1340 = arith.constant 48 : index
      %swap3A_1341 = tpu.vector_load %arg11[%swap3A_1339, %swap3A_1340] {strides = array<i32>} : memref<64x128xf32, #tpu.memory_space<vmem>>, vector<16xf32>,
      tpu.vector_store %arg11[%swap3A_1339, %swap3A_1340], %add3A_1338 {strides = array<i32>} : memref<64x128xf32, #tpu.memory_space<vmem>>, vector<16xf32>,
      %add3A_1342 = arith.constant 64 : i32
      %add3A_1343 = vector.broadcast %add3A_1342 : i32 to vector<16xi32>
      %add3A_1344 = arith.addi %iota3A, %add3A_1343 : vector<16xi32>
      %gather3A_1345 = tpu.vector_load_idx %arg10[%add3A_1344, %broadcast_in_dim3A_1297] : memref<128x128xf32, #tpu.memory_space<vmem>>[vector<16xi32>, vector<16xi32>], vector<16xf32>,
      %mul3A_1346 = arith.constant 6.250000e-02 : f32
      %mul3A_1347 = vector.broadcast %mul3A_1346 : f32 to vector<16xf32>
      %mul3A_1348 = arith.mulf %gather3A_1345, %mul3A_1347 : vector<16xf32>
      %add3A_1349 = arith.addf %mul3A_1348, %gather3A : vector<16xf32>
      %swap3A_1350 = arith.index_cast %scan3A_1295 : i32 to index
      %swap3A_1351 = arith.constant 64 : index
      %swap3A_1352 = tpu.vector_load %arg11[%swap3A_1350, %swap3A_1351] {strides = array<i32>} : memref<64x128xf32, #tpu.memory_space<vmem>>, vector<16xf32>,
      tpu.vector_store %arg11[%swap3A_1350, %swap3A_1351], %add3A_1349 {strides = array<i32>} : memref<64x128xf32, #tpu.memory_space<vmem>>, vector<16xf32>,
      %add3A_1353 = arith.constant 80 : i32
      %add3A_1354 = vector.broadcast %add3A_1353 : i32 to vector<16xi32>
      %add3A_1355 = arith.addi %iota3A, %add3A_1354 : vector<16xi32>
      %gather3A_1356 = tpu.vector_load_idx %arg10[%add3A_1355, %broadcast_in_dim3A_1297] : memref<128x128xf32, #tpu.memory_space<vmem>>[vector<16xi32>, vector<16xi32>], vector<16xf32>,
      %mul3A_1357 = arith.constant 6.250000e-02 : f32
      %mul3A_1358 = vector.broadcast %mul3A_1357 : f32 to vector<16xf32>
      %mul3A_1359 = arith.mulf %gather3A_1356, %mul3A_1358 : vector<16xf32>
      %add3A_1360 = arith.addf %mul3A_1359, %gather3A : vector<16xf32>
      %swap3A_1361 = arith.index_cast %scan3A_1295 : i32 to index
      %swap3A_1362 = arith.constant 80 : index
      %swap3A_1363 = tpu.vector_load %arg11[%swap3A_1361, %swap3A_1362] {strides = array<i32>} : memref<64x128xf32, #tpu.memory_space<vmem>>, vector<16xf32>,
      tpu.vector_store %arg11[%swap3A_1361, %swap3A_1362], %add3A_1360 {strides = array<i32>} : memref<64x128xf32, #tpu.memory_space<vmem>>, vector<16xf32>,
      %add3A_1364 = arith.constant 96 : i32
      %add3A_1365 = vector.broadcast %add3A_1364 : i32 to vector<16xi32>
      %add3A_1366 = arith.addi %iota3A, %add3A_1365 : vector<16xi32>
      %gather3A_1367 = tpu.vector_load_idx %arg10[%add3A_1366, %broadcast_in_dim3A_1297] : memref<128x128xf32, #tpu.memory_space<vmem>>[vector<16xi32>, vector<16xi32>], vector<16xf32>,
      %mul3A_1368 = arith.constant 6.250000e-02 : f32
      %mul3A_1369 = vector.broadcast %mul3A_1368 : f32 to vector<16xf32>
      %mul3A_1370 = arith.mulf %gather3A_1367, %mul3A_1369 : vector<16xf32>
      %add3A_1371 = arith.addf %mul3A_1370, %gather3A : vector<16xf32>
      %swap3A_1372 = arith.index_cast %scan3A_1295 : i32 to index
      %swap3A_1373 = arith.constant 96 : index
      %swap3A_1374 = tpu.vector_load %arg11[%swap3A_1372, %swap3A_1373] {strides = array<i32>} : memref<64x128xf32, #tpu.memory_space<vmem>>, vector<16xf32>,
      tpu.vector_store %arg11[%swap3A_1372, %swap3A_1373], %add3A_1371 {strides = array<i32>} : memref<64x128xf32, #tpu.memory_space<vmem>>, vector<16xf32>,
      %add3A_1375 = arith.constant 112 : i32
      %add3A_1376 = vector.broadcast %add3A_1375 : i32 to vector<16xi32>
      %add3A_1377 = arith.addi %iota3A, %add3A_1376 : vector<16xi32>
      %gather3A_1378 = tpu.vector_load_idx %arg10[%add3A_1377, %broadcast_in_dim3A_1297] : memref<128x128xf32, #tpu.memory_space<vmem>>[vector<16xi32>, vector<16xi32>], vector<16xf32>,
      %mul3A_1379 = arith.constant 6.250000e-02 : f32
      %mul3A_1380 = vector.broadcast %mul3A_1379 : f32 to vector<16xf32>
      %mul3A_1381 = arith.mulf %gather3A_1378, %mul3A_1380 : vector<16xf32>
      %add3A_1382 = arith.addf %mul3A_1381, %gather3A : vector<16xf32>
      %swap3A_1383 = arith.index_cast %scan3A_1295 : i32 to index
      %swap3A_1384 = arith.constant 112 : index
      %swap3A_1385 = tpu.vector_load %arg11[%swap3A_1383, %swap3A_1384] {strides = array<i32>} : memref<64x128xf32, #tpu.memory_space<vmem>>, vector<16xf32>,
      tpu.vector_store %arg11[%swap3A_1383, %swap3A_1384], %add3A_1382 {strides = array<i32>} : memref<64x128xf32, #tpu.memory_space<vmem>>, vector<16xf32>,
      %scan3A_1386 = arith.constant 0 : i32
      scf.yield %scan3A_1386 : i32
    }
    %scan3A_931 = arith.constant 64 : i32
    %add3A_932 = arith.constant 128 : i32
    %add3A_933 = arith.addi %mul3A_2, %add3A_932 : i32
    "tpu.region"() ({
      %run_scoped3A = tpu.sem_alloc : memref<!tpu.dma_semaphore, #tpu.memory_space<semaphore_mem>>
      %dma_start3A_1295 = arith.constant 0 : i32
      %dma_start3A_1296 = tpu.memref_slice %arg5[%dma_start3A_1295, %add3A_933] : memref<64x16384xf32, #tpu.memory_space<hbm>> -> memref<64x128xf32, #tpu.memory_space<hbm>>
      %dma_start3A_1297 = arith.constant 0 : i32
      %dma_start3A_1298 = tpu.memref_slice %arg5[%dma_start3A_1297, %add3A_933] : memref<64x16384xf32, #tpu.memory_space<hbm>> -> memref<64x128xf32, #tpu.memory_space<hbm>>
      tpu.enqueue_dma source(%arg11 : memref<64x128xf32, #tpu.memory_space<vmem>>) target(%dma_start3A_1298 : memref<64x128xf32, #tpu.memory_space<hbm>>) target_semaphore(%run_scoped3A : memref<!tpu.dma_semaphore, #tpu.memory_space<semaphore_mem>>)
      %dma_wait3A_1299 = arith.constant 0 : i32
      %dma_wait3A_1300 = tpu.memref_slice %arg5[%dma_wait3A_1299, %add3A_933] : memref<64x16384xf32, #tpu.memory_space<hbm>> -> memref<64x128xf32, #tpu.memory_space<hbm>>
      %dma_wait3A_1301 = arith.constant 0 : i32
      %dma_wait3A_1302 = tpu.memref_slice %arg5[%dma_wait3A_1301, %add3A_933] : memref<64x16384xf32, #tpu.memory_space<hbm>> -> memref<64x128xf32, #tpu.memory_space<hbm>>
      tpu.wait_dma2 semaphore(%run_scoped3A : memref<!tpu.dma_semaphore, #tpu.memory_space<semaphore_mem>>) src(%arg11 : memref<64x128xf32, #tpu.memory_space<vmem>>) dst(%dma_wait3A_1302 : memref<64x128xf32, #tpu.memory_space<hbm>>)
      tpu.yield
    }) : () -> ()
    %scan3A_934 = arith.constant 0 : i32
    %scan3A_935 = arith.constant 0 : i32
    %scan3A_936 = arith.constant 128 : i32
    %scan3A_937 = arith.addi %scan3A_935, %scan3A_936 : i32
    %scan3A_938 = arith.constant 1 : i32
    %scan3A_939 = scf.for %scan3A_1295 = %scan3A_935 to %scan3A_937 step %scan3A_938 iter_args(%scan3A_1296 = %scan3A_934) -> (i32)  : i32 {
      %swap3A_1297 = arith.index_cast %scan3A_1295 : i32 to index
      %swap3A_1298 = arith.constant 0 : index
      %swap3A_1299 = tpu.vector_load %arg10[%swap3A_1297, %swap3A_1298] {strides = array<i32>} : memref<128x128xf32, #tpu.memory_space<vmem>>, vector<16xf32>,
      tpu.vector_store %arg10[%swap3A_1297, %swap3A_1298], %broadcast_in_dim3A_337 {strides = array<i32>} : memref<128x128xf32, #tpu.memory_space<vmem>>, vector<16xf32>,
      %swap3A_1300 = arith.index_cast %scan3A_1295 : i32 to index
      %swap3A_1301 = arith.constant 16 : index
      %swap3A_1302 = tpu.vector_load %arg10[%swap3A_1300, %swap3A_1301] {strides = array<i32>} : memref<128x128xf32, #tpu.memory_space<vmem>>, vector<16xf32>,
      tpu.vector_store %arg10[%swap3A_1300, %swap3A_1301], %broadcast_in_dim3A_337 {strides = array<i32>} : memref<128x128xf32, #tpu.memory_space<vmem>>, vector<16xf32>,
      %swap3A_1303 = arith.index_cast %scan3A_1295 : i32 to index
      %swap3A_1304 = arith.constant 32 : index
      %swap3A_1305 = tpu.vector_load %arg10[%swap3A_1303, %swap3A_1304] {strides = array<i32>} : memref<128x128xf32, #tpu.memory_space<vmem>>, vector<16xf32>,
      tpu.vector_store %arg10[%swap3A_1303, %swap3A_1304], %broadcast_in_dim3A_337 {strides = array<i32>} : memref<128x128xf32, #tpu.memory_space<vmem>>, vector<16xf32>,
      %swap3A_1306 = arith.index_cast %scan3A_1295 : i32 to index
      %swap3A_1307 = arith.constant 48 : index
      %swap3A_1308 = tpu.vector_load %arg10[%swap3A_1306, %swap3A_1307] {strides = array<i32>} : memref<128x128xf32, #tpu.memory_space<vmem>>, vector<16xf32>,
      tpu.vector_store %arg10[%swap3A_1306, %swap3A_1307], %broadcast_in_dim3A_337 {strides = array<i32>} : memref<128x128xf32, #tpu.memory_space<vmem>>, vector<16xf32>,
      %scan3A_1309 = arith.constant 0 : i32
      scf.yield %scan3A_1309 : i32
    }
    %scan3A_940 = arith.constant 128 : i32
    %dma_start3A_941 = arith.constant 0 : i32
    %dma_start3A_942 = arith.constant 384 : i32
    %dma_start3A_943 = tpu.memref_slice %arg6[%dma_start3A_941, %dma_start3A_942] : memref<16x512xi32, #tpu.memory_space<vmem>> -> memref<1x128xi32, #tpu.memory_space<vmem>>
    %dma_start3A_944 = tpu.memref_squeeze %dma_start3A_943 : memref<1x128xi32, #tpu.memory_space<vmem>> -> memref<128xi32, #tpu.memory_space<vmem>>
    %dma_start3A_945 = arith.constant 0 : i32
    %dma_start3A_946 = arith.constant 0 : i32
    %dma_start3A_947 = tpu.memref_slice %arg3[%dma_start3A_945, %dma_start3A_946] : memref<1000000x128xf32, #tpu.memory_space<hbm>> -> memref<1000000x128xf32, #tpu.memory_space<hbm>>
    tpu.enqueue_indirect_dma source(%dma_start3A_947 : memref<1000000x128xf32, #tpu.memory_space<hbm>>) target(%arg10 : memref<128x128xf32, #tpu.memory_space<vmem>>) offsets(%dma_start3A_944 : memref<128xi32, #tpu.memory_space<vmem>>) semaphore(%arg13 : memref<!tpu.dma_semaphore, #tpu.memory_space<semaphore_mem>>) {add = true}
    %dma_start3A_948 = arith.constant 1 : i32
    %dma_start3A_949 = arith.constant 384 : i32
    %dma_start3A_950 = tpu.memref_slice %arg6[%dma_start3A_948, %dma_start3A_949] : memref<16x512xi32, #tpu.memory_space<vmem>> -> memref<1x128xi32, #tpu.memory_space<vmem>>
    %dma_start3A_951 = tpu.memref_squeeze %dma_start3A_950 : memref<1x128xi32, #tpu.memory_space<vmem>> -> memref<128xi32, #tpu.memory_space<vmem>>
    %dma_start3A_952 = arith.constant 0 : i32
    %dma_start3A_953 = arith.constant 0 : i32
    %dma_start3A_954 = tpu.memref_slice %arg3[%dma_start3A_952, %dma_start3A_953] : memref<1000000x128xf32, #tpu.memory_space<hbm>> -> memref<1000000x128xf32, #tpu.memory_space<hbm>>
    tpu.enqueue_indirect_dma source(%dma_start3A_954 : memref<1000000x128xf32, #tpu.memory_space<hbm>>) target(%arg10 : memref<128x128xf32, #tpu.memory_space<vmem>>) offsets(%dma_start3A_951 : memref<128xi32, #tpu.memory_space<vmem>>) semaphore(%arg13 : memref<!tpu.dma_semaphore, #tpu.memory_space<semaphore_mem>>) {add = true}
    %dma_start3A_955 = arith.constant 2 : i32
    %dma_start3A_956 = arith.constant 384 : i32
    %dma_start3A_957 = tpu.memref_slice %arg6[%dma_start3A_955, %dma_start3A_956] : memref<16x512xi32, #tpu.memory_space<vmem>> -> memref<1x128xi32, #tpu.memory_space<vmem>>
    %dma_start3A_958 = tpu.memref_squeeze %dma_start3A_957 : memref<1x128xi32, #tpu.memory_space<vmem>> -> memref<128xi32, #tpu.memory_space<vmem>>
    %dma_start3A_959 = arith.constant 0 : i32
    %dma_start3A_960 = arith.constant 0 : i32
    %dma_start3A_961 = tpu.memref_slice %arg3[%dma_start3A_959, %dma_start3A_960] : memref<1000000x128xf32, #tpu.memory_space<hbm>> -> memref<1000000x128xf32, #tpu.memory_space<hbm>>
    tpu.enqueue_indirect_dma source(%dma_start3A_961 : memref<1000000x128xf32, #tpu.memory_space<hbm>>) target(%arg10 : memref<128x128xf32, #tpu.memory_space<vmem>>) offsets(%dma_start3A_958 : memref<128xi32, #tpu.memory_space<vmem>>) semaphore(%arg13 : memref<!tpu.dma_semaphore, #tpu.memory_space<semaphore_mem>>) {add = true}
    %dma_start3A_962 = arith.constant 3 : i32
    %dma_start3A_963 = arith.constant 384 : i32
    %dma_start3A_964 = tpu.memref_slice %arg6[%dma_start3A_962, %dma_start3A_963] : memref<16x512xi32, #tpu.memory_space<vmem>> -> memref<1x128xi32, #tpu.memory_space<vmem>>
    %dma_start3A_965 = tpu.memref_squeeze %dma_start3A_964 : memref<1x128xi32, #tpu.memory_space<vmem>> -> memref<128xi32, #tpu.memory_space<vmem>>
    %dma_start3A_966 = arith.constant 0 : i32
    %dma_start3A_967 = arith.constant 0 : i32
    %dma_start3A_968 = tpu.memref_slice %arg3[%dma_start3A_966, %dma_start3A_967] : memref<1000000x128xf32, #tpu.memory_space<hbm>> -> memref<1000000x128xf32, #tpu.memory_space<hbm>>
    tpu.enqueue_indirect_dma source(%dma_start3A_968 : memref<1000000x128xf32, #tpu.memory_space<hbm>>) target(%arg10 : memref<128x128xf32, #tpu.memory_space<vmem>>) offsets(%dma_start3A_965 : memref<128xi32, #tpu.memory_space<vmem>>) semaphore(%arg13 : memref<!tpu.dma_semaphore, #tpu.memory_space<semaphore_mem>>) {add = true}
    %dma_start3A_969 = arith.constant 4 : i32
    %dma_start3A_970 = arith.constant 384 : i32
    %dma_start3A_971 = tpu.memref_slice %arg6[%dma_start3A_969, %dma_start3A_970] : memref<16x512xi32, #tpu.memory_space<vmem>> -> memref<1x128xi32, #tpu.memory_space<vmem>>
    %dma_start3A_972 = tpu.memref_squeeze %dma_start3A_971 : memref<1x128xi32, #tpu.memory_space<vmem>> -> memref<128xi32, #tpu.memory_space<vmem>>
    %dma_start3A_973 = arith.constant 0 : i32
    %dma_start3A_974 = arith.constant 0 : i32
    %dma_start3A_975 = tpu.memref_slice %arg3[%dma_start3A_973, %dma_start3A_974] : memref<1000000x128xf32, #tpu.memory_space<hbm>> -> memref<1000000x128xf32, #tpu.memory_space<hbm>>
    tpu.enqueue_indirect_dma source(%dma_start3A_975 : memref<1000000x128xf32, #tpu.memory_space<hbm>>) target(%arg10 : memref<128x128xf32, #tpu.memory_space<vmem>>) offsets(%dma_start3A_972 : memref<128xi32, #tpu.memory_space<vmem>>) semaphore(%arg13 : memref<!tpu.dma_semaphore, #tpu.memory_space<semaphore_mem>>) {add = true}
    %dma_start3A_976 = arith.constant 5 : i32
    %dma_start3A_977 = arith.constant 384 : i32
    %dma_start3A_978 = tpu.memref_slice %arg6[%dma_start3A_976, %dma_start3A_977] : memref<16x512xi32, #tpu.memory_space<vmem>> -> memref<1x128xi32, #tpu.memory_space<vmem>>
    %dma_start3A_979 = tpu.memref_squeeze %dma_start3A_978 : memref<1x128xi32, #tpu.memory_space<vmem>> -> memref<128xi32, #tpu.memory_space<vmem>>
    %dma_start3A_980 = arith.constant 0 : i32
    %dma_start3A_981 = arith.constant 0 : i32
    %dma_start3A_982 = tpu.memref_slice %arg3[%dma_start3A_980, %dma_start3A_981] : memref<1000000x128xf32, #tpu.memory_space<hbm>> -> memref<1000000x128xf32, #tpu.memory_space<hbm>>
    tpu.enqueue_indirect_dma source(%dma_start3A_982 : memref<1000000x128xf32, #tpu.memory_space<hbm>>) target(%arg10 : memref<128x128xf32, #tpu.memory_space<vmem>>) offsets(%dma_start3A_979 : memref<128xi32, #tpu.memory_space<vmem>>) semaphore(%arg13 : memref<!tpu.dma_semaphore, #tpu.memory_space<semaphore_mem>>) {add = true}
    %dma_start3A_983 = arith.constant 6 : i32
    %dma_start3A_984 = arith.constant 384 : i32
    %dma_start3A_985 = tpu.memref_slice %arg6[%dma_start3A_983, %dma_start3A_984] : memref<16x512xi32, #tpu.memory_space<vmem>> -> memref<1x128xi32, #tpu.memory_space<vmem>>
    %dma_start3A_986 = tpu.memref_squeeze %dma_start3A_985 : memref<1x128xi32, #tpu.memory_space<vmem>> -> memref<128xi32, #tpu.memory_space<vmem>>
    %dma_start3A_987 = arith.constant 0 : i32
    %dma_start3A_988 = arith.constant 0 : i32
    %dma_start3A_989 = tpu.memref_slice %arg3[%dma_start3A_987, %dma_start3A_988] : memref<1000000x128xf32, #tpu.memory_space<hbm>> -> memref<1000000x128xf32, #tpu.memory_space<hbm>>
    tpu.enqueue_indirect_dma source(%dma_start3A_989 : memref<1000000x128xf32, #tpu.memory_space<hbm>>) target(%arg10 : memref<128x128xf32, #tpu.memory_space<vmem>>) offsets(%dma_start3A_986 : memref<128xi32, #tpu.memory_space<vmem>>) semaphore(%arg13 : memref<!tpu.dma_semaphore, #tpu.memory_space<semaphore_mem>>) {add = true}
    %dma_start3A_990 = arith.constant 7 : i32
    %dma_start3A_991 = arith.constant 384 : i32
    %dma_start3A_992 = tpu.memref_slice %arg6[%dma_start3A_990, %dma_start3A_991] : memref<16x512xi32, #tpu.memory_space<vmem>> -> memref<1x128xi32, #tpu.memory_space<vmem>>
    %dma_start3A_993 = tpu.memref_squeeze %dma_start3A_992 : memref<1x128xi32, #tpu.memory_space<vmem>> -> memref<128xi32, #tpu.memory_space<vmem>>
    %dma_start3A_994 = arith.constant 0 : i32
    %dma_start3A_995 = arith.constant 0 : i32
    %dma_start3A_996 = tpu.memref_slice %arg3[%dma_start3A_994, %dma_start3A_995] : memref<1000000x128xf32, #tpu.memory_space<hbm>> -> memref<1000000x128xf32, #tpu.memory_space<hbm>>
    tpu.enqueue_indirect_dma source(%dma_start3A_996 : memref<1000000x128xf32, #tpu.memory_space<hbm>>) target(%arg10 : memref<128x128xf32, #tpu.memory_space<vmem>>) offsets(%dma_start3A_993 : memref<128xi32, #tpu.memory_space<vmem>>) semaphore(%arg13 : memref<!tpu.dma_semaphore, #tpu.memory_space<semaphore_mem>>) {add = true}
    %dma_start3A_997 = arith.constant 8 : i32
    %dma_start3A_998 = arith.constant 384 : i32
    %dma_start3A_999 = tpu.memref_slice %arg6[%dma_start3A_997, %dma_start3A_998] : memref<16x512xi32, #tpu.memory_space<vmem>> -> memref<1x128xi32, #tpu.memory_space<vmem>>
    %dma_start3A_1000 = tpu.memref_squeeze %dma_start3A_999 : memref<1x128xi32, #tpu.memory_space<vmem>> -> memref<128xi32, #tpu.memory_space<vmem>>
    %dma_start3A_1001 = arith.constant 0 : i32
    %dma_start3A_1002 = arith.constant 0 : i32
    %dma_start3A_1003 = tpu.memref_slice %arg3[%dma_start3A_1001, %dma_start3A_1002] : memref<1000000x128xf32, #tpu.memory_space<hbm>> -> memref<1000000x128xf32, #tpu.memory_space<hbm>>
    tpu.enqueue_indirect_dma source(%dma_start3A_1003 : memref<1000000x128xf32, #tpu.memory_space<hbm>>) target(%arg10 : memref<128x128xf32, #tpu.memory_space<vmem>>) offsets(%dma_start3A_1000 : memref<128xi32, #tpu.memory_space<vmem>>) semaphore(%arg13 : memref<!tpu.dma_semaphore, #tpu.memory_space<semaphore_mem>>) {add = true}
    %dma_start3A_1004 = arith.constant 9 : i32
    %dma_start3A_1005 = arith.constant 384 : i32
    %dma_start3A_1006 = tpu.memref_slice %arg6[%dma_start3A_1004, %dma_start3A_1005] : memref<16x512xi32, #tpu.memory_space<vmem>> -> memref<1x128xi32, #tpu.memory_space<vmem>>
    %dma_start3A_1007 = tpu.memref_squeeze %dma_start3A_1006 : memref<1x128xi32, #tpu.memory_space<vmem>> -> memref<128xi32, #tpu.memory_space<vmem>>
    %dma_start3A_1008 = arith.constant 0 : i32
    %dma_start3A_1009 = arith.constant 0 : i32
    %dma_start3A_1010 = tpu.memref_slice %arg3[%dma_start3A_1008, %dma_start3A_1009] : memref<1000000x128xf32, #tpu.memory_space<hbm>> -> memref<1000000x128xf32, #tpu.memory_space<hbm>>
    tpu.enqueue_indirect_dma source(%dma_start3A_1010 : memref<1000000x128xf32, #tpu.memory_space<hbm>>) target(%arg10 : memref<128x128xf32, #tpu.memory_space<vmem>>) offsets(%dma_start3A_1007 : memref<128xi32, #tpu.memory_space<vmem>>) semaphore(%arg13 : memref<!tpu.dma_semaphore, #tpu.memory_space<semaphore_mem>>) {add = true}
    %dma_start3A_1011 = arith.constant 10 : i32
    %dma_start3A_1012 = arith.constant 384 : i32
    %dma_start3A_1013 = tpu.memref_slice %arg6[%dma_start3A_1011, %dma_start3A_1012] : memref<16x512xi32, #tpu.memory_space<vmem>> -> memref<1x128xi32, #tpu.memory_space<vmem>>
    %dma_start3A_1014 = tpu.memref_squeeze %dma_start3A_1013 : memref<1x128xi32, #tpu.memory_space<vmem>> -> memref<128xi32, #tpu.memory_space<vmem>>
    %dma_start3A_1015 = arith.constant 0 : i32
    %dma_start3A_1016 = arith.constant 0 : i32
    %dma_start3A_1017 = tpu.memref_slice %arg3[%dma_start3A_1015, %dma_start3A_1016] : memref<1000000x128xf32, #tpu.memory_space<hbm>> -> memref<1000000x128xf32, #tpu.memory_space<hbm>>
    tpu.enqueue_indirect_dma source(%dma_start3A_1017 : memref<1000000x128xf32, #tpu.memory_space<hbm>>) target(%arg10 : memref<128x128xf32, #tpu.memory_space<vmem>>) offsets(%dma_start3A_1014 : memref<128xi32, #tpu.memory_space<vmem>>) semaphore(%arg13 : memref<!tpu.dma_semaphore, #tpu.memory_space<semaphore_mem>>) {add = true}
    %dma_start3A_1018 = arith.constant 11 : i32
    %dma_start3A_1019 = arith.constant 384 : i32
    %dma_start3A_1020 = tpu.memref_slice %arg6[%dma_start3A_1018, %dma_start3A_1019] : memref<16x512xi32, #tpu.memory_space<vmem>> -> memref<1x128xi32, #tpu.memory_space<vmem>>
    %dma_start3A_1021 = tpu.memref_squeeze %dma_start3A_1020 : memref<1x128xi32, #tpu.memory_space<vmem>> -> memref<128xi32, #tpu.memory_space<vmem>>
    %dma_start3A_1022 = arith.constant 0 : i32
    %dma_start3A_1023 = arith.constant 0 : i32
    %dma_start3A_1024 = tpu.memref_slice %arg3[%dma_start3A_1022, %dma_start3A_1023] : memref<1000000x128xf32, #tpu.memory_space<hbm>> -> memref<1000000x128xf32, #tpu.memory_space<hbm>>
    tpu.enqueue_indirect_dma source(%dma_start3A_1024 : memref<1000000x128xf32, #tpu.memory_space<hbm>>) target(%arg10 : memref<128x128xf32, #tpu.memory_space<vmem>>) offsets(%dma_start3A_1021 : memref<128xi32, #tpu.memory_space<vmem>>) semaphore(%arg13 : memref<!tpu.dma_semaphore, #tpu.memory_space<semaphore_mem>>) {add = true}
    %dma_start3A_1025 = arith.constant 12 : i32
    %dma_start3A_1026 = arith.constant 384 : i32
    %dma_start3A_1027 = tpu.memref_slice %arg6[%dma_start3A_1025, %dma_start3A_1026] : memref<16x512xi32, #tpu.memory_space<vmem>> -> memref<1x128xi32, #tpu.memory_space<vmem>>
    %dma_start3A_1028 = tpu.memref_squeeze %dma_start3A_1027 : memref<1x128xi32, #tpu.memory_space<vmem>> -> memref<128xi32, #tpu.memory_space<vmem>>
    %dma_start3A_1029 = arith.constant 0 : i32
    %dma_start3A_1030 = arith.constant 0 : i32
    %dma_start3A_1031 = tpu.memref_slice %arg3[%dma_start3A_1029, %dma_start3A_1030] : memref<1000000x128xf32, #tpu.memory_space<hbm>> -> memref<1000000x128xf32, #tpu.memory_space<hbm>>
    tpu.enqueue_indirect_dma source(%dma_start3A_1031 : memref<1000000x128xf32, #tpu.memory_space<hbm>>) target(%arg10 : memref<128x128xf32, #tpu.memory_space<vmem>>) offsets(%dma_start3A_1028 : memref<128xi32, #tpu.memory_space<vmem>>) semaphore(%arg13 : memref<!tpu.dma_semaphore, #tpu.memory_space<semaphore_mem>>) {add = true}
    %dma_start3A_1032 = arith.constant 13 : i32
    %dma_start3A_1033 = arith.constant 384 : i32
    %dma_start3A_1034 = tpu.memref_slice %arg6[%dma_start3A_1032, %dma_start3A_1033] : memref<16x512xi32, #tpu.memory_space<vmem>> -> memref<1x128xi32, #tpu.memory_space<vmem>>
    %dma_start3A_1035 = tpu.memref_squeeze %dma_start3A_1034 : memref<1x128xi32, #tpu.memory_space<vmem>> -> memref<128xi32, #tpu.memory_space<vmem>>
    %dma_start3A_1036 = arith.constant 0 : i32
    %dma_start3A_1037 = arith.constant 0 : i32
    %dma_start3A_1038 = tpu.memref_slice %arg3[%dma_start3A_1036, %dma_start3A_1037] : memref<1000000x128xf32, #tpu.memory_space<hbm>> -> memref<1000000x128xf32, #tpu.memory_space<hbm>>
    tpu.enqueue_indirect_dma source(%dma_start3A_1038 : memref<1000000x128xf32, #tpu.memory_space<hbm>>) target(%arg10 : memref<128x128xf32, #tpu.memory_space<vmem>>) offsets(%dma_start3A_1035 : memref<128xi32, #tpu.memory_space<vmem>>) semaphore(%arg13 : memref<!tpu.dma_semaphore, #tpu.memory_space<semaphore_mem>>) {add = true}
    %dma_start3A_1039 = arith.constant 14 : i32
    %dma_start3A_1040 = arith.constant 384 : i32
    %dma_start3A_1041 = tpu.memref_slice %arg6[%dma_start3A_1039, %dma_start3A_1040] : memref<16x512xi32, #tpu.memory_space<vmem>> -> memref<1x128xi32, #tpu.memory_space<vmem>>
    %dma_start3A_1042 = tpu.memref_squeeze %dma_start3A_1041 : memref<1x128xi32, #tpu.memory_space<vmem>> -> memref<128xi32, #tpu.memory_space<vmem>>
    %dma_start3A_1043 = arith.constant 0 : i32
    %dma_start3A_1044 = arith.constant 0 : i32
    %dma_start3A_1045 = tpu.memref_slice %arg3[%dma_start3A_1043, %dma_start3A_1044] : memref<1000000x128xf32, #tpu.memory_space<hbm>> -> memref<1000000x128xf32, #tpu.memory_space<hbm>>
    tpu.enqueue_indirect_dma source(%dma_start3A_1045 : memref<1000000x128xf32, #tpu.memory_space<hbm>>) target(%arg10 : memref<128x128xf32, #tpu.memory_space<vmem>>) offsets(%dma_start3A_1042 : memref<128xi32, #tpu.memory_space<vmem>>) semaphore(%arg13 : memref<!tpu.dma_semaphore, #tpu.memory_space<semaphore_mem>>) {add = true}
    %dma_start3A_1046 = arith.constant 15 : i32
    %dma_start3A_1047 = arith.constant 384 : i32
    %dma_start3A_1048 = tpu.memref_slice %arg6[%dma_start3A_1046, %dma_start3A_1047] : memref<16x512xi32, #tpu.memory_space<vmem>> -> memref<1x128xi32, #tpu.memory_space<vmem>>
    %dma_start3A_1049 = tpu.memref_squeeze %dma_start3A_1048 : memref<1x128xi32, #tpu.memory_space<vmem>> -> memref<128xi32, #tpu.memory_space<vmem>>
    %dma_start3A_1050 = arith.constant 0 : i32
    %dma_start3A_1051 = arith.constant 0 : i32
    %dma_start3A_1052 = tpu.memref_slice %arg3[%dma_start3A_1050, %dma_start3A_1051] : memref<1000000x128xf32, #tpu.memory_space<hbm>> -> memref<1000000x128xf32, #tpu.memory_space<hbm>>
    tpu.enqueue_indirect_dma source(%dma_start3A_1052 : memref<1000000x128xf32, #tpu.memory_space<hbm>>) target(%arg10 : memref<128x128xf32, #tpu.memory_space<vmem>>) offsets(%dma_start3A_1049 : memref<128xi32, #tpu.memory_space<vmem>>) semaphore(%arg13 : memref<!tpu.dma_semaphore, #tpu.memory_space<semaphore_mem>>) {add = true}
    %dma_wait3A_1053 = arith.constant 0 : i32
    %dma_wait3A_1054 = arith.constant 0 : i32
    %dma_wait3A_1055 = tpu.memref_slice %arg6[%dma_wait3A_1053, %dma_wait3A_1054] : memref<16x512xi32, #tpu.memory_space<vmem>> -> memref<1x128xi32, #tpu.memory_space<vmem>>
    %dma_wait3A_1056 = tpu.memref_squeeze %dma_wait3A_1055 : memref<1x128xi32, #tpu.memory_space<vmem>> -> memref<128xi32, #tpu.memory_space<vmem>>
    %dma_wait3A_1057 = arith.constant 0 : i32
    %dma_wait3A_1058 = arith.constant 0 : i32
    %dma_wait3A_1059 = tpu.memref_slice %arg3[%dma_wait3A_1057, %dma_wait3A_1058] : memref<1000000x128xf32, #tpu.memory_space<hbm>> -> memref<1000000x128xf32, #tpu.memory_space<hbm>>
    tpu.wait_indirect_dma semaphore(%arg12 : memref<!tpu.dma_semaphore, #tpu.memory_space<semaphore_mem>>) src(%dma_wait3A_1059 : memref<1000000x128xf32, #tpu.memory_space<hbm>>) dst(%arg9 : memref<128x128xf32, #tpu.memory_space<vmem>>)
    %dma_wait3A_1060 = arith.constant 0 : i32
    %dma_wait3A_1061 = arith.constant 0 : i32
    %dma_wait3A_1062 = tpu.memref_slice %arg6[%dma_wait3A_1060, %dma_wait3A_1061] : memref<16x512xi32, #tpu.memory_space<vmem>> -> memref<1x128xi32, #tpu.memory_space<vmem>>
    %dma_wait3A_1063 = tpu.memref_squeeze %dma_wait3A_1062 : memref<1x128xi32, #tpu.memory_space<vmem>> -> memref<128xi32, #tpu.memory_space<vmem>>
    %dma_wait3A_1064 = arith.constant 0 : i32
    %dma_wait3A_1065 = arith.constant 0 : i32
    %dma_wait3A_1066 = tpu.memref_slice %arg3[%dma_wait3A_1064, %dma_wait3A_1065] : memref<1000000x128xf32, #tpu.memory_space<hbm>> -> memref<1000000x128xf32, #tpu.memory_space<hbm>>
    tpu.wait_indirect_dma semaphore(%arg12 : memref<!tpu.dma_semaphore, #tpu.memory_space<semaphore_mem>>) src(%dma_wait3A_1066 : memref<1000000x128xf32, #tpu.memory_space<hbm>>) dst(%arg9 : memref<128x128xf32, #tpu.memory_space<vmem>>)
    %dma_wait3A_1067 = arith.constant 0 : i32
    %dma_wait3A_1068 = arith.constant 0 : i32
    %dma_wait3A_1069 = tpu.memref_slice %arg6[%dma_wait3A_1067, %dma_wait3A_1068] : memref<16x512xi32, #tpu.memory_space<vmem>> -> memref<1x128xi32, #tpu.memory_space<vmem>>
    %dma_wait3A_1070 = tpu.memref_squeeze %dma_wait3A_1069 : memref<1x128xi32, #tpu.memory_space<vmem>> -> memref<128xi32, #tpu.memory_space<vmem>>
    %dma_wait3A_1071 = arith.constant 0 : i32
    %dma_wait3A_1072 = arith.constant 0 : i32
    %dma_wait3A_1073 = tpu.memref_slice %arg3[%dma_wait3A_1071, %dma_wait3A_1072] : memref<1000000x128xf32, #tpu.memory_space<hbm>> -> memref<1000000x128xf32, #tpu.memory_space<hbm>>
    tpu.wait_indirect_dma semaphore(%arg12 : memref<!tpu.dma_semaphore, #tpu.memory_space<semaphore_mem>>) src(%dma_wait3A_1073 : memref<1000000x128xf32, #tpu.memory_space<hbm>>) dst(%arg9 : memref<128x128xf32, #tpu.memory_space<vmem>>)
    %dma_wait3A_1074 = arith.constant 0 : i32
    %dma_wait3A_1075 = arith.constant 0 : i32
    %dma_wait3A_1076 = tpu.memref_slice %arg6[%dma_wait3A_1074, %dma_wait3A_1075] : memref<16x512xi32, #tpu.memory_space<vmem>> -> memref<1x128xi32, #tpu.memory_space<vmem>>
    %dma_wait3A_1077 = tpu.memref_squeeze %dma_wait3A_1076 : memref<1x128xi32, #tpu.memory_space<vmem>> -> memref<128xi32, #tpu.memory_space<vmem>>
    %dma_wait3A_1078 = arith.constant 0 : i32
    %dma_wait3A_1079 = arith.constant 0 : i32
    %dma_wait3A_1080 = tpu.memref_slice %arg3[%dma_wait3A_1078, %dma_wait3A_1079] : memref<1000000x128xf32, #tpu.memory_space<hbm>> -> memref<1000000x128xf32, #tpu.memory_space<hbm>>
    tpu.wait_indirect_dma semaphore(%arg12 : memref<!tpu.dma_semaphore, #tpu.memory_space<semaphore_mem>>) src(%dma_wait3A_1080 : memref<1000000x128xf32, #tpu.memory_space<hbm>>) dst(%arg9 : memref<128x128xf32, #tpu.memory_space<vmem>>)
    %dma_wait3A_1081 = arith.constant 0 : i32
    %dma_wait3A_1082 = arith.constant 0 : i32
    %dma_wait3A_1083 = tpu.memref_slice %arg6[%dma_wait3A_1081, %dma_wait3A_1082] : memref<16x512xi32, #tpu.memory_space<vmem>> -> memref<1x128xi32, #tpu.memory_space<vmem>>
    %dma_wait3A_1084 = tpu.memref_squeeze %dma_wait3A_1083 : memref<1x128xi32, #tpu.memory_space<vmem>> -> memref<128xi32, #tpu.memory_space<vmem>>
    %dma_wait3A_1085 = arith.constant 0 : i32
    %dma_wait3A_1086 = arith.constant 0 : i32
    %dma_wait3A_1087 = tpu.memref_slice %arg3[%dma_wait3A_1085, %dma_wait3A_1086] : memref<1000000x128xf32, #tpu.memory_space<hbm>> -> memref<1000000x128xf32, #tpu.memory_space<hbm>>
    tpu.wait_indirect_dma semaphore(%arg12 : memref<!tpu.dma_semaphore, #tpu.memory_space<semaphore_mem>>) src(%dma_wait3A_1087 : memref<1000000x128xf32, #tpu.memory_space<hbm>>) dst(%arg9 : memref<128x128xf32, #tpu.memory_space<vmem>>)
    %dma_wait3A_1088 = arith.constant 0 : i32
    %dma_wait3A_1089 = arith.constant 0 : i32
    %dma_wait3A_1090 = tpu.memref_slice %arg6[%dma_wait3A_1088, %dma_wait3A_1089] : memref<16x512xi32, #tpu.memory_space<vmem>> -> memref<1x128xi32, #tpu.memory_space<vmem>>
    %dma_wait3A_1091 = tpu.memref_squeeze %dma_wait3A_1090 : memref<1x128xi32, #tpu.memory_space<vmem>> -> memref<128xi32, #tpu.memory_space<vmem>>
    %dma_wait3A_1092 = arith.constant 0 : i32
    %dma_wait3A_1093 = arith.constant 0 : i32
    %dma_wait3A_1094 = tpu.memref_slice %arg3[%dma_wait3A_1092, %dma_wait3A_1093] : memref<1000000x128xf32, #tpu.memory_space<hbm>> -> memref<1000000x128xf32, #tpu.memory_space<hbm>>
    tpu.wait_indirect_dma semaphore(%arg12 : memref<!tpu.dma_semaphore, #tpu.memory_space<semaphore_mem>>) src(%dma_wait3A_1094 : memref<1000000x128xf32, #tpu.memory_space<hbm>>) dst(%arg9 : memref<128x128xf32, #tpu.memory_space<vmem>>)
    %dma_wait3A_1095 = arith.constant 0 : i32
    %dma_wait3A_1096 = arith.constant 0 : i32
    %dma_wait3A_1097 = tpu.memref_slice %arg6[%dma_wait3A_1095, %dma_wait3A_1096] : memref<16x512xi32, #tpu.memory_space<vmem>> -> memref<1x128xi32, #tpu.memory_space<vmem>>
    %dma_wait3A_1098 = tpu.memref_squeeze %dma_wait3A_1097 : memref<1x128xi32, #tpu.memory_space<vmem>> -> memref<128xi32, #tpu.memory_space<vmem>>
    %dma_wait3A_1099 = arith.constant 0 : i32
    %dma_wait3A_1100 = arith.constant 0 : i32
    %dma_wait3A_1101 = tpu.memref_slice %arg3[%dma_wait3A_1099, %dma_wait3A_1100] : memref<1000000x128xf32, #tpu.memory_space<hbm>> -> memref<1000000x128xf32, #tpu.memory_space<hbm>>
    tpu.wait_indirect_dma semaphore(%arg12 : memref<!tpu.dma_semaphore, #tpu.memory_space<semaphore_mem>>) src(%dma_wait3A_1101 : memref<1000000x128xf32, #tpu.memory_space<hbm>>) dst(%arg9 : memref<128x128xf32, #tpu.memory_space<vmem>>)
    %dma_wait3A_1102 = arith.constant 0 : i32
    %dma_wait3A_1103 = arith.constant 0 : i32
    %dma_wait3A_1104 = tpu.memref_slice %arg6[%dma_wait3A_1102, %dma_wait3A_1103] : memref<16x512xi32, #tpu.memory_space<vmem>> -> memref<1x128xi32, #tpu.memory_space<vmem>>
    %dma_wait3A_1105 = tpu.memref_squeeze %dma_wait3A_1104 : memref<1x128xi32, #tpu.memory_space<vmem>> -> memref<128xi32, #tpu.memory_space<vmem>>
    %dma_wait3A_1106 = arith.constant 0 : i32
    %dma_wait3A_1107 = arith.constant 0 : i32
    %dma_wait3A_1108 = tpu.memref_slice %arg3[%dma_wait3A_1106, %dma_wait3A_1107] : memref<1000000x128xf32, #tpu.memory_space<hbm>> -> memref<1000000x128xf32, #tpu.memory_space<hbm>>
    tpu.wait_indirect_dma semaphore(%arg12 : memref<!tpu.dma_semaphore, #tpu.memory_space<semaphore_mem>>) src(%dma_wait3A_1108 : memref<1000000x128xf32, #tpu.memory_space<hbm>>) dst(%arg9 : memref<128x128xf32, #tpu.memory_space<vmem>>)
    %dma_wait3A_1109 = arith.constant 0 : i32
    %dma_wait3A_1110 = arith.constant 0 : i32
    %dma_wait3A_1111 = tpu.memref_slice %arg6[%dma_wait3A_1109, %dma_wait3A_1110] : memref<16x512xi32, #tpu.memory_space<vmem>> -> memref<1x128xi32, #tpu.memory_space<vmem>>
    %dma_wait3A_1112 = tpu.memref_squeeze %dma_wait3A_1111 : memref<1x128xi32, #tpu.memory_space<vmem>> -> memref<128xi32, #tpu.memory_space<vmem>>
    %dma_wait3A_1113 = arith.constant 0 : i32
    %dma_wait3A_1114 = arith.constant 0 : i32
    %dma_wait3A_1115 = tpu.memref_slice %arg3[%dma_wait3A_1113, %dma_wait3A_1114] : memref<1000000x128xf32, #tpu.memory_space<hbm>> -> memref<1000000x128xf32, #tpu.memory_space<hbm>>
    tpu.wait_indirect_dma semaphore(%arg12 : memref<!tpu.dma_semaphore, #tpu.memory_space<semaphore_mem>>) src(%dma_wait3A_1115 : memref<1000000x128xf32, #tpu.memory_space<hbm>>) dst(%arg9 : memref<128x128xf32, #tpu.memory_space<vmem>>)
    %dma_wait3A_1116 = arith.constant 0 : i32
    %dma_wait3A_1117 = arith.constant 0 : i32
    %dma_wait3A_1118 = tpu.memref_slice %arg6[%dma_wait3A_1116, %dma_wait3A_1117] : memref<16x512xi32, #tpu.memory_space<vmem>> -> memref<1x128xi32, #tpu.memory_space<vmem>>
    %dma_wait3A_1119 = tpu.memref_squeeze %dma_wait3A_1118 : memref<1x128xi32, #tpu.memory_space<vmem>> -> memref<128xi32, #tpu.memory_space<vmem>>
    %dma_wait3A_1120 = arith.constant 0 : i32
    %dma_wait3A_1121 = arith.constant 0 : i32
    %dma_wait3A_1122 = tpu.memref_slice %arg3[%dma_wait3A_1120, %dma_wait3A_1121] : memref<1000000x128xf32, #tpu.memory_space<hbm>> -> memref<1000000x128xf32, #tpu.memory_space<hbm>>
    tpu.wait_indirect_dma semaphore(%arg12 : memref<!tpu.dma_semaphore, #tpu.memory_space<semaphore_mem>>) src(%dma_wait3A_1122 : memref<1000000x128xf32, #tpu.memory_space<hbm>>) dst(%arg9 : memref<128x128xf32, #tpu.memory_space<vmem>>)
    %dma_wait3A_1123 = arith.constant 0 : i32
    %dma_wait3A_1124 = arith.constant 0 : i32
    %dma_wait3A_1125 = tpu.memref_slice %arg6[%dma_wait3A_1123, %dma_wait3A_1124] : memref<16x512xi32, #tpu.memory_space<vmem>> -> memref<1x128xi32, #tpu.memory_space<vmem>>
    %dma_wait3A_1126 = tpu.memref_squeeze %dma_wait3A_1125 : memref<1x128xi32, #tpu.memory_space<vmem>> -> memref<128xi32, #tpu.memory_space<vmem>>
    %dma_wait3A_1127 = arith.constant 0 : i32
    %dma_wait3A_1128 = arith.constant 0 : i32
    %dma_wait3A_1129 = tpu.memref_slice %arg3[%dma_wait3A_1127, %dma_wait3A_1128] : memref<1000000x128xf32, #tpu.memory_space<hbm>> -> memref<1000000x128xf32, #tpu.memory_space<hbm>>
    tpu.wait_indirect_dma semaphore(%arg12 : memref<!tpu.dma_semaphore, #tpu.memory_space<semaphore_mem>>) src(%dma_wait3A_1129 : memref<1000000x128xf32, #tpu.memory_space<hbm>>) dst(%arg9 : memref<128x128xf32, #tpu.memory_space<vmem>>)
    %dma_wait3A_1130 = arith.constant 0 : i32
    %dma_wait3A_1131 = arith.constant 0 : i32
    %dma_wait3A_1132 = tpu.memref_slice %arg6[%dma_wait3A_1130, %dma_wait3A_1131] : memref<16x512xi32, #tpu.memory_space<vmem>> -> memref<1x128xi32, #tpu.memory_space<vmem>>
    %dma_wait3A_1133 = tpu.memref_squeeze %dma_wait3A_1132 : memref<1x128xi32, #tpu.memory_space<vmem>> -> memref<128xi32, #tpu.memory_space<vmem>>
    %dma_wait3A_1134 = arith.constant 0 : i32
    %dma_wait3A_1135 = arith.constant 0 : i32
    %dma_wait3A_1136 = tpu.memref_slice %arg3[%dma_wait3A_1134, %dma_wait3A_1135] : memref<1000000x128xf32, #tpu.memory_space<hbm>> -> memref<1000000x128xf32, #tpu.memory_space<hbm>>
    tpu.wait_indirect_dma semaphore(%arg12 : memref<!tpu.dma_semaphore, #tpu.memory_space<semaphore_mem>>) src(%dma_wait3A_1136 : memref<1000000x128xf32, #tpu.memory_space<hbm>>) dst(%arg9 : memref<128x128xf32, #tpu.memory_space<vmem>>)
    %dma_wait3A_1137 = arith.constant 0 : i32
    %dma_wait3A_1138 = arith.constant 0 : i32
    %dma_wait3A_1139 = tpu.memref_slice %arg6[%dma_wait3A_1137, %dma_wait3A_1138] : memref<16x512xi32, #tpu.memory_space<vmem>> -> memref<1x128xi32, #tpu.memory_space<vmem>>
    %dma_wait3A_1140 = tpu.memref_squeeze %dma_wait3A_1139 : memref<1x128xi32, #tpu.memory_space<vmem>> -> memref<128xi32, #tpu.memory_space<vmem>>
    %dma_wait3A_1141 = arith.constant 0 : i32
    %dma_wait3A_1142 = arith.constant 0 : i32
    %dma_wait3A_1143 = tpu.memref_slice %arg3[%dma_wait3A_1141, %dma_wait3A_1142] : memref<1000000x128xf32, #tpu.memory_space<hbm>> -> memref<1000000x128xf32, #tpu.memory_space<hbm>>
    tpu.wait_indirect_dma semaphore(%arg12 : memref<!tpu.dma_semaphore, #tpu.memory_space<semaphore_mem>>) src(%dma_wait3A_1143 : memref<1000000x128xf32, #tpu.memory_space<hbm>>) dst(%arg9 : memref<128x128xf32, #tpu.memory_space<vmem>>)
    %dma_wait3A_1144 = arith.constant 0 : i32
    %dma_wait3A_1145 = arith.constant 0 : i32
    %dma_wait3A_1146 = tpu.memref_slice %arg6[%dma_wait3A_1144, %dma_wait3A_1145] : memref<16x512xi32, #tpu.memory_space<vmem>> -> memref<1x128xi32, #tpu.memory_space<vmem>>
    %dma_wait3A_1147 = tpu.memref_squeeze %dma_wait3A_1146 : memref<1x128xi32, #tpu.memory_space<vmem>> -> memref<128xi32, #tpu.memory_space<vmem>>
    %dma_wait3A_1148 = arith.constant 0 : i32
    %dma_wait3A_1149 = arith.constant 0 : i32
    %dma_wait3A_1150 = tpu.memref_slice %arg3[%dma_wait3A_1148, %dma_wait3A_1149] : memref<1000000x128xf32, #tpu.memory_space<hbm>> -> memref<1000000x128xf32, #tpu.memory_space<hbm>>
    tpu.wait_indirect_dma semaphore(%arg12 : memref<!tpu.dma_semaphore, #tpu.memory_space<semaphore_mem>>) src(%dma_wait3A_1150 : memref<1000000x128xf32, #tpu.memory_space<hbm>>) dst(%arg9 : memref<128x128xf32, #tpu.memory_space<vmem>>)
    %dma_wait3A_1151 = arith.constant 0 : i32
    %dma_wait3A_1152 = arith.constant 0 : i32
    %dma_wait3A_1153 = tpu.memref_slice %arg6[%dma_wait3A_1151, %dma_wait3A_1152] : memref<16x512xi32, #tpu.memory_space<vmem>> -> memref<1x128xi32, #tpu.memory_space<vmem>>
    %dma_wait3A_1154 = tpu.memref_squeeze %dma_wait3A_1153 : memref<1x128xi32, #tpu.memory_space<vmem>> -> memref<128xi32, #tpu.memory_space<vmem>>
    %dma_wait3A_1155 = arith.constant 0 : i32
    %dma_wait3A_1156 = arith.constant 0 : i32
    %dma_wait3A_1157 = tpu.memref_slice %arg3[%dma_wait3A_1155, %dma_wait3A_1156] : memref<1000000x128xf32, #tpu.memory_space<hbm>> -> memref<1000000x128xf32, #tpu.memory_space<hbm>>
    tpu.wait_indirect_dma semaphore(%arg12 : memref<!tpu.dma_semaphore, #tpu.memory_space<semaphore_mem>>) src(%dma_wait3A_1157 : memref<1000000x128xf32, #tpu.memory_space<hbm>>) dst(%arg9 : memref<128x128xf32, #tpu.memory_space<vmem>>)
    %dma_wait3A_1158 = arith.constant 0 : i32
    %dma_wait3A_1159 = arith.constant 0 : i32
    %dma_wait3A_1160 = tpu.memref_slice %arg6[%dma_wait3A_1158, %dma_wait3A_1159] : memref<16x512xi32, #tpu.memory_space<vmem>> -> memref<1x128xi32, #tpu.memory_space<vmem>>
    %dma_wait3A_1161 = tpu.memref_squeeze %dma_wait3A_1160 : memref<1x128xi32, #tpu.memory_space<vmem>> -> memref<128xi32, #tpu.memory_space<vmem>>
    %dma_wait3A_1162 = arith.constant 0 : i32
    %dma_wait3A_1163 = arith.constant 0 : i32
    %dma_wait3A_1164 = tpu.memref_slice %arg3[%dma_wait3A_1162, %dma_wait3A_1163] : memref<1000000x128xf32, #tpu.memory_space<hbm>> -> memref<1000000x128xf32, #tpu.memory_space<hbm>>
    tpu.wait_indirect_dma semaphore(%arg12 : memref<!tpu.dma_semaphore, #tpu.memory_space<semaphore_mem>>) src(%dma_wait3A_1164 : memref<1000000x128xf32, #tpu.memory_space<hbm>>) dst(%arg9 : memref<128x128xf32, #tpu.memory_space<vmem>>)
    %scan3A_1165 = arith.constant 0 : i32
    %scan3A_1166 = arith.constant 0 : i32
    %scan3A_1167 = arith.constant 64 : i32
    %scan3A_1168 = arith.addi %scan3A_1166, %scan3A_1167 : i32
    %scan3A_1169 = arith.constant 1 : i32
    %scan3A_1170 = scf.for %scan3A_1295 = %scan3A_1166 to %scan3A_1168 step %scan3A_1169 iter_args(%scan3A_1296 = %scan3A_1165) -> (i32)  : i32 {
      %broadcast_in_dim3A_1297 = vector.broadcast %scan3A_1295 : i32 to vector<16xi32>
      %gather3A = tpu.vector_load_idx %arg8[%broadcast_in_dim3A_1297] : memref<64xf32, #tpu.memory_space<vmem>>[vector<16xi32>], vector<16xf32>,
      %add3A_1298 = arith.constant 0 : i32
      %add3A_1299 = vector.broadcast %add3A_1298 : i32 to vector<16xi32>
      %add3A_1300 = arith.addi %iota3A, %add3A_1299 : vector<16xi32>
      %gather3A_1301 = tpu.vector_load_idx %arg9[%add3A_1300, %broadcast_in_dim3A_1297] : memref<128x128xf32, #tpu.memory_space<vmem>>[vector<16xi32>, vector<16xi32>], vector<16xf32>,
      %mul3A_1302 = arith.constant 6.250000e-02 : f32
      %mul3A_1303 = vector.broadcast %mul3A_1302 : f32 to vector<16xf32>
      %mul3A_1304 = arith.mulf %gather3A_1301, %mul3A_1303 : vector<16xf32>
      %add3A_1305 = arith.addf %mul3A_1304, %gather3A : vector<16xf32>
      %swap3A_1306 = arith.index_cast %scan3A_1295 : i32 to index
      %swap3A_1307 = arith.constant 0 : index
      %swap3A_1308 = tpu.vector_load %arg11[%swap3A_1306, %swap3A_1307] {strides = array<i32>} : memref<64x128xf32, #tpu.memory_space<vmem>>, vector<16xf32>,
      tpu.vector_store %arg11[%swap3A_1306, %swap3A_1307], %add3A_1305 {strides = array<i32>} : memref<64x128xf32, #tpu.memory_space<vmem>>, vector<16xf32>,
      %add3A_1309 = arith.constant 16 : i32
      %add3A_1310 = vector.broadcast %add3A_1309 : i32 to vector<16xi32>
      %add3A_1311 = arith.addi %iota3A, %add3A_1310 : vector<16xi32>
      %gather3A_1312 = tpu.vector_load_idx %arg9[%add3A_1311, %broadcast_in_dim3A_1297] : memref<128x128xf32, #tpu.memory_space<vmem>>[vector<16xi32>, vector<16xi32>], vector<16xf32>,
      %mul3A_1313 = arith.constant 6.250000e-02 : f32
      %mul3A_1314 = vector.broadcast %mul3A_1313 : f32 to vector<16xf32>
      %mul3A_1315 = arith.mulf %gather3A_1312, %mul3A_1314 : vector<16xf32>
      %add3A_1316 = arith.addf %mul3A_1315, %gather3A : vector<16xf32>
      %swap3A_1317 = arith.index_cast %scan3A_1295 : i32 to index
      %swap3A_1318 = arith.constant 16 : index
      %swap3A_1319 = tpu.vector_load %arg11[%swap3A_1317, %swap3A_1318] {strides = array<i32>} : memref<64x128xf32, #tpu.memory_space<vmem>>, vector<16xf32>,
      tpu.vector_store %arg11[%swap3A_1317, %swap3A_1318], %add3A_1316 {strides = array<i32>} : memref<64x128xf32, #tpu.memory_space<vmem>>, vector<16xf32>,
      %add3A_1320 = arith.constant 32 : i32
      %add3A_1321 = vector.broadcast %add3A_1320 : i32 to vector<16xi32>
      %add3A_1322 = arith.addi %iota3A, %add3A_1321 : vector<16xi32>
      %gather3A_1323 = tpu.vector_load_idx %arg9[%add3A_1322, %broadcast_in_dim3A_1297] : memref<128x128xf32, #tpu.memory_space<vmem>>[vector<16xi32>, vector<16xi32>], vector<16xf32>,
      %mul3A_1324 = arith.constant 6.250000e-02 : f32
      %mul3A_1325 = vector.broadcast %mul3A_1324 : f32 to vector<16xf32>
      %mul3A_1326 = arith.mulf %gather3A_1323, %mul3A_1325 : vector<16xf32>
      %add3A_1327 = arith.addf %mul3A_1326, %gather3A : vector<16xf32>
      %swap3A_1328 = arith.index_cast %scan3A_1295 : i32 to index
      %swap3A_1329 = arith.constant 32 : index
      %swap3A_1330 = tpu.vector_load %arg11[%swap3A_1328, %swap3A_1329] {strides = array<i32>} : memref<64x128xf32, #tpu.memory_space<vmem>>, vector<16xf32>,
      tpu.vector_store %arg11[%swap3A_1328, %swap3A_1329], %add3A_1327 {strides = array<i32>} : memref<64x128xf32, #tpu.memory_space<vmem>>, vector<16xf32>,
      %add3A_1331 = arith.constant 48 : i32
      %add3A_1332 = vector.broadcast %add3A_1331 : i32 to vector<16xi32>
      %add3A_1333 = arith.addi %iota3A, %add3A_1332 : vector<16xi32>
      %gather3A_1334 = tpu.vector_load_idx %arg9[%add3A_1333, %broadcast_in_dim3A_1297] : memref<128x128xf32, #tpu.memory_space<vmem>>[vector<16xi32>, vector<16xi32>], vector<16xf32>,
      %mul3A_1335 = arith.constant 6.250000e-02 : f32
      %mul3A_1336 = vector.broadcast %mul3A_1335 : f32 to vector<16xf32>
      %mul3A_1337 = arith.mulf %gather3A_1334, %mul3A_1336 : vector<16xf32>
      %add3A_1338 = arith.addf %mul3A_1337, %gather3A : vector<16xf32>
      %swap3A_1339 = arith.index_cast %scan3A_1295 : i32 to index
      %swap3A_1340 = arith.constant 48 : index
      %swap3A_1341 = tpu.vector_load %arg11[%swap3A_1339, %swap3A_1340] {strides = array<i32>} : memref<64x128xf32, #tpu.memory_space<vmem>>, vector<16xf32>,
      tpu.vector_store %arg11[%swap3A_1339, %swap3A_1340], %add3A_1338 {strides = array<i32>} : memref<64x128xf32, #tpu.memory_space<vmem>>, vector<16xf32>,
      %add3A_1342 = arith.constant 64 : i32
      %add3A_1343 = vector.broadcast %add3A_1342 : i32 to vector<16xi32>
      %add3A_1344 = arith.addi %iota3A, %add3A_1343 : vector<16xi32>
      %gather3A_1345 = tpu.vector_load_idx %arg9[%add3A_1344, %broadcast_in_dim3A_1297] : memref<128x128xf32, #tpu.memory_space<vmem>>[vector<16xi32>, vector<16xi32>], vector<16xf32>,
      %mul3A_1346 = arith.constant 6.250000e-02 : f32
      %mul3A_1347 = vector.broadcast %mul3A_1346 : f32 to vector<16xf32>
      %mul3A_1348 = arith.mulf %gather3A_1345, %mul3A_1347 : vector<16xf32>
      %add3A_1349 = arith.addf %mul3A_1348, %gather3A : vector<16xf32>
      %swap3A_1350 = arith.index_cast %scan3A_1295 : i32 to index
      %swap3A_1351 = arith.constant 64 : index
      %swap3A_1352 = tpu.vector_load %arg11[%swap3A_1350, %swap3A_1351] {strides = array<i32>} : memref<64x128xf32, #tpu.memory_space<vmem>>, vector<16xf32>,
      tpu.vector_store %arg11[%swap3A_1350, %swap3A_1351], %add3A_1349 {strides = array<i32>} : memref<64x128xf32, #tpu.memory_space<vmem>>, vector<16xf32>,
      %add3A_1353 = arith.constant 80 : i32
      %add3A_1354 = vector.broadcast %add3A_1353 : i32 to vector<16xi32>
      %add3A_1355 = arith.addi %iota3A, %add3A_1354 : vector<16xi32>
      %gather3A_1356 = tpu.vector_load_idx %arg9[%add3A_1355, %broadcast_in_dim3A_1297] : memref<128x128xf32, #tpu.memory_space<vmem>>[vector<16xi32>, vector<16xi32>], vector<16xf32>,
      %mul3A_1357 = arith.constant 6.250000e-02 : f32
      %mul3A_1358 = vector.broadcast %mul3A_1357 : f32 to vector<16xf32>
      %mul3A_1359 = arith.mulf %gather3A_1356, %mul3A_1358 : vector<16xf32>
      %add3A_1360 = arith.addf %mul3A_1359, %gather3A : vector<16xf32>
      %swap3A_1361 = arith.index_cast %scan3A_1295 : i32 to index
      %swap3A_1362 = arith.constant 80 : index
      %swap3A_1363 = tpu.vector_load %arg11[%swap3A_1361, %swap3A_1362] {strides = array<i32>} : memref<64x128xf32, #tpu.memory_space<vmem>>, vector<16xf32>,
      tpu.vector_store %arg11[%swap3A_1361, %swap3A_1362], %add3A_1360 {strides = array<i32>} : memref<64x128xf32, #tpu.memory_space<vmem>>, vector<16xf32>,
      %add3A_1364 = arith.constant 96 : i32
      %add3A_1365 = vector.broadcast %add3A_1364 : i32 to vector<16xi32>
      %add3A_1366 = arith.addi %iota3A, %add3A_1365 : vector<16xi32>
      %gather3A_1367 = tpu.vector_load_idx %arg9[%add3A_1366, %broadcast_in_dim3A_1297] : memref<128x128xf32, #tpu.memory_space<vmem>>[vector<16xi32>, vector<16xi32>], vector<16xf32>,
      %mul3A_1368 = arith.constant 6.250000e-02 : f32
      %mul3A_1369 = vector.broadcast %mul3A_1368 : f32 to vector<16xf32>
      %mul3A_1370 = arith.mulf %gather3A_1367, %mul3A_1369 : vector<16xf32>
      %add3A_1371 = arith.addf %mul3A_1370, %gather3A : vector<16xf32>
      %swap3A_1372 = arith.index_cast %scan3A_1295 : i32 to index
      %swap3A_1373 = arith.constant 96 : index
      %swap3A_1374 = tpu.vector_load %arg11[%swap3A_1372, %swap3A_1373] {strides = array<i32>} : memref<64x128xf32, #tpu.memory_space<vmem>>, vector<16xf32>,
      tpu.vector_store %arg11[%swap3A_1372, %swap3A_1373], %add3A_1371 {strides = array<i32>} : memref<64x128xf32, #tpu.memory_space<vmem>>, vector<16xf32>,
      %add3A_1375 = arith.constant 112 : i32
      %add3A_1376 = vector.broadcast %add3A_1375 : i32 to vector<16xi32>
      %add3A_1377 = arith.addi %iota3A, %add3A_1376 : vector<16xi32>
      %gather3A_1378 = tpu.vector_load_idx %arg9[%add3A_1377, %broadcast_in_dim3A_1297] : memref<128x128xf32, #tpu.memory_space<vmem>>[vector<16xi32>, vector<16xi32>], vector<16xf32>,
      %mul3A_1379 = arith.constant 6.250000e-02 : f32
      %mul3A_1380 = vector.broadcast %mul3A_1379 : f32 to vector<16xf32>
      %mul3A_1381 = arith.mulf %gather3A_1378, %mul3A_1380 : vector<16xf32>
      %add3A_1382 = arith.addf %mul3A_1381, %gather3A : vector<16xf32>
      %swap3A_1383 = arith.index_cast %scan3A_1295 : i32 to index
      %swap3A_1384 = arith.constant 112 : index
      %swap3A_1385 = tpu.vector_load %arg11[%swap3A_1383, %swap3A_1384] {strides = array<i32>} : memref<64x128xf32, #tpu.memory_space<vmem>>, vector<16xf32>,
      tpu.vector_store %arg11[%swap3A_1383, %swap3A_1384], %add3A_1382 {strides = array<i32>} : memref<64x128xf32, #tpu.memory_space<vmem>>, vector<16xf32>,
      %scan3A_1386 = arith.constant 0 : i32
      scf.yield %scan3A_1386 : i32
    }
    %scan3A_1171 = arith.constant 64 : i32
    %add3A_1172 = arith.constant 256 : i32
    %add3A_1173 = arith.addi %mul3A_2, %add3A_1172 : i32
    "tpu.region"() ({
      %run_scoped3A = tpu.sem_alloc : memref<!tpu.dma_semaphore, #tpu.memory_space<semaphore_mem>>
      %dma_start3A_1295 = arith.constant 0 : i32
      %dma_start3A_1296 = tpu.memref_slice %arg5[%dma_start3A_1295, %add3A_1173] : memref<64x16384xf32, #tpu.memory_space<hbm>> -> memref<64x128xf32, #tpu.memory_space<hbm>>
      %dma_start3A_1297 = arith.constant 0 : i32
      %dma_start3A_1298 = tpu.memref_slice %arg5[%dma_start3A_1297, %add3A_1173] : memref<64x16384xf32, #tpu.memory_space<hbm>> -> memref<64x128xf32, #tpu.memory_space<hbm>>
      tpu.enqueue_dma source(%arg11 : memref<64x128xf32, #tpu.memory_space<vmem>>) target(%dma_start3A_1298 : memref<64x128xf32, #tpu.memory_space<hbm>>) target_semaphore(%run_scoped3A : memref<!tpu.dma_semaphore, #tpu.memory_space<semaphore_mem>>)
      %dma_wait3A_1299 = arith.constant 0 : i32
      %dma_wait3A_1300 = tpu.memref_slice %arg5[%dma_wait3A_1299, %add3A_1173] : memref<64x16384xf32, #tpu.memory_space<hbm>> -> memref<64x128xf32, #tpu.memory_space<hbm>>
      %dma_wait3A_1301 = arith.constant 0 : i32
      %dma_wait3A_1302 = tpu.memref_slice %arg5[%dma_wait3A_1301, %add3A_1173] : memref<64x16384xf32, #tpu.memory_space<hbm>> -> memref<64x128xf32, #tpu.memory_space<hbm>>
      tpu.wait_dma2 semaphore(%run_scoped3A : memref<!tpu.dma_semaphore, #tpu.memory_space<semaphore_mem>>) src(%arg11 : memref<64x128xf32, #tpu.memory_space<vmem>>) dst(%dma_wait3A_1302 : memref<64x128xf32, #tpu.memory_space<hbm>>)
      tpu.yield
    }) : () -> ()
    %dma_wait3A_1174 = arith.constant 0 : i32
    %dma_wait3A_1175 = arith.constant 0 : i32
    %dma_wait3A_1176 = tpu.memref_slice %arg6[%dma_wait3A_1174, %dma_wait3A_1175] : memref<16x512xi32, #tpu.memory_space<vmem>> -> memref<1x128xi32, #tpu.memory_space<vmem>>
    %dma_wait3A_1177 = tpu.memref_squeeze %dma_wait3A_1176 : memref<1x128xi32, #tpu.memory_space<vmem>> -> memref<128xi32, #tpu.memory_space<vmem>>
    %dma_wait3A_1178 = arith.constant 0 : i32
    %dma_wait3A_1179 = arith.constant 0 : i32
    %dma_wait3A_1180 = tpu.memref_slice %arg3[%dma_wait3A_1178, %dma_wait3A_1179] : memref<1000000x128xf32, #tpu.memory_space<hbm>> -> memref<1000000x128xf32, #tpu.memory_space<hbm>>
    tpu.wait_indirect_dma semaphore(%arg13 : memref<!tpu.dma_semaphore, #tpu.memory_space<semaphore_mem>>) src(%dma_wait3A_1180 : memref<1000000x128xf32, #tpu.memory_space<hbm>>) dst(%arg10 : memref<128x128xf32, #tpu.memory_space<vmem>>)
    %dma_wait3A_1181 = arith.constant 0 : i32
    %dma_wait3A_1182 = arith.constant 0 : i32
    %dma_wait3A_1183 = tpu.memref_slice %arg6[%dma_wait3A_1181, %dma_wait3A_1182] : memref<16x512xi32, #tpu.memory_space<vmem>> -> memref<1x128xi32, #tpu.memory_space<vmem>>
    %dma_wait3A_1184 = tpu.memref_squeeze %dma_wait3A_1183 : memref<1x128xi32, #tpu.memory_space<vmem>> -> memref<128xi32, #tpu.memory_space<vmem>>
    %dma_wait3A_1185 = arith.constant 0 : i32
    %dma_wait3A_1186 = arith.constant 0 : i32
    %dma_wait3A_1187 = tpu.memref_slice %arg3[%dma_wait3A_1185, %dma_wait3A_1186] : memref<1000000x128xf32, #tpu.memory_space<hbm>> -> memref<1000000x128xf32, #tpu.memory_space<hbm>>
    tpu.wait_indirect_dma semaphore(%arg13 : memref<!tpu.dma_semaphore, #tpu.memory_space<semaphore_mem>>) src(%dma_wait3A_1187 : memref<1000000x128xf32, #tpu.memory_space<hbm>>) dst(%arg10 : memref<128x128xf32, #tpu.memory_space<vmem>>)
    %dma_wait3A_1188 = arith.constant 0 : i32
    %dma_wait3A_1189 = arith.constant 0 : i32
    %dma_wait3A_1190 = tpu.memref_slice %arg6[%dma_wait3A_1188, %dma_wait3A_1189] : memref<16x512xi32, #tpu.memory_space<vmem>> -> memref<1x128xi32, #tpu.memory_space<vmem>>
    %dma_wait3A_1191 = tpu.memref_squeeze %dma_wait3A_1190 : memref<1x128xi32, #tpu.memory_space<vmem>> -> memref<128xi32, #tpu.memory_space<vmem>>
    %dma_wait3A_1192 = arith.constant 0 : i32
    %dma_wait3A_1193 = arith.constant 0 : i32
    %dma_wait3A_1194 = tpu.memref_slice %arg3[%dma_wait3A_1192, %dma_wait3A_1193] : memref<1000000x128xf32, #tpu.memory_space<hbm>> -> memref<1000000x128xf32, #tpu.memory_space<hbm>>
    tpu.wait_indirect_dma semaphore(%arg13 : memref<!tpu.dma_semaphore, #tpu.memory_space<semaphore_mem>>) src(%dma_wait3A_1194 : memref<1000000x128xf32, #tpu.memory_space<hbm>>) dst(%arg10 : memref<128x128xf32, #tpu.memory_space<vmem>>)
    %dma_wait3A_1195 = arith.constant 0 : i32
    %dma_wait3A_1196 = arith.constant 0 : i32
    %dma_wait3A_1197 = tpu.memref_slice %arg6[%dma_wait3A_1195, %dma_wait3A_1196] : memref<16x512xi32, #tpu.memory_space<vmem>> -> memref<1x128xi32, #tpu.memory_space<vmem>>
    %dma_wait3A_1198 = tpu.memref_squeeze %dma_wait3A_1197 : memref<1x128xi32, #tpu.memory_space<vmem>> -> memref<128xi32, #tpu.memory_space<vmem>>
    %dma_wait3A_1199 = arith.constant 0 : i32
    %dma_wait3A_1200 = arith.constant 0 : i32
    %dma_wait3A_1201 = tpu.memref_slice %arg3[%dma_wait3A_1199, %dma_wait3A_1200] : memref<1000000x128xf32, #tpu.memory_space<hbm>> -> memref<1000000x128xf32, #tpu.memory_space<hbm>>
    tpu.wait_indirect_dma semaphore(%arg13 : memref<!tpu.dma_semaphore, #tpu.memory_space<semaphore_mem>>) src(%dma_wait3A_1201 : memref<1000000x128xf32, #tpu.memory_space<hbm>>) dst(%arg10 : memref<128x128xf32, #tpu.memory_space<vmem>>)
    %dma_wait3A_1202 = arith.constant 0 : i32
    %dma_wait3A_1203 = arith.constant 0 : i32
    %dma_wait3A_1204 = tpu.memref_slice %arg6[%dma_wait3A_1202, %dma_wait3A_1203] : memref<16x512xi32, #tpu.memory_space<vmem>> -> memref<1x128xi32, #tpu.memory_space<vmem>>
    %dma_wait3A_1205 = tpu.memref_squeeze %dma_wait3A_1204 : memref<1x128xi32, #tpu.memory_space<vmem>> -> memref<128xi32, #tpu.memory_space<vmem>>
    %dma_wait3A_1206 = arith.constant 0 : i32
    %dma_wait3A_1207 = arith.constant 0 : i32
    %dma_wait3A_1208 = tpu.memref_slice %arg3[%dma_wait3A_1206, %dma_wait3A_1207] : memref<1000000x128xf32, #tpu.memory_space<hbm>> -> memref<1000000x128xf32, #tpu.memory_space<hbm>>
    tpu.wait_indirect_dma semaphore(%arg13 : memref<!tpu.dma_semaphore, #tpu.memory_space<semaphore_mem>>) src(%dma_wait3A_1208 : memref<1000000x128xf32, #tpu.memory_space<hbm>>) dst(%arg10 : memref<128x128xf32, #tpu.memory_space<vmem>>)
    %dma_wait3A_1209 = arith.constant 0 : i32
    %dma_wait3A_1210 = arith.constant 0 : i32
    %dma_wait3A_1211 = tpu.memref_slice %arg6[%dma_wait3A_1209, %dma_wait3A_1210] : memref<16x512xi32, #tpu.memory_space<vmem>> -> memref<1x128xi32, #tpu.memory_space<vmem>>
    %dma_wait3A_1212 = tpu.memref_squeeze %dma_wait3A_1211 : memref<1x128xi32, #tpu.memory_space<vmem>> -> memref<128xi32, #tpu.memory_space<vmem>>
    %dma_wait3A_1213 = arith.constant 0 : i32
    %dma_wait3A_1214 = arith.constant 0 : i32
    %dma_wait3A_1215 = tpu.memref_slice %arg3[%dma_wait3A_1213, %dma_wait3A_1214] : memref<1000000x128xf32, #tpu.memory_space<hbm>> -> memref<1000000x128xf32, #tpu.memory_space<hbm>>
    tpu.wait_indirect_dma semaphore(%arg13 : memref<!tpu.dma_semaphore, #tpu.memory_space<semaphore_mem>>) src(%dma_wait3A_1215 : memref<1000000x128xf32, #tpu.memory_space<hbm>>) dst(%arg10 : memref<128x128xf32, #tpu.memory_space<vmem>>)
    %dma_wait3A_1216 = arith.constant 0 : i32
    %dma_wait3A_1217 = arith.constant 0 : i32
    %dma_wait3A_1218 = tpu.memref_slice %arg6[%dma_wait3A_1216, %dma_wait3A_1217] : memref<16x512xi32, #tpu.memory_space<vmem>> -> memref<1x128xi32, #tpu.memory_space<vmem>>
    %dma_wait3A_1219 = tpu.memref_squeeze %dma_wait3A_1218 : memref<1x128xi32, #tpu.memory_space<vmem>> -> memref<128xi32, #tpu.memory_space<vmem>>
    %dma_wait3A_1220 = arith.constant 0 : i32
    %dma_wait3A_1221 = arith.constant 0 : i32
    %dma_wait3A_1222 = tpu.memref_slice %arg3[%dma_wait3A_1220, %dma_wait3A_1221] : memref<1000000x128xf32, #tpu.memory_space<hbm>> -> memref<1000000x128xf32, #tpu.memory_space<hbm>>
    tpu.wait_indirect_dma semaphore(%arg13 : memref<!tpu.dma_semaphore, #tpu.memory_space<semaphore_mem>>) src(%dma_wait3A_1222 : memref<1000000x128xf32, #tpu.memory_space<hbm>>) dst(%arg10 : memref<128x128xf32, #tpu.memory_space<vmem>>)
    %dma_wait3A_1223 = arith.constant 0 : i32
    %dma_wait3A_1224 = arith.constant 0 : i32
    %dma_wait3A_1225 = tpu.memref_slice %arg6[%dma_wait3A_1223, %dma_wait3A_1224] : memref<16x512xi32, #tpu.memory_space<vmem>> -> memref<1x128xi32, #tpu.memory_space<vmem>>
    %dma_wait3A_1226 = tpu.memref_squeeze %dma_wait3A_1225 : memref<1x128xi32, #tpu.memory_space<vmem>> -> memref<128xi32, #tpu.memory_space<vmem>>
    %dma_wait3A_1227 = arith.constant 0 : i32
    %dma_wait3A_1228 = arith.constant 0 : i32
    %dma_wait3A_1229 = tpu.memref_slice %arg3[%dma_wait3A_1227, %dma_wait3A_1228] : memref<1000000x128xf32, #tpu.memory_space<hbm>> -> memref<1000000x128xf32, #tpu.memory_space<hbm>>
    tpu.wait_indirect_dma semaphore(%arg13 : memref<!tpu.dma_semaphore, #tpu.memory_space<semaphore_mem>>) src(%dma_wait3A_1229 : memref<1000000x128xf32, #tpu.memory_space<hbm>>) dst(%arg10 : memref<128x128xf32, #tpu.memory_space<vmem>>)
    %dma_wait3A_1230 = arith.constant 0 : i32
    %dma_wait3A_1231 = arith.constant 0 : i32
    %dma_wait3A_1232 = tpu.memref_slice %arg6[%dma_wait3A_1230, %dma_wait3A_1231] : memref<16x512xi32, #tpu.memory_space<vmem>> -> memref<1x128xi32, #tpu.memory_space<vmem>>
    %dma_wait3A_1233 = tpu.memref_squeeze %dma_wait3A_1232 : memref<1x128xi32, #tpu.memory_space<vmem>> -> memref<128xi32, #tpu.memory_space<vmem>>
    %dma_wait3A_1234 = arith.constant 0 : i32
    %dma_wait3A_1235 = arith.constant 0 : i32
    %dma_wait3A_1236 = tpu.memref_slice %arg3[%dma_wait3A_1234, %dma_wait3A_1235] : memref<1000000x128xf32, #tpu.memory_space<hbm>> -> memref<1000000x128xf32, #tpu.memory_space<hbm>>
    tpu.wait_indirect_dma semaphore(%arg13 : memref<!tpu.dma_semaphore, #tpu.memory_space<semaphore_mem>>) src(%dma_wait3A_1236 : memref<1000000x128xf32, #tpu.memory_space<hbm>>) dst(%arg10 : memref<128x128xf32, #tpu.memory_space<vmem>>)
    %dma_wait3A_1237 = arith.constant 0 : i32
    %dma_wait3A_1238 = arith.constant 0 : i32
    %dma_wait3A_1239 = tpu.memref_slice %arg6[%dma_wait3A_1237, %dma_wait3A_1238] : memref<16x512xi32, #tpu.memory_space<vmem>> -> memref<1x128xi32, #tpu.memory_space<vmem>>
    %dma_wait3A_1240 = tpu.memref_squeeze %dma_wait3A_1239 : memref<1x128xi32, #tpu.memory_space<vmem>> -> memref<128xi32, #tpu.memory_space<vmem>>
    %dma_wait3A_1241 = arith.constant 0 : i32
    %dma_wait3A_1242 = arith.constant 0 : i32
    %dma_wait3A_1243 = tpu.memref_slice %arg3[%dma_wait3A_1241, %dma_wait3A_1242] : memref<1000000x128xf32, #tpu.memory_space<hbm>> -> memref<1000000x128xf32, #tpu.memory_space<hbm>>
    tpu.wait_indirect_dma semaphore(%arg13 : memref<!tpu.dma_semaphore, #tpu.memory_space<semaphore_mem>>) src(%dma_wait3A_1243 : memref<1000000x128xf32, #tpu.memory_space<hbm>>) dst(%arg10 : memref<128x128xf32, #tpu.memory_space<vmem>>)
    %dma_wait3A_1244 = arith.constant 0 : i32
    %dma_wait3A_1245 = arith.constant 0 : i32
    %dma_wait3A_1246 = tpu.memref_slice %arg6[%dma_wait3A_1244, %dma_wait3A_1245] : memref<16x512xi32, #tpu.memory_space<vmem>> -> memref<1x128xi32, #tpu.memory_space<vmem>>
    %dma_wait3A_1247 = tpu.memref_squeeze %dma_wait3A_1246 : memref<1x128xi32, #tpu.memory_space<vmem>> -> memref<128xi32, #tpu.memory_space<vmem>>
    %dma_wait3A_1248 = arith.constant 0 : i32
    %dma_wait3A_1249 = arith.constant 0 : i32
    %dma_wait3A_1250 = tpu.memref_slice %arg3[%dma_wait3A_1248, %dma_wait3A_1249] : memref<1000000x128xf32, #tpu.memory_space<hbm>> -> memref<1000000x128xf32, #tpu.memory_space<hbm>>
    tpu.wait_indirect_dma semaphore(%arg13 : memref<!tpu.dma_semaphore, #tpu.memory_space<semaphore_mem>>) src(%dma_wait3A_1250 : memref<1000000x128xf32, #tpu.memory_space<hbm>>) dst(%arg10 : memref<128x128xf32, #tpu.memory_space<vmem>>)
    %dma_wait3A_1251 = arith.constant 0 : i32
    %dma_wait3A_1252 = arith.constant 0 : i32
    %dma_wait3A_1253 = tpu.memref_slice %arg6[%dma_wait3A_1251, %dma_wait3A_1252] : memref<16x512xi32, #tpu.memory_space<vmem>> -> memref<1x128xi32, #tpu.memory_space<vmem>>
    %dma_wait3A_1254 = tpu.memref_squeeze %dma_wait3A_1253 : memref<1x128xi32, #tpu.memory_space<vmem>> -> memref<128xi32, #tpu.memory_space<vmem>>
    %dma_wait3A_1255 = arith.constant 0 : i32
    %dma_wait3A_1256 = arith.constant 0 : i32
    %dma_wait3A_1257 = tpu.memref_slice %arg3[%dma_wait3A_1255, %dma_wait3A_1256] : memref<1000000x128xf32, #tpu.memory_space<hbm>> -> memref<1000000x128xf32, #tpu.memory_space<hbm>>
    tpu.wait_indirect_dma semaphore(%arg13 : memref<!tpu.dma_semaphore, #tpu.memory_space<semaphore_mem>>) src(%dma_wait3A_1257 : memref<1000000x128xf32, #tpu.memory_space<hbm>>) dst(%arg10 : memref<128x128xf32, #tpu.memory_space<vmem>>)
    %dma_wait3A_1258 = arith.constant 0 : i32
    %dma_wait3A_1259 = arith.constant 0 : i32
    %dma_wait3A_1260 = tpu.memref_slice %arg6[%dma_wait3A_1258, %dma_wait3A_1259] : memref<16x512xi32, #tpu.memory_space<vmem>> -> memref<1x128xi32, #tpu.memory_space<vmem>>
    %dma_wait3A_1261 = tpu.memref_squeeze %dma_wait3A_1260 : memref<1x128xi32, #tpu.memory_space<vmem>> -> memref<128xi32, #tpu.memory_space<vmem>>
    %dma_wait3A_1262 = arith.constant 0 : i32
    %dma_wait3A_1263 = arith.constant 0 : i32
    %dma_wait3A_1264 = tpu.memref_slice %arg3[%dma_wait3A_1262, %dma_wait3A_1263] : memref<1000000x128xf32, #tpu.memory_space<hbm>> -> memref<1000000x128xf32, #tpu.memory_space<hbm>>
    tpu.wait_indirect_dma semaphore(%arg13 : memref<!tpu.dma_semaphore, #tpu.memory_space<semaphore_mem>>) src(%dma_wait3A_1264 : memref<1000000x128xf32, #tpu.memory_space<hbm>>) dst(%arg10 : memref<128x128xf32, #tpu.memory_space<vmem>>)
    %dma_wait3A_1265 = arith.constant 0 : i32
    %dma_wait3A_1266 = arith.constant 0 : i32
    %dma_wait3A_1267 = tpu.memref_slice %arg6[%dma_wait3A_1265, %dma_wait3A_1266] : memref<16x512xi32, #tpu.memory_space<vmem>> -> memref<1x128xi32, #tpu.memory_space<vmem>>
    %dma_wait3A_1268 = tpu.memref_squeeze %dma_wait3A_1267 : memref<1x128xi32, #tpu.memory_space<vmem>> -> memref<128xi32, #tpu.memory_space<vmem>>
    %dma_wait3A_1269 = arith.constant 0 : i32
    %dma_wait3A_1270 = arith.constant 0 : i32
    %dma_wait3A_1271 = tpu.memref_slice %arg3[%dma_wait3A_1269, %dma_wait3A_1270] : memref<1000000x128xf32, #tpu.memory_space<hbm>> -> memref<1000000x128xf32, #tpu.memory_space<hbm>>
    tpu.wait_indirect_dma semaphore(%arg13 : memref<!tpu.dma_semaphore, #tpu.memory_space<semaphore_mem>>) src(%dma_wait3A_1271 : memref<1000000x128xf32, #tpu.memory_space<hbm>>) dst(%arg10 : memref<128x128xf32, #tpu.memory_space<vmem>>)
    %dma_wait3A_1272 = arith.constant 0 : i32
    %dma_wait3A_1273 = arith.constant 0 : i32
    %dma_wait3A_1274 = tpu.memref_slice %arg6[%dma_wait3A_1272, %dma_wait3A_1273] : memref<16x512xi32, #tpu.memory_space<vmem>> -> memref<1x128xi32, #tpu.memory_space<vmem>>
    %dma_wait3A_1275 = tpu.memref_squeeze %dma_wait3A_1274 : memref<1x128xi32, #tpu.memory_space<vmem>> -> memref<128xi32, #tpu.memory_space<vmem>>
    %dma_wait3A_1276 = arith.constant 0 : i32
    %dma_wait3A_1277 = arith.constant 0 : i32
    %dma_wait3A_1278 = tpu.memref_slice %arg3[%dma_wait3A_1276, %dma_wait3A_1277] : memref<1000000x128xf32, #tpu.memory_space<hbm>> -> memref<1000000x128xf32, #tpu.memory_space<hbm>>
    tpu.wait_indirect_dma semaphore(%arg13 : memref<!tpu.dma_semaphore, #tpu.memory_space<semaphore_mem>>) src(%dma_wait3A_1278 : memref<1000000x128xf32, #tpu.memory_space<hbm>>) dst(%arg10 : memref<128x128xf32, #tpu.memory_space<vmem>>)
    %dma_wait3A_1279 = arith.constant 0 : i32
    %dma_wait3A_1280 = arith.constant 0 : i32
    %dma_wait3A_1281 = tpu.memref_slice %arg6[%dma_wait3A_1279, %dma_wait3A_1280] : memref<16x512xi32, #tpu.memory_space<vmem>> -> memref<1x128xi32, #tpu.memory_space<vmem>>
    %dma_wait3A_1282 = tpu.memref_squeeze %dma_wait3A_1281 : memref<1x128xi32, #tpu.memory_space<vmem>> -> memref<128xi32, #tpu.memory_space<vmem>>
    %dma_wait3A_1283 = arith.constant 0 : i32
    %dma_wait3A_1284 = arith.constant 0 : i32
    %dma_wait3A_1285 = tpu.memref_slice %arg3[%dma_wait3A_1283, %dma_wait3A_1284] : memref<1000000x128xf32, #tpu.memory_space<hbm>> -> memref<1000000x128xf32, #tpu.memory_space<hbm>>
    tpu.wait_indirect_dma semaphore(%arg13 : memref<!tpu.dma_semaphore, #tpu.memory_space<semaphore_mem>>) src(%dma_wait3A_1285 : memref<1000000x128xf32, #tpu.memory_space<hbm>>) dst(%arg10 : memref<128x128xf32, #tpu.memory_space<vmem>>)
    %scan3A_1286 = arith.constant 0 : i32
    %scan3A_1287 = arith.constant 0 : i32
    %scan3A_1288 = arith.constant 64 : i32
    %scan3A_1289 = arith.addi %scan3A_1287, %scan3A_1288 : i32
    %scan3A_1290 = arith.constant 1 : i32
    %scan3A_1291 = scf.for %scan3A_1295 = %scan3A_1287 to %scan3A_1289 step %scan3A_1290 iter_args(%scan3A_1296 = %scan3A_1286) -> (i32)  : i32 {
      %broadcast_in_dim3A_1297 = vector.broadcast %scan3A_1295 : i32 to vector<16xi32>
      %gather3A = tpu.vector_load_idx %arg8[%broadcast_in_dim3A_1297] : memref<64xf32, #tpu.memory_space<vmem>>[vector<16xi32>], vector<16xf32>,
      %add3A_1298 = arith.constant 0 : i32
      %add3A_1299 = vector.broadcast %add3A_1298 : i32 to vector<16xi32>
      %add3A_1300 = arith.addi %iota3A, %add3A_1299 : vector<16xi32>
      %gather3A_1301 = tpu.vector_load_idx %arg10[%add3A_1300, %broadcast_in_dim3A_1297] : memref<128x128xf32, #tpu.memory_space<vmem>>[vector<16xi32>, vector<16xi32>], vector<16xf32>,
      %mul3A_1302 = arith.constant 6.250000e-02 : f32
      %mul3A_1303 = vector.broadcast %mul3A_1302 : f32 to vector<16xf32>
      %mul3A_1304 = arith.mulf %gather3A_1301, %mul3A_1303 : vector<16xf32>
      %add3A_1305 = arith.addf %mul3A_1304, %gather3A : vector<16xf32>
      %swap3A_1306 = arith.index_cast %scan3A_1295 : i32 to index
      %swap3A_1307 = arith.constant 0 : index
      %swap3A_1308 = tpu.vector_load %arg11[%swap3A_1306, %swap3A_1307] {strides = array<i32>} : memref<64x128xf32, #tpu.memory_space<vmem>>, vector<16xf32>,
      tpu.vector_store %arg11[%swap3A_1306, %swap3A_1307], %add3A_1305 {strides = array<i32>} : memref<64x128xf32, #tpu.memory_space<vmem>>, vector<16xf32>,
      %add3A_1309 = arith.constant 16 : i32
      %add3A_1310 = vector.broadcast %add3A_1309 : i32 to vector<16xi32>
      %add3A_1311 = arith.addi %iota3A, %add3A_1310 : vector<16xi32>
      %gather3A_1312 = tpu.vector_load_idx %arg10[%add3A_1311, %broadcast_in_dim3A_1297] : memref<128x128xf32, #tpu.memory_space<vmem>>[vector<16xi32>, vector<16xi32>], vector<16xf32>,
      %mul3A_1313 = arith.constant 6.250000e-02 : f32
      %mul3A_1314 = vector.broadcast %mul3A_1313 : f32 to vector<16xf32>
      %mul3A_1315 = arith.mulf %gather3A_1312, %mul3A_1314 : vector<16xf32>
      %add3A_1316 = arith.addf %mul3A_1315, %gather3A : vector<16xf32>
      %swap3A_1317 = arith.index_cast %scan3A_1295 : i32 to index
      %swap3A_1318 = arith.constant 16 : index
      %swap3A_1319 = tpu.vector_load %arg11[%swap3A_1317, %swap3A_1318] {strides = array<i32>} : memref<64x128xf32, #tpu.memory_space<vmem>>, vector<16xf32>,
      tpu.vector_store %arg11[%swap3A_1317, %swap3A_1318], %add3A_1316 {strides = array<i32>} : memref<64x128xf32, #tpu.memory_space<vmem>>, vector<16xf32>,
      %add3A_1320 = arith.constant 32 : i32
      %add3A_1321 = vector.broadcast %add3A_1320 : i32 to vector<16xi32>
      %add3A_1322 = arith.addi %iota3A, %add3A_1321 : vector<16xi32>
      %gather3A_1323 = tpu.vector_load_idx %arg10[%add3A_1322, %broadcast_in_dim3A_1297] : memref<128x128xf32, #tpu.memory_space<vmem>>[vector<16xi32>, vector<16xi32>], vector<16xf32>,
      %mul3A_1324 = arith.constant 6.250000e-02 : f32
      %mul3A_1325 = vector.broadcast %mul3A_1324 : f32 to vector<16xf32>
      %mul3A_1326 = arith.mulf %gather3A_1323, %mul3A_1325 : vector<16xf32>
      %add3A_1327 = arith.addf %mul3A_1326, %gather3A : vector<16xf32>
      %swap3A_1328 = arith.index_cast %scan3A_1295 : i32 to index
      %swap3A_1329 = arith.constant 32 : index
      %swap3A_1330 = tpu.vector_load %arg11[%swap3A_1328, %swap3A_1329] {strides = array<i32>} : memref<64x128xf32, #tpu.memory_space<vmem>>, vector<16xf32>,
      tpu.vector_store %arg11[%swap3A_1328, %swap3A_1329], %add3A_1327 {strides = array<i32>} : memref<64x128xf32, #tpu.memory_space<vmem>>, vector<16xf32>,
      %add3A_1331 = arith.constant 48 : i32
      %add3A_1332 = vector.broadcast %add3A_1331 : i32 to vector<16xi32>
      %add3A_1333 = arith.addi %iota3A, %add3A_1332 : vector<16xi32>
      %gather3A_1334 = tpu.vector_load_idx %arg10[%add3A_1333, %broadcast_in_dim3A_1297] : memref<128x128xf32, #tpu.memory_space<vmem>>[vector<16xi32>, vector<16xi32>], vector<16xf32>,
      %mul3A_1335 = arith.constant 6.250000e-02 : f32
      %mul3A_1336 = vector.broadcast %mul3A_1335 : f32 to vector<16xf32>
      %mul3A_1337 = arith.mulf %gather3A_1334, %mul3A_1336 : vector<16xf32>
      %add3A_1338 = arith.addf %mul3A_1337, %gather3A : vector<16xf32>
      %swap3A_1339 = arith.index_cast %scan3A_1295 : i32 to index
      %swap3A_1340 = arith.constant 48 : index
      %swap3A_1341 = tpu.vector_load %arg11[%swap3A_1339, %swap3A_1340] {strides = array<i32>} : memref<64x128xf32, #tpu.memory_space<vmem>>, vector<16xf32>,
      tpu.vector_store %arg11[%swap3A_1339, %swap3A_1340], %add3A_1338 {strides = array<i32>} : memref<64x128xf32, #tpu.memory_space<vmem>>, vector<16xf32>,
      %add3A_1342 = arith.constant 64 : i32
      %add3A_1343 = vector.broadcast %add3A_1342 : i32 to vector<16xi32>
      %add3A_1344 = arith.addi %iota3A, %add3A_1343 : vector<16xi32>
      %gather3A_1345 = tpu.vector_load_idx %arg10[%add3A_1344, %broadcast_in_dim3A_1297] : memref<128x128xf32, #tpu.memory_space<vmem>>[vector<16xi32>, vector<16xi32>], vector<16xf32>,
      %mul3A_1346 = arith.constant 6.250000e-02 : f32
      %mul3A_1347 = vector.broadcast %mul3A_1346 : f32 to vector<16xf32>
      %mul3A_1348 = arith.mulf %gather3A_1345, %mul3A_1347 : vector<16xf32>
      %add3A_1349 = arith.addf %mul3A_1348, %gather3A : vector<16xf32>
      %swap3A_1350 = arith.index_cast %scan3A_1295 : i32 to index
      %swap3A_1351 = arith.constant 64 : index
      %swap3A_1352 = tpu.vector_load %arg11[%swap3A_1350, %swap3A_1351] {strides = array<i32>} : memref<64x128xf32, #tpu.memory_space<vmem>>, vector<16xf32>,
      tpu.vector_store %arg11[%swap3A_1350, %swap3A_1351], %add3A_1349 {strides = array<i32>} : memref<64x128xf32, #tpu.memory_space<vmem>>, vector<16xf32>,
      %add3A_1353 = arith.constant 80 : i32
      %add3A_1354 = vector.broadcast %add3A_1353 : i32 to vector<16xi32>
      %add3A_1355 = arith.addi %iota3A, %add3A_1354 : vector<16xi32>
      %gather3A_1356 = tpu.vector_load_idx %arg10[%add3A_1355, %broadcast_in_dim3A_1297] : memref<128x128xf32, #tpu.memory_space<vmem>>[vector<16xi32>, vector<16xi32>], vector<16xf32>,
      %mul3A_1357 = arith.constant 6.250000e-02 : f32
      %mul3A_1358 = vector.broadcast %mul3A_1357 : f32 to vector<16xf32>
      %mul3A_1359 = arith.mulf %gather3A_1356, %mul3A_1358 : vector<16xf32>
      %add3A_1360 = arith.addf %mul3A_1359, %gather3A : vector<16xf32>
      %swap3A_1361 = arith.index_cast %scan3A_1295 : i32 to index
      %swap3A_1362 = arith.constant 80 : index
      %swap3A_1363 = tpu.vector_load %arg11[%swap3A_1361, %swap3A_1362] {strides = array<i32>} : memref<64x128xf32, #tpu.memory_space<vmem>>, vector<16xf32>,
      tpu.vector_store %arg11[%swap3A_1361, %swap3A_1362], %add3A_1360 {strides = array<i32>} : memref<64x128xf32, #tpu.memory_space<vmem>>, vector<16xf32>,
      %add3A_1364 = arith.constant 96 : i32
      %add3A_1365 = vector.broadcast %add3A_1364 : i32 to vector<16xi32>
      %add3A_1366 = arith.addi %iota3A, %add3A_1365 : vector<16xi32>
      %gather3A_1367 = tpu.vector_load_idx %arg10[%add3A_1366, %broadcast_in_dim3A_1297] : memref<128x128xf32, #tpu.memory_space<vmem>>[vector<16xi32>, vector<16xi32>], vector<16xf32>,
      %mul3A_1368 = arith.constant 6.250000e-02 : f32
      %mul3A_1369 = vector.broadcast %mul3A_1368 : f32 to vector<16xf32>
      %mul3A_1370 = arith.mulf %gather3A_1367, %mul3A_1369 : vector<16xf32>
      %add3A_1371 = arith.addf %mul3A_1370, %gather3A : vector<16xf32>
      %swap3A_1372 = arith.index_cast %scan3A_1295 : i32 to index
      %swap3A_1373 = arith.constant 96 : index
      %swap3A_1374 = tpu.vector_load %arg11[%swap3A_1372, %swap3A_1373] {strides = array<i32>} : memref<64x128xf32, #tpu.memory_space<vmem>>, vector<16xf32>,
      tpu.vector_store %arg11[%swap3A_1372, %swap3A_1373], %add3A_1371 {strides = array<i32>} : memref<64x128xf32, #tpu.memory_space<vmem>>, vector<16xf32>,
      %add3A_1375 = arith.constant 112 : i32
      %add3A_1376 = vector.broadcast %add3A_1375 : i32 to vector<16xi32>
      %add3A_1377 = arith.addi %iota3A, %add3A_1376 : vector<16xi32>
      %gather3A_1378 = tpu.vector_load_idx %arg10[%add3A_1377, %broadcast_in_dim3A_1297] : memref<128x128xf32, #tpu.memory_space<vmem>>[vector<16xi32>, vector<16xi32>], vector<16xf32>,
      %mul3A_1379 = arith.constant 6.250000e-02 : f32
      %mul3A_1380 = vector.broadcast %mul3A_1379 : f32 to vector<16xf32>
      %mul3A_1381 = arith.mulf %gather3A_1378, %mul3A_1380 : vector<16xf32>
      %add3A_1382 = arith.addf %mul3A_1381, %gather3A : vector<16xf32>
      %swap3A_1383 = arith.index_cast %scan3A_1295 : i32 to index
      %swap3A_1384 = arith.constant 112 : index
      %swap3A_1385 = tpu.vector_load %arg11[%swap3A_1383, %swap3A_1384] {strides = array<i32>} : memref<64x128xf32, #tpu.memory_space<vmem>>, vector<16xf32>,
      tpu.vector_store %arg11[%swap3A_1383, %swap3A_1384], %add3A_1382 {strides = array<i32>} : memref<64x128xf32, #tpu.memory_space<vmem>>, vector<16xf32>,
      %scan3A_1386 = arith.constant 0 : i32
      scf.yield %scan3A_1386 : i32
    }
    %scan3A_1292 = arith.constant 64 : i32
    %add3A_1293 = arith.constant 384 : i32
    %add3A_1294 = arith.addi %mul3A_2, %add3A_1293 : i32
    "tpu.region"() ({
      %run_scoped3A = tpu.sem_alloc : memref<!tpu.dma_semaphore, #tpu.memory_space<semaphore_mem>>
      %dma_start3A_1295 = arith.constant 0 : i32
      %dma_start3A_1296 = tpu.memref_slice %arg5[%dma_start3A_1295, %add3A_1294] : memref<64x16384xf32, #tpu.memory_space<hbm>> -> memref<64x128xf32, #tpu.memory_space<hbm>>
      %dma_start3A_1297 = arith.constant 0 : i32
      %dma_start3A_1298 = tpu.memref_slice %arg5[%dma_start3A_1297, %add3A_1294] : memref<64x16384xf32, #tpu.memory_space<hbm>> -> memref<64x128xf32, #tpu.memory_space<hbm>>
      tpu.enqueue_dma source(%arg11 : memref<64x128xf32, #tpu.memory_space<vmem>>) target(%dma_start3A_1298 : memref<64x128xf32, #tpu.memory_space<hbm>>) target_semaphore(%run_scoped3A : memref<!tpu.dma_semaphore, #tpu.memory_space<semaphore_mem>>)
      %dma_wait3A_1299 = arith.constant 0 : i32
      %dma_wait3A_1300 = tpu.memref_slice %arg5[%dma_wait3A_1299, %add3A_1294] : memref<64x16384xf32, #tpu.memory_space<hbm>> -> memref<64x128xf32, #tpu.memory_space<hbm>>
      %dma_wait3A_1301 = arith.constant 0 : i32
      %dma_wait3A_1302 = tpu.memref_slice %arg5[%dma_wait3A_1301, %add3A_1294] : memref<64x16384xf32, #tpu.memory_space<hbm>> -> memref<64x128xf32, #tpu.memory_space<hbm>>
      tpu.wait_dma2 semaphore(%run_scoped3A : memref<!tpu.dma_semaphore, #tpu.memory_space<semaphore_mem>>) src(%arg11 : memref<64x128xf32, #tpu.memory_space<vmem>>) dst(%dma_wait3A_1302 : memref<64x128xf32, #tpu.memory_space<hbm>>)
      tpu.yield
    }) : () -> ()
    return
  }
}

module attributes {stable_mosaic.version = 14 : i64} {
  func.func @_combine_body(%arg0: i32, %arg1: memref<48x16384xf32, #tpu.memory_space<vmem>>, %arg2: memref<16x16384xf32, #tpu.memory_space<vmem>>, %arg3: memref<16384x128xf32, #tpu.memory_space<vmem>>) attributes {dimension_semantics = [#tpu.dimension_semantics<arbitrary>], iteration_bounds = array<i64: 62>, scalar_prefetch = 0 : i64, scratch_operands = 0 : i64, tpu.core_type = #tpu.core_type<tc>, window_params = [{transform_indices = @transform_0, window_bounds = array<i64: 48, 16384>}, {transform_indices = @transform_1, window_bounds = array<i64: 16, 16384>}, {transform_indices = @transform_2, window_bounds = array<i64: 16384, 128>}]} {
    %get3A = arith.constant 0 : index
    %get3A_0 = arith.constant 0 : index
    %get3A_1 = vector.load %arg1[%get3A, %get3A_0] : memref<48x16384xf32, #tpu.memory_space<vmem>>, vector<48x16384xf32>
    %get3A_2 = arith.constant 0 : index
    %get3A_3 = arith.constant 0 : index
    %get3A_4 = vector.load %arg2[%get3A_2, %get3A_3] : memref<16x16384xf32, #tpu.memory_space<vmem>>, vector<16x16384xf32>
    %concatenate3A = tpu.concatenate %get3A_1, %get3A_4 in 0 : vector<48x16384xf32>, vector<16x16384xf32> -> vector<64x16384xf32>
    %transpose3A = tpu.transpose %concatenate3A, [1, 0] : vector<64x16384xf32> -> vector<16384x64xf32>
    %broadcast_in_dim3A = arith.constant 0.000000e+00 : f32
    %broadcast_in_dim3A_5 = vector.broadcast %broadcast_in_dim3A : f32 to vector<16384x64xf32>
    %concatenate3A_6 = tpu.concatenate %transpose3A, %broadcast_in_dim3A_5 in 1 : vector<16384x64xf32>, vector<16384x64xf32> -> vector<16384x128xf32>
    %swap3A = arith.constant 0 : index
    %swap3A_7 = arith.constant 0 : index
    %swap3A_8 = vector.load %arg3[%swap3A, %swap3A_7] : memref<16384x128xf32, #tpu.memory_space<vmem>>, vector<16384x128xf32>
    tpu.vector_store %arg3[%swap3A, %swap3A_7], %concatenate3A_6 {strides = array<i32>} : memref<16384x128xf32, #tpu.memory_space<vmem>>, vector<16384x128xf32>,
    return
  }
  func.func @transform_0(%arg0: i32) -> (i32, i32) {
    %c0_i32 = arith.constant 0 : i32
    %c0_i32_0 = arith.constant 0 : i32
    return %c0_i32, %arg0 : i32, i32
  }
  func.func @transform_1(%arg0: i32) -> (i32, i32) {
    %c0_i32 = arith.constant 0 : i32
    %c0_i32_0 = arith.constant 0 : i32
    return %c0_i32, %arg0 : i32, i32
  }
  func.func @transform_2(%arg0: i32) -> (i32, i32) {
    %c0_i32 = arith.constant 0 : i32
    %c0_i32_0 = arith.constant 0 : i32
    return %arg0, %c0_i32 : i32, i32
  }
}

</mosaic_0001>

<sc_bundles>
// kernel: kernel.4.cloned.1.call-start
scs
__scs_entry_jumppad:
0x0: {  	(pc) =	sbr.rel $0x88, $3  }
0x1: {  	(tag) =	ssettag $0x0;
	lr =	simm.s32 $0x1  }
0x2: {  	[smem:$0x3F9D] =	sst lr;
	_ =	strace $0xD0000000  }
0x3: {  	_ = 	snop  }
0x4: {  	_ = 	snop  }
0x5: {  	_ = 	snop  }
0x6: {  	_ = 	snop  }
0x7: {  	_ = 	snop  }
__scs_overlays_trampoline_lowered:
0x8: {  	[smem:$0x3FAC] =	sst s0  }
0x9: {  	[smem:$0x3FAD] =	sst s1  }
0xa: {  	[smem:$0x3FAE] =	sst s2  }
0xb: {  	[smem:$0x3FAF] =	sst s3  }
0xc: {  	[smem:$0x3FB0] =	sst s4  }
0xd: {  	[smem:$0x3FB1] =	sst s5  }
0xe: {  	[smem:$0x3FB2] =	sst s6  }
0xf: {  	[smem:$0x3FB3] =	sst s7  }
0x10: {  	[smem:$0x3FB4] =	sst s8  }
0x11: {  	[smem:$0x3FB5] =	sst s9;
	s0 =	simm.s32 @!p0 $0x0  }
0x12: {  	s1 =	sld [smem:$0x3F9B];
	s0 =	simm.s32 @p0 $0x1  }
0x13: {  	[smem:$0x3FB6] =	sst s0;
	s0 =	simm.s32 @!p1 $0x0  }
0x14: {  	s2 =	sld [smem:$0x3F9A];
	s0 =	simm.s32 @p1 $0x1  }
0x15: {  	[smem:$0x3FB7] =	sst s0;
	s0 =	simm.s32 @!p2 $0x0  }
0x16: {  	s3 =	sld [smem:$0x3FDB];
	s0 =	simm.s32 @p2 $0x1  }
0x17: {  	s4 =	simm.s32 $0x1BF5;
	[smem:$0x3FB9] =	sst s0  }
0x18: {  	s0 =	sld [smem:$0x3F9C];
	_ =	swait.ge [sflag:s4], $0x0  }
0x19: {  	s7 =	sld [smem:$0x3F9D]  }
0x1a: {  	s8 =	sadd.s32 $0xFFFFE003, lr  }
0x1b: {  	s9 =	sadd.s32 $0xFFFFFEF7, lr;
	s5 =	simm.s32 $0xFFFFFFFF;
	p2 =	slt.u32 s8, $0xFFFFF086  }
0x1c: {  	p1 =	slt.u32 s9, $0xF7A;
	s5 =	simm.s32 @!p2 $0x0  }
0x1d: {  	s5 =	simm.s32 @p1 $0x1;
	p0 =	seq.s32 s7, s2  }
0x1e: {  	s7 =	smul.u32 @!p0 $0xF7A, s2;
	p2 =	seq.s32 @!p0 s5, $0x0  }
0x1f: {  	s9 =	smul.u32 $0xF7A, s1;
	s8 =	simm.s32 @!p0 $0x1BF5;
	p2 =	por !p2, p0  }
0x20: {  	[sflag:s8] =	ssyncset.s32 @!p0 $0xFFFFF086;
	s6 =	sadd.s32 @!p0 s3, s7;
	s7 =	simm.s32 @!p0 $0x108  }
0x21: {  	s3 =	sadd.s32 s3, s9;
	s6 =	sadd.s32 @!p0 $0x88, s6;
	s7 =	simm.s32 @p2 $0x1082  }
0x22: {  	[simem:s7], [sflag:s8] =	dma.local @!p0 [hbm:s6], $0xF7A  }
0x23: {  	s9 =	sor.u32 $0xD0000000, s2;
	s6 =	simm.s32 $0x108;
	_ =	swait.ge @!p0 [sflag:s8], $0x0  }
0x24: {  	s3 =	sadd.s32 $0x88, s3;
	s6 =	simm.s32 @!p1 $0x1082;
	[sflag:s4] =	ssyncset.s32 $0xFFFFF086  }
0x25: {  	[simem:s6], [sflag:s4] =	dma.local [hbm:s3], $0xF7A  }
0x26: {  	[smem:$0x3F9D] =	sst s1;
	(tag) =	ssettag s2;
	_ =	strace s9  }
0x27: {  	s1 =	sld [smem:$0x3FAD]  }
0x28: {  	s2 =	sld [smem:$0x3FAE]  }
0x29: {  	s4 =	sld [smem:$0x3FB0]  }
0x2a: {  	p0 =	seq.s32 s5, $0x0;
	s5 =	sld [smem:$0x3FB1]  }
0x2b: {  	s6 =	sld [smem:$0x3FB2]  }
0x2c: {  	s7 =	sld [smem:$0x3FB3]  }
0x2d: {  	s3 =	simm.s32 $0x108;
	s8 =	sld [smem:$0x3FB4]  }
0x2e: {  	s3 =	simm.s32 @!p0 $0x1082;
	s9 =	sld [smem:$0x3FB5]  }
0x2f: {  	lr =	sadd.s32 s0, s3;
	s0 =	sld [smem:$0x3FAC]  }
0x30: {  	s3 =	sld [smem:$0x3FAF]  }
0x31: {  	[smem:$0x3FB8] =	sst s10  }
0x32: {  	s10 =	sld [smem:$0x3FB6];
	_ =	sdelay $0x3  }
0x33: {  	p0 =	seq.s32 s10, $0x1;
	s10 =	sld [smem:$0x3FB8];
	_ =	sdelay $0x3  }
0x34: {  	[smem:$0x3FB8] =	sst s10  }
0x35: {  	s10 =	sld [smem:$0x3FB7];
	_ =	sdelay $0x3  }
0x36: {  	p1 =	seq.s32 s10, $0x1;
	s10 =	sld [smem:$0x3FB8];
	_ =	sdelay $0x3  }
0x37: {  	[smem:$0x3FB8] =	sst s10  }
0x38: {  	s10 =	sld [smem:$0x3FB9]  }
0x39: {  	_ = 	snop;
	(pc) =	sbr.ind lr, $3  }
0x3a: {  	_ = 	snop  }
0x3b: {  	_ = 	snop  }
0x3c: {  	p2 =	seq.s32 s10, $0x1;
	s10 =	sld [smem:$0x3FB8]  }
0x3d: {  	_ =	shalt  }
0x3e: {  	_ =	shalt  }
0x3f: {  	_ =	shalt  }
0x40: {  	_ =	shalt  }
0x41: {  	_ =	shalt  }
0x42: {  	_ =	shalt  }
0x43: {  	_ =	shalt  }
0x44: {  	_ =	shalt  }
0x45: {  	_ =	shalt  }
0x46: {  	_ =	shalt  }
0x47: {  	_ =	shalt  }
0x48: {  	_ =	shalt  }
0x49: {  	_ =	shalt  }
0x4a: {  	_ =	shalt  }
0x4b: {  	_ =	shalt  }
0x4c: {  	_ =	shalt  }
0x4d: {  	_ =	shalt  }
0x4e: {  	_ =	shalt  }
0x4f: {  	_ =	shalt  }
0x50: {  	_ =	shalt  }
0x51: {  	_ =	shalt  }
0x52: {  	_ =	shalt  }
0x53: {  	_ =	shalt  }
0x54: {  	_ =	shalt  }
0x55: {  	_ =	shalt  }
0x56: {  	_ =	shalt  }
0x57: {  	_ =	shalt  }
0x58: {  	_ =	shalt  }
0x59: {  	_ =	shalt  }
0x5a: {  	_ =	shalt  }
0x5b: {  	_ =	shalt  }
0x5c: {  	_ =	shalt  }
0x5d: {  	_ =	shalt  }
0x5e: {  	_ =	shalt  }
0x5f: {  	_ =	shalt  }
0x60: {  	_ =	shalt  }
0x61: {  	_ =	shalt  }
0x62: {  	_ =	shalt  }
0x63: {  	_ =	shalt  }
0x64: {  	_ =	shalt  }
0x65: {  	_ =	shalt  }
0x66: {  	_ =	shalt  }
0x67: {  	_ =	shalt  }
0x68: {  	_ =	shalt  }
0x69: {  	_ =	shalt  }
0x6a: {  	_ =	shalt  }
0x6b: {  	_ =	shalt  }
0x6c: {  	_ =	shalt  }
0x6d: {  	_ =	shalt  }
0x6e: {  	_ =	shalt  }
0x6f: {  	_ =	shalt  }
0x70: {  	_ =	shalt  }
0x71: {  	_ =	shalt  }
0x72: {  	_ =	shalt  }
0x73: {  	_ =	shalt  }
0x74: {  	_ =	shalt  }
0x75: {  	_ =	shalt  }
0x76: {  	_ =	shalt  }
0x77: {  	_ =	shalt  }
0x78: {  	_ =	shalt  }
0x79: {  	_ =	shalt  }
0x7a: {  	_ =	shalt  }
0x7b: {  	_ =	shalt  }
0x7c: {  	_ =	shalt  }
0x7d: {  	_ =	shalt  }
0x7e: {  	_ =	shalt  }
0x7f: {  	_ =	shalt  }
0x80: {  	_ =	shalt  }
0x81: {  	_ =	shalt  }
0x82: {  	_ =	shalt  }
0x83: {  	_ =	shalt  }
0x84: {  	_ =	shalt  }
0x85: {  	_ =	shalt  }
0x86: {  	_ =	shalt  }
0x87: {  	_ =	shalt  }
.Lfunc_end0:
.L_simem_size_0:
called_computation_lowered:
.L_overlay_start_0:
0x88: {  	s2 =	sld [smem:$0x3FD9]  }
0x89: {  	s3 =	sld [smem:$0x3FFE];
	_ =	sdelay $0x1  }
0x8a: {  	s1 =	srdreg.scid  }
0x8b: {  	s0 =	sand.u32 $0x1, s1  }
0x8c: {  	s17 =	sshll.u32 s0, $0xA;
	s2 =	sadd.s32 s3, s2  }
0x8d: {  	s2 =	sadd.s32 s2, s17  }
0x8e: {  	[smem:$0x3FC4] =	sst s2  }
0x8f: {  	_ = 	snop  }
0x90: {  	s2 =	sld [smem:$0x3FC9]  }
0x91: {  	s18 =	sld [smem:$0x3FC6]  }
0x92: {  	s4 =	sld [smem:$0x3FD0];
	(tm) =	ssettm $0x1  }
0x93: {  	s5 =	sld [smem:$0x3FFB];
	_ =	sdelay $0x3  }
0x94: {  	_ =	strace s5  }
0x95: {  	s5 =	sld [smem:$0x3FFC];
	_ =	sdelay $0x3  }
0x96: {  	_ =	strace s5  }
0x97: {  	s5 =	sld [smem:$0x3FFD];
	_ =	sdelay $0x3  }
0x98: {  	_ =	strace s5  }
0x99: {  	_ =	strace $0x8FFFFFFF  }
0x9a: {  	s19 =	sld [smem:$0x3FDB];
	_ =	sdelay $0x1  }
0x9b: {  	s6 =	simm.s32 $_scs_section_size  }
0x9c: {  	s7 =	simm.s32 $_size__tile_overlayer_lowered;
	s8 =	simm.s32 $_tile_overlayer_lowered  }
0x9d: {  	s22 =	simm.s32 $0x1BFF;
	s21 =	sshll.u32 s8, $0x1;
	s5 =	sadd.s32 s6, s19  }
0x9e: {  	s9 =	simm.s32 $0x0;
	s20 =	sshll.u32 s7, $0x1;
	s7 =	sadd.s32 s21, s5  }
0x9f: {  	[timem:s9], [sflag:s22] =	dma.local [hbm:s7], s20  }
0xa0: {  	_ =	swait.ge [sflag:s22], s20  }
0xa1: {  	s6 =	ssub.s32 $0x0, s20;
	[sflag:s22] =	ssyncset.done $0x0  }
0xa2: {  	[sflag:s22] =	ssyncadd.s32 s6;
	_ =	sdelay $0x1  }
0xa3: {  	s23 =	simm.s32 $0x1B8B  }
0xa4: {  	_ =	swait.ge [sflag:s23], $0x1  }
0xa5: {  	[sflag:s23] =	ssyncset.done $0x0  }
0xa6: {  	s25 =	simm.s32 $0x1B8E;
	s24 =	sld [smem:$0x3FFE];
	[sflag:s23] =	ssyncadd.s32 $0xFFFFFFFF  }
0xa7: {  	s26 =	simm.s32 $execute0_lowered;
	[smem:$0x3FD2] =	sst s25  }
0xa8: {  	s7 =	sshll.u32 s26, $0x1;
	_ =	strace $0x80000046;
	[dreg:$0x1] =	wrdreg $0xFFFFFFFF  }
0xa9: {  	s28 =	simm.s32 $_size_execute0_lowered;
	s5 =	sadd.s32 s5, s7;
	[dreg:$0x0] =	wrdreg $0x0  }
0xaa: {  	s7 =	sshll.u32 s28, $0x1;
	[dreg:$0x2] =	wrdreg s5  }
0xab: {  	[dreg:$0x3] =	wrdreg s7  }
0xac: {  	[dreg:$0x4] =	wrdreg $0xC0  }
0xad: {  	_ =	task [dreg:s9], $0x5FFFF  }
0xae: {  	[dreg:$0x1] =	wrdreg $0xFFFFFFFF  }
0xaf: {  	[dreg:$0x0] =	wrdreg $0x60  }
0xb0: {  	[dreg:$0x2] =	wrdreg s2  }
0xb1: {  	[dreg:$0x3] =	wrdreg s24  }
0xb2: {  	[dreg:$0x4] =	wrdreg s18  }
0xb3: {  	[dreg:$0x5] =	wrdreg s4  }
0xb4: {  	[dreg:$0x6] =	wrdreg $0x9  }
0xb5: {  	_ =	task.clear_ibuf [dreg:s9], $0x7FFFF;
	_ =	strace $0x90000046  }
0xb6: {  	s29 =	simm.s32 $0x9;
	_ =	strace $0x80000048  }
0xb7: {  	_ =	swait.ge [sflag:s29], $0x1  }
0xb8: {  	[sflag:s29] =	ssyncadd.s32 $0xFFFFFFFF  }
0xb9: {  	_ =	strace $0x90000048  }
0xba: {  	_ =	sfence  }
0xbb: {  	s30 =	sld [smem:$0x0];
	_ =	sdelay $0x2  }
0xbc: {  	s31 =	sshll.u32 s1, $0xD;
	s1 =	sshrl.u32 s1, $0x2  }
0xbd: {  	s3 =	sand.u32 $0x4000, s31;
	s1 =	sadd.s32 s1, s30  }
0xbe: {  	s0 =	sor.u32 s3, s0;
	s1 =	sshll.u32 s1, $0x11  }
0xbf: {  	s0 =	sor.u32 s1, s0  }
0xc0: {  	s0 =	sadd.s32 $0x8F2B, s0  }
0xc1: {  	[sflag:s0] =	ssyncadd.remote.s32 $0x1  }
0xc2: {  	_ =	sfence.sel $0xFFFF  }
0xc3: {  	[dreg:$0x0] =	wrdreg $0xFFFFFFFF;
	(pc) =	sbr.abs _section_cstart, $3  }
0xc4: {  	[dreg:$0x1] =	wrdreg $0xFFFFFFFF  }
0xc5: {  	_ =	task.clear_ibuf [dreg:s9], $0x2FFFF;
	_ =	strace $0x9FFFFFFF  }
0xc6: {  	(tm) =	ssettm $0x7FFFFFFF  }
0xc7: {  	_ =	shalt  }
tec
execute0_lowered:
.L_overlay_start_1:
0x0: {  	(tag) =	ssettag $0x1  }
0x1: {  	s0 =	rddreg [dreg:$0x0]  }
0x2: {  	s1 =	rddreg [dreg:$0x1]  }
0x3: {  	s2 =	rddreg [dreg:$0x3]  }
0x4: {  	s3 =	simm.s32 $0x0;
	s4 =	srdreg.scid;
	s6 =	stileid.u32  }
0x5: {  	s11 =	simm.s32 $0x1000;
	s12 =	simm.s32 $0x20000;
	s13 =	simm.s32 $0x3  }
0x6: {  	s15 =	simm.s32 $0x80;
	s16 =	simm.s32 $0x2880;
	s31 =	simm.s32 $0x400  }
0x7: {  	s30 =	simm.s32 $0x1;
	s19 =	simm.s32 $0x2;
	s29 =	simm.s32 $0x1C00  }
0x8: {  	s14 =	simm.s32 $0x1C80;
	s17 =	simm.s32 $0x1D00;
	s18 =	simm.s32 $0x1D80  }
0x9: {  	s20 =	simm.s32 $0x1E00;
	s21 =	simm.s32 $0x1E80;
	s22 =	simm.s32 $0x1F00  }
0xa: {  	s23 =	simm.s32 $0x1F80;
	s24 =	simm.s32 $0x0;
	s4 =	sand.u32 $0x1, s4  }
0xb: {  	v0 =	vlaneseq.u32;
	[smem:$0x7FF] =	sst s3;
	s6 =	sshll.u32 s6, $0xA;
	s5 =	ssub.s32 $0x2, s4  }
0xc: {  	v0 =	vmul.u32 $0x80, v0;
	s4 =	sshll.u32 s4, $0x9;
	_ =	strace $0x80000047;
	s7 =	sshrl.u32 s5, $0x1  }
0xd: {  	s6 =	sor.u32 s4, s6;
	s4 =	sadd.s32 $0x400, s1;
	s1 =	simm.s32 $0xA880  }
0xe: {  	v1 =	vimm.f32 $0.0e+00;
	v2 =	vor.u32 $0x800, v0;
	s28 =	ssub.s32 s5, s7;
	s5 =	sadd.s32 s2, s6;
	s6 =	sadd.s32 s0, s6  }
0xf: {  	v3 =	vor.u32 $0x1000, v0;
	v4 =	vor.u32 $0x1800, v0;
	v5 =	vor.u32 $0x2000, v0;
	s0 =	simm.s32 $0x6880;
	s2 =	simm.s32 $0x2800;
	s7 =	sadd.s32 $0x80, s5  }
0x10: {  	v6 =	vor.u32 $0x2800, v0;
	v7 =	vor.u32 $0x3000, v0;
	v8 =	vor.u32 $0x3800, v0;
	s8 =	sadd.s32 $0x100, s5;
	s9 =	sadd.s32 $0x180, s5;
	s10 =	smax.u32 s28, $0x1  }
.LBB2_1:
0x11: {  	[tilespmem:s3], [sflag:$0x3] =	stream.strided.gather [hbm4b:s6+s11], $0x2000, s12, s11, $0x38;
	[tilespmem:$0xC880] =	vst v63  }
0x12: {  	_ =	swait.ge [sflag:s13], $0x2000  }
0x13: {  	[sflag:s13] =	ssyncset.done $0x0  }
0x14: {  	[sflag:s13] =	ssyncadd.s32 $0xFFFFE000  }
0x15: {  	s26 =	simm.s32 $0x2000;
	s25 =	rddreg [dreg:$0x2]  }
0x16: {  	[tilespmem:s26], [sflag:$0x3] =	stream.linear.gather [hbm4b:s25+s3], $0x800, $0x38;
	[tilespmem:$0xC880] =	vst v63  }
0x17: {  	_ =	swait.ge [sflag:s13], $0x800  }
0x18: {  	[sflag:s13] =	ssyncset.done $0x0  }
0x19: {  	[sflag:s13] =	ssyncadd.s32 $0xFFFFF800  }
0x1a: {  	v9 =	vld [tilespmem:$0x2000]  }
0x1b: {  	v10 =	vld [tilespmem:$0x2080]  }
0x1c: {  	v11 =	vld [tilespmem:$0x2100]  }
0x1d: {  	v12 =	vld [tilespmem:$0x2180]  }
0x1e: {  	v13 =	vld [tilespmem:$0x2200]  }
0x1f: {  	v14 =	vld [tilespmem:$0x2280]  }
0x20: {  	v15 =	vld [tilespmem:$0x2300]  }
0x21: {  	v16 =	vld [tilespmem:$0x2380]  }
0x22: {  	v17 =	vld [tilespmem:$0x2400]  }
0x23: {  	v18 =	vld [tilespmem:$0x2480]  }
0x24: {  	v19 =	vld [tilespmem:$0x2500]  }
0x25: {  	v20 =	vld [tilespmem:$0x2580]  }
0x26: {  	v21 =	vld [tilespmem:$0x2600]  }
0x27: {  	v22 =	vld [tilespmem:$0x2680]  }
0x28: {  	v23 =	vld [tilespmem:$0x2700]  }
0x29: {  	v24 =	vld [tilespmem:$0x2780]  }
0x2a: {  	v25 =	vld [tilespmem:$0x2010]  }
0x2b: {  	v26 =	vld [tilespmem:$0x2090]  }
0x2c: {  	v27 =	vld [tilespmem:$0x2110]  }
0x2d: {  	v28 =	vld [tilespmem:$0x2190]  }
0x2e: {  	v29 =	vld [tilespmem:$0x2210]  }
0x2f: {  	v30 =	vld [tilespmem:$0x2290]  }
0x30: {  	v31 =	vld [tilespmem:$0x2310]  }
0x31: {  	v32 =	vld [tilespmem:$0x2390]  }
0x32: {  	v33 =	vld [tilespmem:$0x2410]  }
0x33: {  	v34 =	vld [tilespmem:$0x2490]  }
0x34: {  	v35 =	vld [tilespmem:$0x2510]  }
0x35: {  	v36 =	vld [tilespmem:$0x2590]  }
0x36: {  	v37 =	vld [tilespmem:$0x2610]  }
0x37: {  	v38 =	vld [tilespmem:$0x2690]  }
0x38: {  	v39 =	vld [tilespmem:$0x2710]  }
0x39: {  	v40 =	vld [tilespmem:$0x2790]  }
0x3a: {  	v41 =	vld [tilespmem:$0x2020]  }
0x3b: {  	v42 =	vld [tilespmem:$0x20A0]  }
0x3c: {  	v43 =	vld [tilespmem:$0x2030]  }
0x3d: {  	v44 =	vld [tilespmem:$0x20B0]  }
0x3e: {  	v45 =	vld [tilespmem:$0x2120]  }
0x3f: {  	v9 =	vadd.f32 v10, v9;
	v10 =	vld [tilespmem:$0x2130]  }
0x40: {  	v58 =	vld [tilespmem:$0x21A0];
	v25 =	vadd.f32 v26, v25  }
0x41: {  	v59 =	vld [tilespmem:$0x21B0];
	v9 =	vadd.f32 v11, v9;
	v11 =	vadd.f32 v42, v41  }
0x42: {  	v61 =	vld [tilespmem:$0x2220];
	v60 =	vadd.f32 v44, v43;
	v25 =	vadd.f32 v27, v25  }
0x43: {  	v62 =	vld [tilespmem:$0x2230];
	v9 =	vadd.f32 v12, v9;
	v11 =	vadd.f32 v45, v11  }
0x44: {  	v63 =	vld [tilespmem:$0x22A0];
	v25 =	vadd.f32 v28, v25;
	v10 =	vadd.f32 v10, v60  }
0x45: {  	v28 =	vld [tilespmem:$0x22B0];
	v9 =	vadd.f32 v13, v9;
	v11 =	vadd.f32 v58, v11  }
0x46: {  	v41 =	vld [tilespmem:$0x2320];
	v25 =	vadd.f32 v29, v25;
	v10 =	vadd.f32 v59, v10  }
0x47: {  	v42 =	vld [tilespmem:$0x2330];
	v9 =	vadd.f32 v14, v9;
	v11 =	vadd.f32 v61, v11  }
0x48: {  	v43 =	vld [tilespmem:$0x23A0];
	v25 =	vadd.f32 v30, v25;
	v10 =	vadd.f32 v62, v10  }
0x49: {  	v44 =	vld [tilespmem:$0x23B0];
	v9 =	vadd.f32 v15, v9;
	v11 =	vadd.f32 v63, v11  }
0x4a: {  	v45 =	vld [tilespmem:$0x2420];
	v25 =	vadd.f32 v31, v25;
	v10 =	vadd.f32 v28, v10  }
0x4b: {  	v46 =	vld [tilespmem:$0x2430];
	v9 =	vadd.f32 v16, v9;
	v11 =	vadd.f32 v41, v11  }
0x4c: {  	v47 =	vld [tilespmem:$0x24A0];
	v25 =	vadd.f32 v32, v25;
	v10 =	vadd.f32 v42, v10  }
0x4d: {  	v48 =	vld [tilespmem:$0x24B0];
	v9 =	vadd.f32 v17, v9;
	v11 =	vadd.f32 v43, v11  }
0x4e: {  	v50 =	vld [tilespmem:$0x2520];
	v49 =	vadd.f32 v33, v25;
	v10 =	vadd.f32 v44, v10  }
0x4f: {  	v51 =	vld [tilespmem:$0x2530];
	v9 =	vadd.f32 v18, v9;
	v11 =	vadd.f32 v45, v11  }
0x50: {  	v52 =	vld [tilespmem:$0x25A0];
	v17 =	vadd.f32 v34, v49;
	v10 =	vadd.f32 v46, v10  }
0x51: {  	v53 =	vld [tilespmem:$0x25B0];
	v9 =	vadd.f32 v19, v9;
	v11 =	vadd.f32 v47, v11  }
0x52: {  	v54 =	vld [tilespmem:$0x2620];
	v17 =	vadd.f32 v35, v17;
	v10 =	vadd.f32 v48, v10  }
0x53: {  	v55 =	vld [tilespmem:$0x2630];
	v9 =	vadd.f32 v20, v9;
	v11 =	vadd.f32 v50, v11  }
0x54: {  	v56 =	vld [tilespmem:$0x26A0];
	v17 =	vadd.f32 v36, v17;
	v10 =	vadd.f32 v51, v10  }
0x55: {  	v57 =	vld [tilespmem:$0x26B0];
	v9 =	vadd.f32 v21, v9;
	v11 =	vadd.f32 v52, v11  }
0x56: {  	v58 =	vld [tilespmem:$0x2720];
	v17 =	vadd.f32 v37, v17;
	v10 =	vadd.f32 v53, v10  }
0x57: {  	v59 =	vld [tilespmem:$0x2730];
	v9 =	vadd.f32 v22, v9;
	v11 =	vadd.f32 v54, v11  }
0x58: {  	v60 =	vld [tilespmem:$0x27A0];
	v17 =	vadd.f32 v38, v17;
	v10 =	vadd.f32 v55, v10  }
0x59: {  	v61 =	vld [tilespmem:$0x27B0];
	v9 =	vadd.f32 v23, v9;
	v11 =	vadd.f32 v56, v11  }
0x5a: {  	v17 =	vadd.f32 v39, v17;
	v10 =	vadd.f32 v57, v10  }
0x5b: {  	v9 =	vadd.f32 v24, v9;
	v11 =	vadd.f32 v58, v11  }
0x5c: {  	v62 =	vadd.f32 v40, v17;
	v10 =	vadd.f32 v59, v10  }
0x5d: {  	v11 =	vadd.f32 v60, v11;
	v9 =	vmul.f32 $6.250000000e-02, v9  }
0x5e: {  	v63 =	vmul.f32 $6.250000000e-02, v62;
	v10 =	vadd.f32 v61, v10  }
0x5f: {  	[tilespmem:$0x2800] =	vst v9;
	v9 =	vmul.f32 $6.250000000e-02, v11  }
0x60: {  	[tilespmem:$0x2810] =	vst v63;
	v10 =	vmul.f32 $6.250000000e-02, v10  }
0x61: {  	[tilespmem:$0x2820] =	vst v9  }
0x62: {  	s26 =	simm.s32 $0x200;
	s25 =	simm.s32 $0x0;
	[tilespmem:$0x2830] =	vst v10  }
.LBB2_2:
0x63: {  	p0 =	sne.s32 s26, $0xFE00;
	[tilespmem:s25+$0x28B0] =	vst v1;
	s28 =	smov.u32 s26;
	s26 =	sadd.s32 $0x200, s26  }
.Ltmp0:
0x64: {  	[tilespmem:s25+$0x28A0] =	vst v1;
	(pc) =	sbr.rel @p0 .LBB2_2-.Ltmp0, $3  }
0x65: {  	[tilespmem:s25+$0x2880] =	vst v1  }
0x66: {  	[tilespmem:s25+$0x2890] =	vst v1;
	_ =	sdelay $0x1  }
0x67: {  	s25 =	sshra.s32 s28, $0x2  }
0x68: {  	[tilespmem:s25+$0x28B0] =	vst v1  }
0x69: {  	[tilespmem:s25+$0x28A0] =	vst v1  }
0x6a: {  	[tilespmem:s25+$0x2880] =	vst v1  }
0x6b: {  	[tilespmem:s25+$0x2890] =	vst v1;
	s26 =	simm.s32 $0x0  }
0x6c: {  	[tilespmem:s16], [sflag:$0x1] =	stream.indirect.gather.add.f32 [hbm:s4], $0x80, s26, s15, $0xb8;
	[tilespmem:$0xC880] =	vst v63  }
0x6d: {  	_ = 	snop  }
0x6e: {  	[tilespmem:s16], [sflag:$0x1] =	stream.indirect.gather.add.f32 [hbm:s4], $0x80, s15, s15, $0xb8;
	[tilespmem:$0xC880] =	vst v63  }
0x6f: {  	s28 =	simm.s32 $0x100  }
0x70: {  	[tilespmem:s16], [sflag:$0x1] =	stream.indirect.gather.add.f32 [hbm:s4], $0x80, s28, s15, $0xb8;
	[tilespmem:$0xC880] =	vst v63  }
0x71: {  	s26 =	simm.s32 $0x180  }
0x72: {  	[tilespmem:s16], [sflag:$0x1] =	stream.indirect.gather.add.f32 [hbm:s4], $0x80, s26, s15, $0xb8;
	[tilespmem:$0xC880] =	vst v63  }
0x73: {  	s28 =	simm.s32 $0x200  }
0x74: {  	[tilespmem:s16], [sflag:$0x1] =	stream.indirect.gather.add.f32 [hbm:s4], $0x80, s28, s15, $0xb8;
	[tilespmem:$0xC880] =	vst v63  }
0x75: {  	s26 =	simm.s32 $0x280  }
0x76: {  	[tilespmem:s16], [sflag:$0x1] =	stream.indirect.gather.add.f32 [hbm:s4], $0x80, s26, s15, $0xb8;
	[tilespmem:$0xC880] =	vst v63  }
0x77: {  	s28 =	simm.s32 $0x300  }
0x78: {  	[tilespmem:s16], [sflag:$0x1] =	stream.indirect.gather.add.f32 [hbm:s4], $0x80, s28, s15, $0xb8;
	[tilespmem:$0xC880] =	vst v63  }
0x79: {  	s26 =	simm.s32 $0x380  }
0x7a: {  	[tilespmem:s16], [sflag:$0x1] =	stream.indirect.gather.add.f32 [hbm:s4], $0x80, s26, s15, $0xb8;
	[tilespmem:$0xC880] =	vst v63  }
0x7b: {  	_ = 	snop  }
0x7c: {  	[tilespmem:s16], [sflag:$0x1] =	stream.indirect.gather.add.f32 [hbm:s4], $0x80, s11, s15, $0xb8;
	[tilespmem:$0xC880] =	vst v63  }
0x7d: {  	s28 =	simm.s32 $0x1080  }
0x7e: {  	[tilespmem:s16], [sflag:$0x1] =	stream.indirect.gather.add.f32 [hbm:s4], $0x80, s28, s15, $0xb8;
	[tilespmem:$0xC880] =	vst v63  }
0x7f: {  	s26 =	simm.s32 $0x1100  }
0x80: {  	[tilespmem:s16], [sflag:$0x1] =	stream.indirect.gather.add.f32 [hbm:s4], $0x80, s26, s15, $0xb8;
	[tilespmem:$0xC880] =	vst v63  }
0x81: {  	s28 =	simm.s32 $0x1180  }
0x82: {  	[tilespmem:s16], [sflag:$0x1] =	stream.indirect.gather.add.f32 [hbm:s4], $0x80, s28, s15, $0xb8;
	[tilespmem:$0xC880] =	vst v63  }
0x83: {  	s26 =	simm.s32 $0x1200  }
0x84: {  	[tilespmem:s16], [sflag:$0x1] =	stream.indirect.gather.add.f32 [hbm:s4], $0x80, s26, s15, $0xb8;
	[tilespmem:$0xC880] =	vst v63  }
0x85: {  	s28 =	simm.s32 $0x1280  }
0x86: {  	[tilespmem:s16], [sflag:$0x1] =	stream.indirect.gather.add.f32 [hbm:s4], $0x80, s28, s15, $0xb8;
	[tilespmem:$0xC880] =	vst v63  }
0x87: {  	s26 =	simm.s32 $0x1300  }
0x88: {  	[tilespmem:s16], [sflag:$0x1] =	stream.indirect.gather.add.f32 [hbm:s4], $0x80, s26, s15, $0xb8;
	[tilespmem:$0xC880] =	vst v63  }
0x89: {  	s25 =	simm.s32 $0x0;
	s28 =	simm.s32 $0x1380;
	s26 =	simm.s32 $0x200  }
0x8a: {  	[tilespmem:s16], [sflag:$0x1] =	stream.indirect.gather.add.f32 [hbm:s4], $0x80, s28, s15, $0xb8;
	[tilespmem:$0xC880] =	vst v63  }
.LBB2_4:
0x8b: {  	p0 =	sne.s32 s26, $0xFE00;
	[tilespmem:s25+$0x68B0] =	vst v1;
	s28 =	smov.u32 s26;
	s26 =	sadd.s32 $0x200, s26  }
.Ltmp1:
0x8c: {  	[tilespmem:s25+$0x68A0] =	vst v1;
	(pc) =	sbr.rel @p0 .LBB2_4-.Ltmp1, $3  }
0x8d: {  	[tilespmem:s25+$0x6880] =	vst v1  }
0x8e: {  	[tilespmem:s25+$0x6890] =	vst v1;
	_ =	sdelay $0x1  }
0x8f: {  	s25 =	sshra.s32 s28, $0x2  }
0x90: {  	[tilespmem:s25+$0x68B0] =	vst v1  }
0x91: {  	[tilespmem:s25+$0x68A0] =	vst v1  }
0x92: {  	[tilespmem:s25+$0x6880] =	vst v1  }
0x93: {  	[tilespmem:s25+$0x6890] =	vst v1  }
0x94: {  	[tilespmem:s0], [sflag:$0x2] =	stream.indirect.gather.add.f32 [hbm:s4], $0x80, s31, s15, $0xb8;
	[tilespmem:$0xC880] =	vst v63  }
0x95: {  	s26 =	simm.s32 $0x480  }
0x96: {  	[tilespmem:s0], [sflag:$0x2] =	stream.indirect.gather.add.f32 [hbm:s4], $0x80, s26, s15, $0xb8;
	[tilespmem:$0xC880] =	vst v63  }
0x97: {  	s26 =	simm.s32 $0x500  }
0x98: {  	[tilespmem:s0], [sflag:$0x2] =	stream.indirect.gather.add.f32 [hbm:s4], $0x80, s26, s15, $0xb8;
	[tilespmem:$0xC880] =	vst v63  }
0x99: {  	s26 =	simm.s32 $0x580  }
0x9a: {  	[tilespmem:s0], [sflag:$0x2] =	stream.indirect.gather.add.f32 [hbm:s4], $0x80, s26, s15, $0xb8;
	[tilespmem:$0xC880] =	vst v63  }
0x9b: {  	s26 =	simm.s32 $0x600  }
0x9c: {  	[tilespmem:s0], [sflag:$0x2] =	stream.indirect.gather.add.f32 [hbm:s4], $0x80, s26, s15, $0xb8;
	[tilespmem:$0xC880] =	vst v63  }
0x9d: {  	s26 =	simm.s32 $0x680  }
0x9e: {  	[tilespmem:s0], [sflag:$0x2] =	stream.indirect.gather.add.f32 [hbm:s4], $0x80, s26, s15, $0xb8;
	[tilespmem:$0xC880] =	vst v63  }
0x9f: {  	s26 =	simm.s32 $0x700  }
0xa0: {  	[tilespmem:s0], [sflag:$0x2] =	stream.indirect.gather.add.f32 [hbm:s4], $0x80, s26, s15, $0xb8;
	[tilespmem:$0xC880] =	vst v63  }
0xa1: {  	s26 =	simm.s32 $0x780  }
0xa2: {  	[tilespmem:s0], [sflag:$0x2] =	stream.indirect.gather.add.f32 [hbm:s4], $0x80, s26, s15, $0xb8;
	[tilespmem:$0xC880] =	vst v63  }
0xa3: {  	s26 =	simm.s32 $0x1400  }
0xa4: {  	[tilespmem:s0], [sflag:$0x2] =	stream.indirect.gather.add.f32 [hbm:s4], $0x80, s26, s15, $0xb8;
	[tilespmem:$0xC880] =	vst v63  }
0xa5: {  	s26 =	simm.s32 $0x1480  }
0xa6: {  	[tilespmem:s0], [sflag:$0x2] =	stream.indirect.gather.add.f32 [hbm:s4], $0x80, s26, s15, $0xb8;
	[tilespmem:$0xC880] =	vst v63  }
0xa7: {  	s26 =	simm.s32 $0x1500  }
0xa8: {  	[tilespmem:s0], [sflag:$0x2] =	stream.indirect.gather.add.f32 [hbm:s4], $0x80, s26, s15, $0xb8;
	[tilespmem:$0xC880] =	vst v63  }
0xa9: {  	s26 =	simm.s32 $0x1580  }
0xaa: {  	[tilespmem:s0], [sflag:$0x2] =	stream.indirect.gather.add.f32 [hbm:s4], $0x80, s26, s15, $0xb8;
	[tilespmem:$0xC880] =	vst v63  }
0xab: {  	s26 =	simm.s32 $0x1600  }
0xac: {  	[tilespmem:s0], [sflag:$0x2] =	stream.indirect.gather.add.f32 [hbm:s4], $0x80, s26, s15, $0xb8;
	[tilespmem:$0xC880] =	vst v63  }
0xad: {  	s26 =	simm.s32 $0x1680  }
0xae: {  	[tilespmem:s0], [sflag:$0x2] =	stream.indirect.gather.add.f32 [hbm:s4], $0x80, s26, s15, $0xb8;
	[tilespmem:$0xC880] =	vst v63  }
0xaf: {  	s26 =	simm.s32 $0x1700  }
0xb0: {  	[tilespmem:s0], [sflag:$0x2] =	stream.indirect.gather.add.f32 [hbm:s4], $0x80, s26, s15, $0xb8;
	[tilespmem:$0xC880] =	vst v63  }
0xb1: {  	s26 =	simm.s32 $0x1780  }
0xb2: {  	[tilespmem:s0], [sflag:$0x2] =	stream.indirect.gather.add.f32 [hbm:s4], $0x80, s26, s15, $0xb8;
	[tilespmem:$0xC880] =	vst v63  }
0xb3: {  	_ =	swait.ge [sflag:s30], $0x4000  }
0xb4: {  	[sflag:s30] =	ssyncset.done $0x0  }
0xb5: {  	[sflag:s30] =	ssyncadd.s32 $0xFFFFC000  }
0xb6: {  	_ =	swait.ge [sflag:s30], $0x4000  }
0xb7: {  	[sflag:s30] =	ssyncset.done $0x0  }
0xb8: {  	[sflag:s30] =	ssyncadd.s32 $0xFFFFC000  }
0xb9: {  	_ =	swait.ge [sflag:s30], $0x4000  }
0xba: {  	[sflag:s30] =	ssyncset.done $0x0  }
0xbb: {  	[sflag:s30] =	ssyncadd.s32 $0xFFFFC000  }
0xbc: {  	_ =	swait.ge [sflag:s30], $0x4000  }
0xbd: {  	[sflag:s30] =	ssyncset.done $0x0  }
0xbe: {  	[sflag:s30] =	ssyncadd.s32 $0xFFFFC000  }
0xbf: {  	_ =	swait.ge [sflag:s30], $0x4000  }
0xc0: {  	[sflag:s30] =	ssyncset.done $0x0  }
0xc1: {  	[sflag:s30] =	ssyncadd.s32 $0xFFFFC000  }
0xc2: {  	_ =	swait.ge [sflag:s30], $0x4000  }
0xc3: {  	[sflag:s30] =	ssyncset.done $0x0  }
0xc4: {  	[sflag:s30] =	ssyncadd.s32 $0xFFFFC000  }
0xc5: {  	_ =	swait.ge [sflag:s30], $0x4000  }
0xc6: {  	[sflag:s30] =	ssyncset.done $0x0  }
0xc7: {  	[sflag:s30] =	ssyncadd.s32 $0xFFFFC000  }
0xc8: {  	_ =	swait.ge [sflag:s30], $0x4000  }
0xc9: {  	[sflag:s30] =	ssyncset.done $0x0  }
0xca: {  	[sflag:s30] =	ssyncadd.s32 $0xFFFFC000  }
0xcb: {  	_ =	swait.ge [sflag:s30], $0x4000  }
0xcc: {  	[sflag:s30] =	ssyncset.done $0x0  }
0xcd: {  	[sflag:s30] =	ssyncadd.s32 $0xFFFFC000  }
0xce: {  	_ =	swait.ge [sflag:s30], $0x4000  }
0xcf: {  	[sflag:s30] =	ssyncset.done $0x0  }
0xd0: {  	[sflag:s30] =	ssyncadd.s32 $0xFFFFC000  }
0xd1: {  	_ =	swait.ge [sflag:s30], $0x4000  }
0xd2: {  	[sflag:s30] =	ssyncset.done $0x0  }
0xd3: {  	[sflag:s30] =	ssyncadd.s32 $0xFFFFC000  }
0xd4: {  	_ =	swait.ge [sflag:s30], $0x4000  }
0xd5: {  	[sflag:s30] =	ssyncset.done $0x0  }
0xd6: {  	[sflag:s30] =	ssyncadd.s32 $0xFFFFC000  }
0xd7: {  	_ =	swait.ge [sflag:s30], $0x4000  }
0xd8: {  	[sflag:s30] =	ssyncset.done $0x0  }
0xd9: {  	[sflag:s30] =	ssyncadd.s32 $0xFFFFC000  }
0xda: {  	_ =	swait.ge [sflag:s30], $0x4000  }
0xdb: {  	[sflag:s30] =	ssyncset.done $0x0  }
0xdc: {  	[sflag:s30] =	ssyncadd.s32 $0xFFFFC000  }
0xdd: {  	s26 =	simm.s32 $0x0;
	_ =	swait.ge [sflag:s30], $0x4000  }
0xde: {  	v9 =	vor.u32 s26, v0;
	[sflag:s30] =	ssyncset.done $0x0  }
0xdf: {  	[sflag:s30] =	ssyncadd.s32 $0xFFFFC000  }
0xe0: {  	v10 =	vmov s26;
	_ =	swait.ge [sflag:s30], $0x4000  }
0xe1: {  	[sflag:s30] =	ssyncset.done $0x0  }
0xe2: {  	[sflag:s30] =	ssyncadd.s32 $0xFFFFC000  }
0xe3: {  	v11 =	vld.idx.msk [tilespmem:v9+s16+$0x0], $0xffff;
	_ =	sdelay $0x1  }
0xe4: {  	v9 =	vld.idx.msk [tilespmem:v10+s2+$0x0], $0xffff;
	_ =	sdelay $0x2  }
0xe5: {  	v10 =	vmul.f32 $6.250000000e-02, v11;
	v11 =	vor.u32 s26, v2;
	_ =	sdelay $0x1  }
0xe6: {  	v10 =	vadd.f32 v10, v9  }
0xe7: {  	s25 =	simm.s32 $0xA8C0  }
0xe8: {  	[tilespmem:s25+$0xFFFFFFC0] =	vst v10  }
0xe9: {  	v10 =	vld.idx.msk [tilespmem:v11+s16+$0x0], $0xffff;
	_ =	sdelay $0x4  }
0xea: {  	v11 =	vor.u32 s26, v3;
	v10 =	vmul.f32 $6.250000000e-02, v10;
	_ =	sdelay $0x1  }
0xeb: {  	v10 =	vadd.f32 v10, v9;
	_ =	sdelay $0x1  }
0xec: {  	[tilespmem:s25+$0xFFFFFFD0] =	vst v10  }
0xed: {  	v10 =	vld.idx.msk [tilespmem:v11+s16+$0x0], $0xffff;
	_ =	sdelay $0x4  }
0xee: {  	v11 =	vor.u32 s26, v4;
	v10 =	vmul.f32 $6.250000000e-02, v10;
	_ =	sdelay $0x1  }
0xef: {  	v10 =	vadd.f32 v10, v9;
	_ =	sdelay $0x1  }
0xf0: {  	[tilespmem:s25+$0xFFFFFFE0] =	vst v10  }
0xf1: {  	v10 =	vld.idx.msk [tilespmem:v11+s16+$0x0], $0xffff;
	_ =	sdelay $0x4  }
0xf2: {  	v11 =	vor.u32 s26, v5;
	v10 =	vmul.f32 $6.250000000e-02, v10;
	_ =	sdelay $0x1  }
0xf3: {  	v10 =	vadd.f32 v10, v9;
	_ =	sdelay $0x1  }
0xf4: {  	[tilespmem:s25+$0xFFFFFFF0] =	vst v10  }
0xf5: {  	v10 =	vld.idx.msk [tilespmem:v11+s16+$0x0], $0xffff;
	_ =	sdelay $0x4  }
0xf6: {  	v11 =	vor.u32 s26, v6;
	v10 =	vmul.f32 $6.250000000e-02, v10;
	_ =	sdelay $0x1  }
0xf7: {  	v10 =	vadd.f32 v10, v9;
	_ =	sdelay $0x1  }
0xf8: {  	[tilespmem:s25+$0x0] =	vst v10  }
0xf9: {  	v10 =	vld.idx.msk [tilespmem:v11+s16+$0x0], $0xffff;
	_ =	sdelay $0x4  }
0xfa: {  	v11 =	vor.u32 s26, v7;
	v10 =	vmul.f32 $6.250000000e-02, v10;
	_ =	sdelay $0x1  }
0xfb: {  	v10 =	vadd.f32 v10, v9;
	_ =	sdelay $0x1  }
0xfc: {  	[tilespmem:s25+$0x10] =	vst v10  }
0xfd: {  	v10 =	vld.idx.msk [tilespmem:v11+s16+$0x0], $0xffff;
	_ =	sdelay $0x4  }
0xfe: {  	v11 =	vor.u32 s26, v8;
	v10 =	vmul.f32 $6.250000000e-02, v10;
	_ =	sdelay $0x1  }
0xff: {  	v10 =	vadd.f32 v10, v9;
	_ =	sdelay $0x1  }
0x100: {  	[tilespmem:s25+$0x20] =	vst v10  }
0x101: {  	v11 =	vld.idx.msk [tilespmem:v11+s16+$0x0], $0xffff;
	_ =	sdelay $0x3  }
0x102: {  	s26 =	simm.s32 $0x1  }
0x103: {  	s28 =	simm.s32 $0x2;
	v10 =	vor.u32 s26, v0;
	v11 =	vmul.f32 $6.250000000e-02, v11  }
.LBB2_6:
0x104: {  	p0 =	sne.s32 s28, $0x3F;
	v12 =	vmov s26  }
0x105: {  	v9 =	vadd.f32 v11, v9;
	_ =	sdelay $0x1  }
0x106: {  	[tilespmem:s25+$0x30] =	vst v9  }
0x107: {  	v10 =	vld.idx.msk [tilespmem:v10+s16+$0x0], $0xffff  }
0x108: {  	v9 =	vld.idx.msk [tilespmem:v12+s2+$0x0], $0xffff;
	_ =	sdelay $0x4  }
0x109: {  	v11 =	vor.u32 s26, v2;
	v10 =	vmul.f32 $6.250000000e-02, v10;
	_ =	sdelay $0x1  }
0x10a: {  	v10 =	vadd.f32 v10, v9  }
0x10b: {  	s25 =	sadd.s32 $0x80, s25  }
0x10c: {  	[tilespmem:s25+$0xFFFFFFC0] =	vst v10  }
0x10d: {  	v10 =	vld.idx.msk [tilespmem:v11+s16+$0x0], $0xffff;
	_ =	sdelay $0x5  }
0x10e: {  	v11 =	vor.u32 s26, v3;
	v10 =	vmul.f32 $6.250000000e-02, v10;
	_ =	sdelay $0x1  }
0x10f: {  	v10 =	vadd.f32 v10, v9;
	_ =	sdelay $0x1  }
0x110: {  	[tilespmem:s25+$0xFFFFFFD0] =	vst v10  }
0x111: {  	v10 =	vld.idx.msk [tilespmem:v11+s16+$0x0], $0xffff;
	_ =	sdelay $0x5  }
0x112: {  	v11 =	vor.u32 s26, v4;
	v10 =	vmul.f32 $6.250000000e-02, v10;
	_ =	sdelay $0x1  }
0x113: {  	v10 =	vadd.f32 v10, v9;
	_ =	sdelay $0x1  }
0x114: {  	[tilespmem:s25+$0xFFFFFFE0] =	vst v10  }
0x115: {  	v10 =	vld.idx.msk [tilespmem:v11+s16+$0x0], $0xffff;
	_ =	sdelay $0x5  }
0x116: {  	v11 =	vor.u32 s26, v5;
	v10 =	vmul.f32 $6.250000000e-02, v10;
	_ =	sdelay $0x1  }
0x117: {  	v10 =	vadd.f32 v10, v9;
	_ =	sdelay $0x1  }
0x118: {  	[tilespmem:s25+$0xFFFFFFF0] =	vst v10  }
0x119: {  	v10 =	vld.idx.msk [tilespmem:v11+s16+$0x0], $0xffff;
	_ =	sdelay $0x5  }
0x11a: {  	v11 =	vor.u32 s26, v6;
	v10 =	vmul.f32 $6.250000000e-02, v10;
	_ =	sdelay $0x1  }
0x11b: {  	v10 =	vadd.f32 v10, v9;
	_ =	sdelay $0x1  }
0x11c: {  	[tilespmem:s25+$0x0] =	vst v10  }
0x11d: {  	v10 =	vld.idx.msk [tilespmem:v11+s16+$0x0], $0xffff;
	_ =	sdelay $0x5  }
0x11e: {  	v11 =	vor.u32 s26, v7;
	v10 =	vmul.f32 $6.250000000e-02, v10;
	_ =	sdelay $0x1  }
0x11f: {  	v10 =	vadd.f32 v10, v9;
	_ =	sdelay $0x1  }
0x120: {  	[tilespmem:s25+$0x10] =	vst v10  }
0x121: {  	v10 =	vld.idx.msk [tilespmem:v11+s16+$0x0], $0xffff;
	_ =	sdelay $0x5  }
0x122: {  	v11 =	vor.u32 s26, v8;
	s26 =	smov.u32 s28;
	v10 =	vmul.f32 $6.250000000e-02, v10;
	_ =	sdelay $0x1  }
0x123: {  	v10 =	vadd.f32 v10, v9;
	_ =	sdelay $0x1  }
0x124: {  	[tilespmem:s25+$0x20] =	vst v10  }
0x125: {  	v11 =	vld.idx.msk [tilespmem:v11+s16+$0x0], $0xffff;
	_ =	sdelay $0x1  }
.Ltmp2:
0x126: {  	(pc) =	sbr.rel @p0 .LBB2_6-.Ltmp2, $2  }
0x127: {  	_ =	sdelay $0x2  }
0x128: {  	s28 =	sadd.s32 $0x1, s28;
	v10 =	vor.u32 s26, v0;
	v11 =	vmul.f32 $6.250000000e-02, v11  }
0x129: {  	_ = 	snop  }
0x12a: {  	v12 =	vmov s26;
	v9 =	vadd.f32 v11, v9;
	_ =	sdelay $0x1  }
0x12b: {  	[tilespmem:s25+$0x30] =	vst v9  }
0x12c: {  	v9 =	vld.idx.msk [tilespmem:v10+s16+$0x0], $0xffff;
	_ =	sdelay $0x1  }
0x12d: {  	v10 =	vld.idx.msk [tilespmem:v12+s2+$0x0], $0xffff;
	_ =	sdelay $0x2  }
0x12e: {  	v11 =	vor.u32 s26, v2;
	v9 =	vmul.f32 $6.250000000e-02, v9;
	_ =	sdelay $0x1  }
0x12f: {  	v9 =	vadd.f32 v9, v10  }
0x130: {  	s28 =	sadd.s32 $0x80, s25  }
0x131: {  	[tilespmem:s28+$0xFFFFFFC0] =	vst v9  }
0x132: {  	v9 =	vld.idx.msk [tilespmem:v11+s16+$0x0], $0xffff;
	_ =	sdelay $0x4  }
0x133: {  	v11 =	vor.u32 s26, v3;
	v9 =	vmul.f32 $6.250000000e-02, v9;
	_ =	sdelay $0x1  }
0x134: {  	v9 =	vadd.f32 v9, v10;
	_ =	sdelay $0x1  }
0x135: {  	[tilespmem:s28+$0xFFFFFFD0] =	vst v9  }
0x136: {  	v9 =	vld.idx.msk [tilespmem:v11+s16+$0x0], $0xffff;
	_ =	sdelay $0x4  }
0x137: {  	v11 =	vor.u32 s26, v4;
	v9 =	vmul.f32 $6.250000000e-02, v9;
	_ =	sdelay $0x1  }
0x138: {  	v9 =	vadd.f32 v9, v10;
	_ =	sdelay $0x1  }
0x139: {  	[tilespmem:s28+$0xFFFFFFE0] =	vst v9  }
0x13a: {  	v9 =	vld.idx.msk [tilespmem:v11+s16+$0x0], $0xffff;
	_ =	sdelay $0x4  }
0x13b: {  	v11 =	vor.u32 s26, v5;
	v9 =	vmul.f32 $6.250000000e-02, v9;
	_ =	sdelay $0x1  }
0x13c: {  	v9 =	vadd.f32 v9, v10;
	_ =	sdelay $0x1  }
0x13d: {  	[tilespmem:s28+$0xFFFFFFF0] =	vst v9  }
0x13e: {  	v9 =	vld.idx.msk [tilespmem:v11+s16+$0x0], $0xffff;
	_ =	sdelay $0x4  }
0x13f: {  	v11 =	vor.u32 s26, v6;
	v9 =	vmul.f32 $6.250000000e-02, v9;
	_ =	sdelay $0x1  }
0x140: {  	v9 =	vadd.f32 v9, v10;
	_ =	sdelay $0x1  }
0x141: {  	[tilespmem:s28+$0x0] =	vst v9  }
0x142: {  	v9 =	vld.idx.msk [tilespmem:v11+s16+$0x0], $0xffff;
	_ =	sdelay $0x4  }
0x143: {  	v11 =	vor.u32 s26, v7;
	v9 =	vmul.f32 $6.250000000e-02, v9;
	_ =	sdelay $0x1  }
0x144: {  	v9 =	vadd.f32 v9, v10;
	_ =	sdelay $0x1  }
0x145: {  	[tilespmem:s28+$0x10] =	vst v9  }
0x146: {  	v9 =	vld.idx.msk [tilespmem:v11+s16+$0x0], $0xffff;
	_ =	sdelay $0x4  }
0x147: {  	v11 =	vor.u32 s26, v8;
	v9 =	vmul.f32 $6.250000000e-02, v9;
	_ =	sdelay $0x1  }
0x148: {  	v9 =	vadd.f32 v9, v10;
	_ =	sdelay $0x1  }
0x149: {  	[tilespmem:s28+$0x20] =	vst v9  }
0x14a: {  	v9 =	vld.idx.msk [tilespmem:v11+s16+$0x0], $0xffff;
	_ =	sdelay $0x4  }
0x14b: {  	v9 =	vmul.f32 $6.250000000e-02, v9;
	_ =	sdelay $0x1  }
0x14c: {  	v9 =	vadd.f32 v9, v10;
	_ =	sdelay $0x1  }
0x14d: {  	[tilespmem:s28+$0x30] =	vst v9  }
0x14e: {  	[hbm4b:s5+s31] =	stream.strided.scatter [tilespmem:s1], [sflag:$0x3], $0x2000, s12, s31, $0x38;
	[tilespmem:$0xC880] =	vst v63  }
0x14f: {  	_ =	swait.ge [sflag:s13], $0x2000  }
0x150: {  	[sflag:s13] =	ssyncset.done $0x0  }
0x151: {  	s25 =	simm.s32 $0x0;
	s26 =	simm.s32 $0x200;
	[sflag:s13] =	ssyncadd.s32 $0xFFFFE000  }
.LBB2_8:
0x152: {  	p0 =	sne.s32 s26, $0xFE00;
	[tilespmem:s25+$0x28B0] =	vst v1;
	s28 =	smov.u32 s26;
	s26 =	sadd.s32 $0x200, s26  }
.Ltmp3:
0x153: {  	[tilespmem:s25+$0x28A0] =	vst v1;
	(pc) =	sbr.rel @p0 .LBB2_8-.Ltmp3, $3  }
0x154: {  	[tilespmem:s25+$0x2880] =	vst v1  }
0x155: {  	[tilespmem:s25+$0x2890] =	vst v1;
	_ =	sdelay $0x1  }
0x156: {  	s25 =	sshra.s32 s28, $0x2  }
0x157: {  	[tilespmem:s25+$0x28B0] =	vst v1  }
0x158: {  	[tilespmem:s25+$0x28A0] =	vst v1  }
0x159: {  	[tilespmem:s25+$0x2880] =	vst v1  }
0x15a: {  	[tilespmem:s25+$0x2890] =	vst v1;
	s26 =	simm.s32 $0x800  }
0x15b: {  	[tilespmem:s16], [sflag:$0x1] =	stream.indirect.gather.add.f32 [hbm:s4], $0x80, s26, s15, $0xb8;
	[tilespmem:$0xC880] =	vst v63  }
0x15c: {  	s26 =	simm.s32 $0x880  }
0x15d: {  	[tilespmem:s16], [sflag:$0x1] =	stream.indirect.gather.add.f32 [hbm:s4], $0x80, s26, s15, $0xb8;
	[tilespmem:$0xC880] =	vst v63  }
0x15e: {  	s26 =	simm.s32 $0x900  }
0x15f: {  	[tilespmem:s16], [sflag:$0x1] =	stream.indirect.gather.add.f32 [hbm:s4], $0x80, s26, s15, $0xb8;
	[tilespmem:$0xC880] =	vst v63  }
0x160: {  	s26 =	simm.s32 $0x980  }
0x161: {  	[tilespmem:s16], [sflag:$0x1] =	stream.indirect.gather.add.f32 [hbm:s4], $0x80, s26, s15, $0xb8;
	[tilespmem:$0xC880] =	vst v63  }
0x162: {  	s26 =	simm.s32 $0xA00  }
0x163: {  	[tilespmem:s16], [sflag:$0x1] =	stream.indirect.gather.add.f32 [hbm:s4], $0x80, s26, s15, $0xb8;
	[tilespmem:$0xC880] =	vst v63  }
0x164: {  	s26 =	simm.s32 $0xA80  }
0x165: {  	[tilespmem:s16], [sflag:$0x1] =	stream.indirect.gather.add.f32 [hbm:s4], $0x80, s26, s15, $0xb8;
	[tilespmem:$0xC880] =	vst v63  }
0x166: {  	s26 =	simm.s32 $0xB00  }
0x167: {  	[tilespmem:s16], [sflag:$0x1] =	stream.indirect.gather.add.f32 [hbm:s4], $0x80, s26, s15, $0xb8;
	[tilespmem:$0xC880] =	vst v63  }
0x168: {  	s26 =	simm.s32 $0xB80  }
0x169: {  	[tilespmem:s16], [sflag:$0x1] =	stream.indirect.gather.add.f32 [hbm:s4], $0x80, s26, s15, $0xb8;
	[tilespmem:$0xC880] =	vst v63  }
0x16a: {  	s26 =	simm.s32 $0x1800  }
0x16b: {  	[tilespmem:s16], [sflag:$0x1] =	stream.indirect.gather.add.f32 [hbm:s4], $0x80, s26, s15, $0xb8;
	[tilespmem:$0xC880] =	vst v63  }
0x16c: {  	s26 =	simm.s32 $0x1880  }
0x16d: {  	[tilespmem:s16], [sflag:$0x1] =	stream.indirect.gather.add.f32 [hbm:s4], $0x80, s26, s15, $0xb8;
	[tilespmem:$0xC880] =	vst v63  }
0x16e: {  	s26 =	simm.s32 $0x1900  }
0x16f: {  	[tilespmem:s16], [sflag:$0x1] =	stream.indirect.gather.add.f32 [hbm:s4], $0x80, s26, s15, $0xb8;
	[tilespmem:$0xC880] =	vst v63  }
0x170: {  	s26 =	simm.s32 $0x1980  }
0x171: {  	[tilespmem:s16], [sflag:$0x1] =	stream.indirect.gather.add.f32 [hbm:s4], $0x80, s26, s15, $0xb8;
	[tilespmem:$0xC880] =	vst v63  }
0x172: {  	s26 =	simm.s32 $0x1A00  }
0x173: {  	[tilespmem:s16], [sflag:$0x1] =	stream.indirect.gather.add.f32 [hbm:s4], $0x80, s26, s15, $0xb8;
	[tilespmem:$0xC880] =	vst v63  }
0x174: {  	s26 =	simm.s32 $0x1A80  }
0x175: {  	[tilespmem:s16], [sflag:$0x1] =	stream.indirect.gather.add.f32 [hbm:s4], $0x80, s26, s15, $0xb8;
	[tilespmem:$0xC880] =	vst v63  }
0x176: {  	s26 =	simm.s32 $0x1B00  }
0x177: {  	[tilespmem:s16], [sflag:$0x1] =	stream.indirect.gather.add.f32 [hbm:s4], $0x80, s26, s15, $0xb8;
	[tilespmem:$0xC880] =	vst v63  }
0x178: {  	s26 =	simm.s32 $0x1B80  }
0x179: {  	[tilespmem:s16], [sflag:$0x1] =	stream.indirect.gather.add.f32 [hbm:s4], $0x80, s26, s15, $0xb8;
	[tilespmem:$0xC880] =	vst v63  }
0x17a: {  	_ =	swait.ge [sflag:s19], $0x4000  }
0x17b: {  	[sflag:s19] =	ssyncset.done $0x0  }
0x17c: {  	[sflag:s19] =	ssyncadd.s32 $0xFFFFC000  }
0x17d: {  	_ =	swait.ge [sflag:s19], $0x4000  }
0x17e: {  	[sflag:s19] =	ssyncset.done $0x0  }
0x17f: {  	[sflag:s19] =	ssyncadd.s32 $0xFFFFC000  }
0x180: {  	_ =	swait.ge [sflag:s19], $0x4000  }
0x181: {  	[sflag:s19] =	ssyncset.done $0x0  }
0x182: {  	[sflag:s19] =	ssyncadd.s32 $0xFFFFC000  }
0x183: {  	_ =	swait.ge [sflag:s19], $0x4000  }
0x184: {  	[sflag:s19] =	ssyncset.done $0x0  }
0x185: {  	[sflag:s19] =	ssyncadd.s32 $0xFFFFC000  }
0x186: {  	_ =	swait.ge [sflag:s19], $0x4000  }
0x187: {  	[sflag:s19] =	ssyncset.done $0x0  }
0x188: {  	[sflag:s19] =	ssyncadd.s32 $0xFFFFC000  }
0x189: {  	_ =	swait.ge [sflag:s19], $0x4000  }
0x18a: {  	[sflag:s19] =	ssyncset.done $0x0  }
0x18b: {  	[sflag:s19] =	ssyncadd.s32 $0xFFFFC000  }
0x18c: {  	_ =	swait.ge [sflag:s19], $0x4000  }
0x18d: {  	[sflag:s19] =	ssyncset.done $0x0  }
0x18e: {  	[sflag:s19] =	ssyncadd.s32 $0xFFFFC000  }
0x18f: {  	_ =	swait.ge [sflag:s19], $0x4000  }
0x190: {  	[sflag:s19] =	ssyncset.done $0x0  }
0x191: {  	[sflag:s19] =	ssyncadd.s32 $0xFFFFC000  }
0x192: {  	_ =	swait.ge [sflag:s19], $0x4000  }
0x193: {  	[sflag:s19] =	ssyncset.done $0x0  }
0x194: {  	[sflag:s19] =	ssyncadd.s32 $0xFFFFC000  }
0x195: {  	_ =	swait.ge [sflag:s19], $0x4000  }
0x196: {  	[sflag:s19] =	ssyncset.done $0x0  }
0x197: {  	[sflag:s19] =	ssyncadd.s32 $0xFFFFC000  }
0x198: {  	_ =	swait.ge [sflag:s19], $0x4000  }
0x199: {  	[sflag:s19] =	ssyncset.done $0x0  }
0x19a: {  	[sflag:s19] =	ssyncadd.s32 $0xFFFFC000  }
0x19b: {  	_ =	swait.ge [sflag:s19], $0x4000  }
0x19c: {  	[sflag:s19] =	ssyncset.done $0x0  }
0x19d: {  	[sflag:s19] =	ssyncadd.s32 $0xFFFFC000  }
0x19e: {  	_ =	swait.ge [sflag:s19], $0x4000  }
0x19f: {  	[sflag:s19] =	ssyncset.done $0x0  }
0x1a0: {  	[sflag:s19] =	ssyncadd.s32 $0xFFFFC000  }
0x1a1: {  	_ =	swait.ge [sflag:s19], $0x4000  }
0x1a2: {  	[sflag:s19] =	ssyncset.done $0x0  }
0x1a3: {  	[sflag:s19] =	ssyncadd.s32 $0xFFFFC000  }
0x1a4: {  	s26 =	simm.s32 $0x0;
	_ =	swait.ge [sflag:s19], $0x4000  }
0x1a5: {  	v9 =	vor.u32 s26, v0;
	[sflag:s19] =	ssyncset.done $0x0  }
0x1a6: {  	[sflag:s19] =	ssyncadd.s32 $0xFFFFC000  }
0x1a7: {  	v10 =	vmov s26;
	_ =	swait.ge [sflag:s19], $0x4000  }
0x1a8: {  	[sflag:s19] =	ssyncset.done $0x0  }
0x1a9: {  	[sflag:s19] =	ssyncadd.s32 $0xFFFFC000  }
0x1aa: {  	v11 =	vld.idx.msk [tilespmem:v9+s0+$0x0], $0xffff;
	_ =	sdelay $0x1  }
0x1ab: {  	v9 =	vld.idx.msk [tilespmem:v10+s2+$0x0], $0xffff;
	_ =	sdelay $0x2  }
0x1ac: {  	v10 =	vmul.f32 $6.250000000e-02, v11;
	v11 =	vor.u32 s26, v2;
	_ =	sdelay $0x1  }
0x1ad: {  	v10 =	vadd.f32 v10, v9  }
0x1ae: {  	s25 =	simm.s32 $0xA8C0  }
0x1af: {  	[tilespmem:s25+$0xFFFFFFC0] =	vst v10  }
0x1b0: {  	v10 =	vld.idx.msk [tilespmem:v11+s0+$0x0], $0xffff;
	_ =	sdelay $0x4  }
0x1b1: {  	v11 =	vor.u32 s26, v3;
	v10 =	vmul.f32 $6.250000000e-02, v10;
	_ =	sdelay $0x1  }
0x1b2: {  	v10 =	vadd.f32 v10, v9;
	_ =	sdelay $0x1  }
0x1b3: {  	[tilespmem:s25+$0xFFFFFFD0] =	vst v10  }
0x1b4: {  	v10 =	vld.idx.msk [tilespmem:v11+s0+$0x0], $0xffff;
	_ =	sdelay $0x4  }
0x1b5: {  	v11 =	vor.u32 s26, v4;
	v10 =	vmul.f32 $6.250000000e-02, v10;
	_ =	sdelay $0x1  }
0x1b6: {  	v10 =	vadd.f32 v10, v9;
	_ =	sdelay $0x1  }
0x1b7: {  	[tilespmem:s25+$0xFFFFFFE0] =	vst v10  }
0x1b8: {  	v10 =	vld.idx.msk [tilespmem:v11+s0+$0x0], $0xffff;
	_ =	sdelay $0x4  }
0x1b9: {  	v11 =	vor.u32 s26, v5;
	v10 =	vmul.f32 $6.250000000e-02, v10;
	_ =	sdelay $0x1  }
0x1ba: {  	v10 =	vadd.f32 v10, v9;
	_ =	sdelay $0x1  }
0x1bb: {  	[tilespmem:s25+$0xFFFFFFF0] =	vst v10  }
0x1bc: {  	v10 =	vld.idx.msk [tilespmem:v11+s0+$0x0], $0xffff;
	_ =	sdelay $0x4  }
0x1bd: {  	v11 =	vor.u32 s26, v6;
	v10 =	vmul.f32 $6.250000000e-02, v10;
	_ =	sdelay $0x1  }
0x1be: {  	v10 =	vadd.f32 v10, v9;
	_ =	sdelay $0x1  }
0x1bf: {  	[tilespmem:s25+$0x0] =	vst v10  }
0x1c0: {  	v10 =	vld.idx.msk [tilespmem:v11+s0+$0x0], $0xffff;
	_ =	sdelay $0x4  }
0x1c1: {  	v11 =	vor.u32 s26, v7;
	v10 =	vmul.f32 $6.250000000e-02, v10;
	_ =	sdelay $0x1  }
0x1c2: {  	v10 =	vadd.f32 v10, v9;
	_ =	sdelay $0x1  }
0x1c3: {  	[tilespmem:s25+$0x10] =	vst v10  }
0x1c4: {  	v10 =	vld.idx.msk [tilespmem:v11+s0+$0x0], $0xffff;
	_ =	sdelay $0x4  }
0x1c5: {  	v11 =	vor.u32 s26, v8;
	v10 =	vmul.f32 $6.250000000e-02, v10;
	_ =	sdelay $0x1  }
0x1c6: {  	v10 =	vadd.f32 v10, v9;
	_ =	sdelay $0x1  }
0x1c7: {  	[tilespmem:s25+$0x20] =	vst v10  }
0x1c8: {  	v11 =	vld.idx.msk [tilespmem:v11+s0+$0x0], $0xffff;
	_ =	sdelay $0x3  }
0x1c9: {  	s26 =	simm.s32 $0x1  }
0x1ca: {  	s28 =	simm.s32 $0x2;
	v10 =	vor.u32 s26, v0;
	v11 =	vmul.f32 $6.250000000e-02, v11  }
.LBB2_10:
0x1cb: {  	p0 =	sne.s32 s28, $0x3F;
	v12 =	vmov s26  }
0x1cc: {  	v9 =	vadd.f32 v11, v9;
	_ =	sdelay $0x1  }
0x1cd: {  	[tilespmem:s25+$0x30] =	vst v9  }
0x1ce: {  	v10 =	vld.idx.msk [tilespmem:v10+s0+$0x0], $0xffff  }
0x1cf: {  	v9 =	vld.idx.msk [tilespmem:v12+s2+$0x0], $0xffff;
	_ =	sdelay $0x4  }
0x1d0: {  	v11 =	vor.u32 s26, v2;
	v10 =	vmul.f32 $6.250000000e-02, v10;
	_ =	sdelay $0x1  }
0x1d1: {  	v10 =	vadd.f32 v10, v9  }
0x1d2: {  	s25 =	sadd.s32 $0x80, s25  }
0x1d3: {  	[tilespmem:s25+$0xFFFFFFC0] =	vst v10  }
0x1d4: {  	v10 =	vld.idx.msk [tilespmem:v11+s0+$0x0], $0xffff;
	_ =	sdelay $0x5  }
0x1d5: {  	v11 =	vor.u32 s26, v3;
	v10 =	vmul.f32 $6.250000000e-02, v10;
	_ =	sdelay $0x1  }
0x1d6: {  	v10 =	vadd.f32 v10, v9;
	_ =	sdelay $0x1  }
0x1d7: {  	[tilespmem:s25+$0xFFFFFFD0] =	vst v10  }
0x1d8: {  	v10 =	vld.idx.msk [tilespmem:v11+s0+$0x0], $0xffff;
	_ =	sdelay $0x5  }
0x1d9: {  	v11 =	vor.u32 s26, v4;
	v10 =	vmul.f32 $6.250000000e-02, v10;
	_ =	sdelay $0x1  }
0x1da: {  	v10 =	vadd.f32 v10, v9;
	_ =	sdelay $0x1  }
0x1db: {  	[tilespmem:s25+$0xFFFFFFE0] =	vst v10  }
0x1dc: {  	v10 =	vld.idx.msk [tilespmem:v11+s0+$0x0], $0xffff;
	_ =	sdelay $0x5  }
0x1dd: {  	v11 =	vor.u32 s26, v5;
	v10 =	vmul.f32 $6.250000000e-02, v10;
	_ =	sdelay $0x1  }
0x1de: {  	v10 =	vadd.f32 v10, v9;
	_ =	sdelay $0x1  }
0x1df: {  	[tilespmem:s25+$0xFFFFFFF0] =	vst v10  }
0x1e0: {  	v10 =	vld.idx.msk [tilespmem:v11+s0+$0x0], $0xffff;
	_ =	sdelay $0x5  }
0x1e1: {  	v11 =	vor.u32 s26, v6;
	v10 =	vmul.f32 $6.250000000e-02, v10;
	_ =	sdelay $0x1  }
0x1e2: {  	v10 =	vadd.f32 v10, v9;
	_ =	sdelay $0x1  }
0x1e3: {  	[tilespmem:s25+$0x0] =	vst v10  }
0x1e4: {  	v10 =	vld.idx.msk [tilespmem:v11+s0+$0x0], $0xffff;
	_ =	sdelay $0x5  }
0x1e5: {  	v11 =	vor.u32 s26, v7;
	v10 =	vmul.f32 $6.250000000e-02, v10;
	_ =	sdelay $0x1  }
0x1e6: {  	v10 =	vadd.f32 v10, v9;
	_ =	sdelay $0x1  }
0x1e7: {  	[tilespmem:s25+$0x10] =	vst v10  }
0x1e8: {  	v10 =	vld.idx.msk [tilespmem:v11+s0+$0x0], $0xffff;
	_ =	sdelay $0x5  }
0x1e9: {  	v11 =	vor.u32 s26, v8;
	s26 =	smov.u32 s28;
	v10 =	vmul.f32 $6.250000000e-02, v10;
	_ =	sdelay $0x1  }
0x1ea: {  	v10 =	vadd.f32 v10, v9;
	_ =	sdelay $0x1  }
0x1eb: {  	[tilespmem:s25+$0x20] =	vst v10  }
0x1ec: {  	v11 =	vld.idx.msk [tilespmem:v11+s0+$0x0], $0xffff;
	_ =	sdelay $0x1  }
.Ltmp4:
0x1ed: {  	(pc) =	sbr.rel @p0 .LBB2_10-.Ltmp4, $2  }
0x1ee: {  	_ =	sdelay $0x2  }
0x1ef: {  	s28 =	sadd.s32 $0x1, s28;
	v10 =	vor.u32 s26, v0;
	v11 =	vmul.f32 $6.250000000e-02, v11  }
0x1f0: {  	_ = 	snop  }
0x1f1: {  	v12 =	vmov s26;
	v9 =	vadd.f32 v11, v9;
	_ =	sdelay $0x1  }
0x1f2: {  	[tilespmem:s25+$0x30] =	vst v9  }
0x1f3: {  	v9 =	vld.idx.msk [tilespmem:v10+s0+$0x0], $0xffff;
	_ =	sdelay $0x1  }
0x1f4: {  	v10 =	vld.idx.msk [tilespmem:v12+s2+$0x0], $0xffff;
	_ =	sdelay $0x2  }
0x1f5: {  	v11 =	vor.u32 s26, v2;
	v9 =	vmul.f32 $6.250000000e-02, v9;
	_ =	sdelay $0x1  }
0x1f6: {  	v9 =	vadd.f32 v9, v10  }
0x1f7: {  	s28 =	sadd.s32 $0x80, s25  }
0x1f8: {  	[tilespmem:s28+$0xFFFFFFC0] =	vst v9  }
0x1f9: {  	v9 =	vld.idx.msk [tilespmem:v11+s0+$0x0], $0xffff;
	_ =	sdelay $0x4  }
0x1fa: {  	v11 =	vor.u32 s26, v3;
	v9 =	vmul.f32 $6.250000000e-02, v9;
	_ =	sdelay $0x1  }
0x1fb: {  	v9 =	vadd.f32 v9, v10;
	_ =	sdelay $0x1  }
0x1fc: {  	[tilespmem:s28+$0xFFFFFFD0] =	vst v9  }
0x1fd: {  	v9 =	vld.idx.msk [tilespmem:v11+s0+$0x0], $0xffff;
	_ =	sdelay $0x4  }
0x1fe: {  	v11 =	vor.u32 s26, v4;
	v9 =	vmul.f32 $6.250000000e-02, v9;
	_ =	sdelay $0x1  }
0x1ff: {  	v9 =	vadd.f32 v9, v10;
	_ =	sdelay $0x1  }
0x200: {  	[tilespmem:s28+$0xFFFFFFE0] =	vst v9  }
0x201: {  	v9 =	vld.idx.msk [tilespmem:v11+s0+$0x0], $0xffff;
	_ =	sdelay $0x4  }
0x202: {  	v11 =	vor.u32 s26, v5;
	v9 =	vmul.f32 $6.250000000e-02, v9;
	_ =	sdelay $0x1  }
0x203: {  	v9 =	vadd.f32 v9, v10;
	_ =	sdelay $0x1  }
0x204: {  	[tilespmem:s28+$0xFFFFFFF0] =	vst v9  }
0x205: {  	v9 =	vld.idx.msk [tilespmem:v11+s0+$0x0], $0xffff;
	_ =	sdelay $0x4  }
0x206: {  	v11 =	vor.u32 s26, v6;
	v9 =	vmul.f32 $6.250000000e-02, v9;
	_ =	sdelay $0x1  }
0x207: {  	v9 =	vadd.f32 v9, v10;
	_ =	sdelay $0x1  }
0x208: {  	[tilespmem:s28+$0x0] =	vst v9  }
0x209: {  	v9 =	vld.idx.msk [tilespmem:v11+s0+$0x0], $0xffff;
	_ =	sdelay $0x4  }
0x20a: {  	v11 =	vor.u32 s26, v7;
	v9 =	vmul.f32 $6.250000000e-02, v9;
	_ =	sdelay $0x1  }
0x20b: {  	v9 =	vadd.f32 v9, v10;
	_ =	sdelay $0x1  }
0x20c: {  	[tilespmem:s28+$0x10] =	vst v9  }
0x20d: {  	v9 =	vld.idx.msk [tilespmem:v11+s0+$0x0], $0xffff;
	_ =	sdelay $0x4  }
0x20e: {  	v11 =	vor.u32 s26, v8;
	v9 =	vmul.f32 $6.250000000e-02, v9;
	_ =	sdelay $0x1  }
0x20f: {  	v9 =	vadd.f32 v9, v10;
	_ =	sdelay $0x1  }
0x210: {  	[tilespmem:s28+$0x20] =	vst v9  }
0x211: {  	v9 =	vld.idx.msk [tilespmem:v11+s0+$0x0], $0xffff;
	_ =	sdelay $0x4  }
0x212: {  	v9 =	vmul.f32 $6.250000000e-02, v9;
	_ =	sdelay $0x1  }
0x213: {  	v9 =	vadd.f32 v9, v10;
	_ =	sdelay $0x1  }
0x214: {  	[tilespmem:s28+$0x30] =	vst v9  }
0x215: {  	[hbm4b:s7+s31] =	stream.strided.scatter [tilespmem:s1], [sflag:$0x3], $0x2000, s12, s31, $0x38;
	[tilespmem:$0xC880] =	vst v63  }
0x216: {  	_ =	swait.ge [sflag:s13], $0x2000  }
0x217: {  	[sflag:s13] =	ssyncset.done $0x0  }
0x218: {  	s25 =	simm.s32 $0x0;
	s26 =	simm.s32 $0x200;
	[sflag:s13] =	ssyncadd.s32 $0xFFFFE000  }
.LBB2_12:
0x219: {  	p0 =	sne.s32 s26, $0xFE00;
	[tilespmem:s25+$0x68B0] =	vst v1;
	s28 =	smov.u32 s26;
	s26 =	sadd.s32 $0x200, s26  }
.Ltmp5:
0x21a: {  	[tilespmem:s25+$0x68A0] =	vst v1;
	(pc) =	sbr.rel @p0 .LBB2_12-.Ltmp5, $3  }
0x21b: {  	[tilespmem:s25+$0x6880] =	vst v1  }
0x21c: {  	[tilespmem:s25+$0x6890] =	vst v1;
	_ =	sdelay $0x1  }
0x21d: {  	s25 =	sshra.s32 s28, $0x2  }
0x21e: {  	[tilespmem:s25+$0x68B0] =	vst v1  }
0x21f: {  	[tilespmem:s25+$0x68A0] =	vst v1  }
0x220: {  	[tilespmem:s25+$0x6880] =	vst v1  }
0x221: {  	[tilespmem:s25+$0x6890] =	vst v1;
	s26 =	simm.s32 $0xC00  }
0x222: {  	[tilespmem:s0], [sflag:$0x2] =	stream.indirect.gather.add.f32 [hbm:s4], $0x80, s26, s15, $0xb8;
	[tilespmem:$0xC880] =	vst v63  }
0x223: {  	s26 =	simm.s32 $0xC80  }
0x224: {  	[tilespmem:s0], [sflag:$0x2] =	stream.indirect.gather.add.f32 [hbm:s4], $0x80, s26, s15, $0xb8;
	[tilespmem:$0xC880] =	vst v63  }
0x225: {  	s26 =	simm.s32 $0xD00  }
0x226: {  	[tilespmem:s0], [sflag:$0x2] =	stream.indirect.gather.add.f32 [hbm:s4], $0x80, s26, s15, $0xb8;
	[tilespmem:$0xC880] =	vst v63  }
0x227: {  	s26 =	simm.s32 $0xD80  }
0x228: {  	[tilespmem:s0], [sflag:$0x2] =	stream.indirect.gather.add.f32 [hbm:s4], $0x80, s26, s15, $0xb8;
	[tilespmem:$0xC880] =	vst v63  }
0x229: {  	s26 =	simm.s32 $0xE00  }
0x22a: {  	[tilespmem:s0], [sflag:$0x2] =	stream.indirect.gather.add.f32 [hbm:s4], $0x80, s26, s15, $0xb8;
	[tilespmem:$0xC880] =	vst v63  }
0x22b: {  	s26 =	simm.s32 $0xE80  }
0x22c: {  	[tilespmem:s0], [sflag:$0x2] =	stream.indirect.gather.add.f32 [hbm:s4], $0x80, s26, s15, $0xb8;
	[tilespmem:$0xC880] =	vst v63  }
0x22d: {  	s26 =	simm.s32 $0xF00  }
0x22e: {  	[tilespmem:s0], [sflag:$0x2] =	stream.indirect.gather.add.f32 [hbm:s4], $0x80, s26, s15, $0xb8;
	[tilespmem:$0xC880] =	vst v63  }
0x22f: {  	s26 =	simm.s32 $0xF80  }
0x230: {  	[tilespmem:s0], [sflag:$0x2] =	stream.indirect.gather.add.f32 [hbm:s4], $0x80, s26, s15, $0xb8;
	[tilespmem:$0xC880] =	vst v63  }
0x231: {  	_ = 	snop  }
0x232: {  	[tilespmem:s0], [sflag:$0x2] =	stream.indirect.gather.add.f32 [hbm:s4], $0x80, s29, s15, $0xb8;
	[tilespmem:$0xC880] =	vst v63  }
0x233: {  	_ = 	snop  }
0x234: {  	[tilespmem:s0], [sflag:$0x2] =	stream.indirect.gather.add.f32 [hbm:s4], $0x80, s14, s15, $0xb8;
	[tilespmem:$0xC880] =	vst v63  }
0x235: {  	_ = 	snop  }
0x236: {  	[tilespmem:s0], [sflag:$0x2] =	stream.indirect.gather.add.f32 [hbm:s4], $0x80, s17, s15, $0xb8;
	[tilespmem:$0xC880] =	vst v63  }
0x237: {  	_ = 	snop  }
0x238: {  	[tilespmem:s0], [sflag:$0x2] =	stream.indirect.gather.add.f32 [hbm:s4], $0x80, s18, s15, $0xb8;
	[tilespmem:$0xC880] =	vst v63  }
0x239: {  	_ = 	snop  }
0x23a: {  	[tilespmem:s0], [sflag:$0x2] =	stream.indirect.gather.add.f32 [hbm:s4], $0x80, s20, s15, $0xb8;
	[tilespmem:$0xC880] =	vst v63  }
0x23b: {  	_ = 	snop  }
0x23c: {  	[tilespmem:s0], [sflag:$0x2] =	stream.indirect.gather.add.f32 [hbm:s4], $0x80, s21, s15, $0xb8;
	[tilespmem:$0xC880] =	vst v63  }
0x23d: {  	_ = 	snop  }
0x23e: {  	[tilespmem:s0], [sflag:$0x2] =	stream.indirect.gather.add.f32 [hbm:s4], $0x80, s22, s15, $0xb8;
	[tilespmem:$0xC880] =	vst v63  }
0x23f: {  	_ = 	snop  }
0x240: {  	[tilespmem:s0], [sflag:$0x2] =	stream.indirect.gather.add.f32 [hbm:s4], $0x80, s23, s15, $0xb8;
	[tilespmem:$0xC880] =	vst v63  }
0x241: {  	_ =	swait.ge [sflag:s30], $0x4000  }
0x242: {  	[sflag:s30] =	ssyncset.done $0x0  }
0x243: {  	[sflag:s30] =	ssyncadd.s32 $0xFFFFC000  }
0x244: {  	_ =	swait.ge [sflag:s30], $0x4000  }
0x245: {  	[sflag:s30] =	ssyncset.done $0x0  }
0x246: {  	[sflag:s30] =	ssyncadd.s32 $0xFFFFC000  }
0x247: {  	_ =	swait.ge [sflag:s30], $0x4000  }
0x248: {  	[sflag:s30] =	ssyncset.done $0x0  }
0x249: {  	[sflag:s30] =	ssyncadd.s32 $0xFFFFC000  }
0x24a: {  	_ =	swait.ge [sflag:s30], $0x4000  }
0x24b: {  	[sflag:s30] =	ssyncset.done $0x0  }
0x24c: {  	[sflag:s30] =	ssyncadd.s32 $0xFFFFC000  }
0x24d: {  	_ =	swait.ge [sflag:s30], $0x4000  }
0x24e: {  	[sflag:s30] =	ssyncset.done $0x0  }
0x24f: {  	[sflag:s30] =	ssyncadd.s32 $0xFFFFC000  }
0x250: {  	_ =	swait.ge [sflag:s30], $0x4000  }
0x251: {  	[sflag:s30] =	ssyncset.done $0x0  }
0x252: {  	[sflag:s30] =	ssyncadd.s32 $0xFFFFC000  }
0x253: {  	_ =	swait.ge [sflag:s30], $0x4000  }
0x254: {  	[sflag:s30] =	ssyncset.done $0x0  }
0x255: {  	[sflag:s30] =	ssyncadd.s32 $0xFFFFC000  }
0x256: {  	_ =	swait.ge [sflag:s30], $0x4000  }
0x257: {  	[sflag:s30] =	ssyncset.done $0x0  }
0x258: {  	[sflag:s30] =	ssyncadd.s32 $0xFFFFC000  }
0x259: {  	_ =	swait.ge [sflag:s30], $0x4000  }
0x25a: {  	[sflag:s30] =	ssyncset.done $0x0  }
0x25b: {  	[sflag:s30] =	ssyncadd.s32 $0xFFFFC000  }
0x25c: {  	_ =	swait.ge [sflag:s30], $0x4000  }
0x25d: {  	[sflag:s30] =	ssyncset.done $0x0  }
0x25e: {  	[sflag:s30] =	ssyncadd.s32 $0xFFFFC000  }
0x25f: {  	_ =	swait.ge [sflag:s30], $0x4000  }
0x260: {  	[sflag:s30] =	ssyncset.done $0x0  }
0x261: {  	[sflag:s30] =	ssyncadd.s32 $0xFFFFC000  }
0x262: {  	_ =	swait.ge [sflag:s30], $0x4000  }
0x263: {  	[sflag:s30] =	ssyncset.done $0x0  }
0x264: {  	[sflag:s30] =	ssyncadd.s32 $0xFFFFC000  }
0x265: {  	_ =	swait.ge [sflag:s30], $0x4000  }
0x266: {  	[sflag:s30] =	ssyncset.done $0x0  }
0x267: {  	[sflag:s30] =	ssyncadd.s32 $0xFFFFC000  }
0x268: {  	_ =	swait.ge [sflag:s30], $0x4000  }
0x269: {  	[sflag:s30] =	ssyncset.done $0x0  }
0x26a: {  	[sflag:s30] =	ssyncadd.s32 $0xFFFFC000  }
0x26b: {  	s26 =	simm.s32 $0x0;
	_ =	swait.ge [sflag:s30], $0x4000  }
0x26c: {  	v9 =	vor.u32 s26, v0;
	[sflag:s30] =	ssyncset.done $0x0  }
0x26d: {  	[sflag:s30] =	ssyncadd.s32 $0xFFFFC000  }
0x26e: {  	v10 =	vmov s26;
	_ =	swait.ge [sflag:s30], $0x4000  }
0x26f: {  	[sflag:s30] =	ssyncset.done $0x0  }
0x270: {  	[sflag:s30] =	ssyncadd.s32 $0xFFFFC000  }
0x271: {  	v11 =	vld.idx.msk [tilespmem:v9+s16+$0x0], $0xffff;
	_ =	sdelay $0x1  }
0x272: {  	v9 =	vld.idx.msk [tilespmem:v10+s2+$0x0], $0xffff;
	_ =	sdelay $0x2  }
0x273: {  	v10 =	vmul.f32 $6.250000000e-02, v11;
	v11 =	vor.u32 s26, v2;
	_ =	sdelay $0x1  }
0x274: {  	v10 =	vadd.f32 v10, v9  }
0x275: {  	s25 =	simm.s32 $0xA8C0  }
0x276: {  	[tilespmem:s25+$0xFFFFFFC0] =	vst v10  }
0x277: {  	v10 =	vld.idx.msk [tilespmem:v11+s16+$0x0], $0xffff;
	_ =	sdelay $0x4  }
0x278: {  	v11 =	vor.u32 s26, v3;
	v10 =	vmul.f32 $6.250000000e-02, v10;
	_ =	sdelay $0x1  }
0x279: {  	v10 =	vadd.f32 v10, v9;
	_ =	sdelay $0x1  }
0x27a: {  	[tilespmem:s25+$0xFFFFFFD0] =	vst v10  }
0x27b: {  	v10 =	vld.idx.msk [tilespmem:v11+s16+$0x0], $0xffff;
	_ =	sdelay $0x4  }
0x27c: {  	v11 =	vor.u32 s26, v4;
	v10 =	vmul.f32 $6.250000000e-02, v10;
	_ =	sdelay $0x1  }
0x27d: {  	v10 =	vadd.f32 v10, v9;
	_ =	sdelay $0x1  }
0x27e: {  	[tilespmem:s25+$0xFFFFFFE0] =	vst v10  }
0x27f: {  	v10 =	vld.idx.msk [tilespmem:v11+s16+$0x0], $0xffff;
	_ =	sdelay $0x4  }
0x280: {  	v11 =	vor.u32 s26, v5;
	v10 =	vmul.f32 $6.250000000e-02, v10;
	_ =	sdelay $0x1  }
0x281: {  	v10 =	vadd.f32 v10, v9;
	_ =	sdelay $0x1  }
0x282: {  	[tilespmem:s25+$0xFFFFFFF0] =	vst v10  }
0x283: {  	v10 =	vld.idx.msk [tilespmem:v11+s16+$0x0], $0xffff;
	_ =	sdelay $0x4  }
0x284: {  	v11 =	vor.u32 s26, v6;
	v10 =	vmul.f32 $6.250000000e-02, v10;
	_ =	sdelay $0x1  }
0x285: {  	v10 =	vadd.f32 v10, v9;
	_ =	sdelay $0x1  }
0x286: {  	[tilespmem:s25+$0x0] =	vst v10  }
0x287: {  	v10 =	vld.idx.msk [tilespmem:v11+s16+$0x0], $0xffff;
	_ =	sdelay $0x4  }
0x288: {  	v11 =	vor.u32 s26, v7;
	v10 =	vmul.f32 $6.250000000e-02, v10;
	_ =	sdelay $0x1  }
0x289: {  	v10 =	vadd.f32 v10, v9;
	_ =	sdelay $0x1  }
0x28a: {  	[tilespmem:s25+$0x10] =	vst v10  }
0x28b: {  	v10 =	vld.idx.msk [tilespmem:v11+s16+$0x0], $0xffff;
	_ =	sdelay $0x4  }
0x28c: {  	v11 =	vor.u32 s26, v8;
	v10 =	vmul.f32 $6.250000000e-02, v10;
	_ =	sdelay $0x1  }
0x28d: {  	v10 =	vadd.f32 v10, v9;
	_ =	sdelay $0x1  }
0x28e: {  	[tilespmem:s25+$0x20] =	vst v10  }
0x28f: {  	v11 =	vld.idx.msk [tilespmem:v11+s16+$0x0], $0xffff;
	_ =	sdelay $0x3  }
0x290: {  	s26 =	simm.s32 $0x1  }
0x291: {  	s28 =	simm.s32 $0x2;
	v10 =	vor.u32 s26, v0;
	v11 =	vmul.f32 $6.250000000e-02, v11  }
.LBB2_14:
0x292: {  	p0 =	sne.s32 s28, $0x3F;
	v12 =	vmov s26  }
0x293: {  	v9 =	vadd.f32 v11, v9;
	_ =	sdelay $0x1  }
0x294: {  	[tilespmem:s25+$0x30] =	vst v9  }
0x295: {  	v10 =	vld.idx.msk [tilespmem:v10+s16+$0x0], $0xffff  }
0x296: {  	v9 =	vld.idx.msk [tilespmem:v12+s2+$0x0], $0xffff;
	_ =	sdelay $0x4  }
0x297: {  	v11 =	vor.u32 s26, v2;
	v10 =	vmul.f32 $6.250000000e-02, v10;
	_ =	sdelay $0x1  }
0x298: {  	v10 =	vadd.f32 v10, v9  }
0x299: {  	s25 =	sadd.s32 $0x80, s25  }
0x29a: {  	[tilespmem:s25+$0xFFFFFFC0] =	vst v10  }
0x29b: {  	v10 =	vld.idx.msk [tilespmem:v11+s16+$0x0], $0xffff;
	_ =	sdelay $0x5  }
0x29c: {  	v11 =	vor.u32 s26, v3;
	v10 =	vmul.f32 $6.250000000e-02, v10;
	_ =	sdelay $0x1  }
0x29d: {  	v10 =	vadd.f32 v10, v9;
	_ =	sdelay $0x1  }
0x29e: {  	[tilespmem:s25+$0xFFFFFFD0] =	vst v10  }
0x29f: {  	v10 =	vld.idx.msk [tilespmem:v11+s16+$0x0], $0xffff;
	_ =	sdelay $0x5  }
0x2a0: {  	v11 =	vor.u32 s26, v4;
	v10 =	vmul.f32 $6.250000000e-02, v10;
	_ =	sdelay $0x1  }
0x2a1: {  	v10 =	vadd.f32 v10, v9;
	_ =	sdelay $0x1  }
0x2a2: {  	[tilespmem:s25+$0xFFFFFFE0] =	vst v10  }
0x2a3: {  	v10 =	vld.idx.msk [tilespmem:v11+s16+$0x0], $0xffff;
	_ =	sdelay $0x5  }
0x2a4: {  	v11 =	vor.u32 s26, v5;
	v10 =	vmul.f32 $6.250000000e-02, v10;
	_ =	sdelay $0x1  }
0x2a5: {  	v10 =	vadd.f32 v10, v9;
	_ =	sdelay $0x1  }
0x2a6: {  	[tilespmem:s25+$0xFFFFFFF0] =	vst v10  }
0x2a7: {  	v10 =	vld.idx.msk [tilespmem:v11+s16+$0x0], $0xffff;
	_ =	sdelay $0x5  }
0x2a8: {  	v11 =	vor.u32 s26, v6;
	v10 =	vmul.f32 $6.250000000e-02, v10;
	_ =	sdelay $0x1  }
0x2a9: {  	v10 =	vadd.f32 v10, v9;
	_ =	sdelay $0x1  }
0x2aa: {  	[tilespmem:s25+$0x0] =	vst v10  }
0x2ab: {  	v10 =	vld.idx.msk [tilespmem:v11+s16+$0x0], $0xffff;
	_ =	sdelay $0x5  }
0x2ac: {  	v11 =	vor.u32 s26, v7;
	v10 =	vmul.f32 $6.250000000e-02, v10;
	_ =	sdelay $0x1  }
0x2ad: {  	v10 =	vadd.f32 v10, v9;
	_ =	sdelay $0x1  }
0x2ae: {  	[tilespmem:s25+$0x10] =	vst v10  }
0x2af: {  	v10 =	vld.idx.msk [tilespmem:v11+s16+$0x0], $0xffff;
	_ =	sdelay $0x5  }
0x2b0: {  	v11 =	vor.u32 s26, v8;
	s26 =	smov.u32 s28;
	v10 =	vmul.f32 $6.250000000e-02, v10;
	_ =	sdelay $0x1  }
0x2b1: {  	v10 =	vadd.f32 v10, v9;
	_ =	sdelay $0x1  }
0x2b2: {  	[tilespmem:s25+$0x20] =	vst v10  }
0x2b3: {  	v11 =	vld.idx.msk [tilespmem:v11+s16+$0x0], $0xffff;
	_ =	sdelay $0x1  }
.Ltmp6:
0x2b4: {  	(pc) =	sbr.rel @p0 .LBB2_14-.Ltmp6, $2  }
0x2b5: {  	_ =	sdelay $0x2  }
0x2b6: {  	s28 =	sadd.s32 $0x1, s28;
	v10 =	vor.u32 s26, v0;
	v11 =	vmul.f32 $6.250000000e-02, v11  }
0x2b7: {  	_ = 	snop  }
0x2b8: {  	v12 =	vmov s26;
	v9 =	vadd.f32 v11, v9;
	_ =	sdelay $0x1  }
0x2b9: {  	[tilespmem:s25+$0x30] =	vst v9  }
0x2ba: {  	v9 =	vld.idx.msk [tilespmem:v10+s16+$0x0], $0xffff;
	_ =	sdelay $0x1  }
0x2bb: {  	v10 =	vld.idx.msk [tilespmem:v12+s2+$0x0], $0xffff;
	_ =	sdelay $0x2  }
0x2bc: {  	v11 =	vor.u32 s26, v2;
	v9 =	vmul.f32 $6.250000000e-02, v9;
	_ =	sdelay $0x1  }
0x2bd: {  	v9 =	vadd.f32 v9, v10  }
0x2be: {  	s25 =	sadd.s32 $0x80, s25  }
0x2bf: {  	[tilespmem:s25+$0xFFFFFFC0] =	vst v9  }
0x2c0: {  	v9 =	vld.idx.msk [tilespmem:v11+s16+$0x0], $0xffff;
	_ =	sdelay $0x4  }
0x2c1: {  	v11 =	vor.u32 s26, v3;
	v9 =	vmul.f32 $6.250000000e-02, v9;
	_ =	sdelay $0x1  }
0x2c2: {  	v9 =	vadd.f32 v9, v10;
	_ =	sdelay $0x1  }
0x2c3: {  	[tilespmem:s25+$0xFFFFFFD0] =	vst v9  }
0x2c4: {  	v9 =	vld.idx.msk [tilespmem:v11+s16+$0x0], $0xffff;
	_ =	sdelay $0x4  }
0x2c5: {  	v11 =	vor.u32 s26, v4;
	v9 =	vmul.f32 $6.250000000e-02, v9;
	_ =	sdelay $0x1  }
0x2c6: {  	v9 =	vadd.f32 v9, v10;
	_ =	sdelay $0x1  }
0x2c7: {  	[tilespmem:s25+$0xFFFFFFE0] =	vst v9  }
0x2c8: {  	v9 =	vld.idx.msk [tilespmem:v11+s16+$0x0], $0xffff;
	_ =	sdelay $0x4  }
0x2c9: {  	v11 =	vor.u32 s26, v5;
	v9 =	vmul.f32 $6.250000000e-02, v9;
	_ =	sdelay $0x1  }
0x2ca: {  	v9 =	vadd.f32 v9, v10;
	_ =	sdelay $0x1  }
0x2cb: {  	[tilespmem:s25+$0xFFFFFFF0] =	vst v9  }
0x2cc: {  	v9 =	vld.idx.msk [tilespmem:v11+s16+$0x0], $0xffff;
	_ =	sdelay $0x4  }
0x2cd: {  	v11 =	vor.u32 s26, v6;
	v9 =	vmul.f32 $6.250000000e-02, v9;
	_ =	sdelay $0x1  }
0x2ce: {  	v9 =	vadd.f32 v9, v10;
	_ =	sdelay $0x1  }
0x2cf: {  	[tilespmem:s25+$0x0] =	vst v9  }
0x2d0: {  	v9 =	vld.idx.msk [tilespmem:v11+s16+$0x0], $0xffff;
	_ =	sdelay $0x4  }
0x2d1: {  	v11 =	vor.u32 s26, v7;
	v9 =	vmul.f32 $6.250000000e-02, v9;
	_ =	sdelay $0x1  }
0x2d2: {  	v9 =	vadd.f32 v9, v10;
	_ =	sdelay $0x1  }
0x2d3: {  	[tilespmem:s25+$0x10] =	vst v9  }
0x2d4: {  	v9 =	vld.idx.msk [tilespmem:v11+s16+$0x0], $0xffff;
	_ =	sdelay $0x4  }
0x2d5: {  	v11 =	vor.u32 s26, v8;
	v9 =	vmul.f32 $6.250000000e-02, v9;
	_ =	sdelay $0x1  }
0x2d6: {  	v9 =	vadd.f32 v9, v10;
	_ =	sdelay $0x1  }
0x2d7: {  	[tilespmem:s25+$0x20] =	vst v9  }
0x2d8: {  	v9 =	vld.idx.msk [tilespmem:v11+s16+$0x0], $0xffff;
	_ =	sdelay $0x4  }
0x2d9: {  	v9 =	vmul.f32 $6.250000000e-02, v9;
	_ =	sdelay $0x1  }
0x2da: {  	v9 =	vadd.f32 v9, v10;
	_ =	sdelay $0x1  }
0x2db: {  	[tilespmem:s25+$0x30] =	vst v9  }
0x2dc: {  	[hbm4b:s8+s31] =	stream.strided.scatter [tilespmem:s1], [sflag:$0x3], $0x2000, s12, s31, $0x38;
	[tilespmem:$0xC880] =	vst v63  }
0x2dd: {  	_ =	swait.ge [sflag:s13], $0x2000  }
0x2de: {  	[sflag:s13] =	ssyncset.done $0x0  }
0x2df: {  	[sflag:s13] =	ssyncadd.s32 $0xFFFFE000  }
0x2e0: {  	_ =	swait.ge [sflag:s19], $0x4000  }
0x2e1: {  	[sflag:s19] =	ssyncset.done $0x0  }
0x2e2: {  	[sflag:s19] =	ssyncadd.s32 $0xFFFFC000  }
0x2e3: {  	_ =	swait.ge [sflag:s19], $0x4000  }
0x2e4: {  	[sflag:s19] =	ssyncset.done $0x0  }
0x2e5: {  	[sflag:s19] =	ssyncadd.s32 $0xFFFFC000  }
0x2e6: {  	_ =	swait.ge [sflag:s19], $0x4000  }
0x2e7: {  	[sflag:s19] =	ssyncset.done $0x0  }
0x2e8: {  	[sflag:s19] =	ssyncadd.s32 $0xFFFFC000  }
0x2e9: {  	_ =	swait.ge [sflag:s19], $0x4000  }
0x2ea: {  	[sflag:s19] =	ssyncset.done $0x0  }
0x2eb: {  	[sflag:s19] =	ssyncadd.s32 $0xFFFFC000  }
0x2ec: {  	_ =	swait.ge [sflag:s19], $0x4000  }
0x2ed: {  	[sflag:s19] =	ssyncset.done $0x0  }
0x2ee: {  	[sflag:s19] =	ssyncadd.s32 $0xFFFFC000  }
0x2ef: {  	_ =	swait.ge [sflag:s19], $0x4000  }
0x2f0: {  	[sflag:s19] =	ssyncset.done $0x0  }
0x2f1: {  	[sflag:s19] =	ssyncadd.s32 $0xFFFFC000  }
0x2f2: {  	_ =	swait.ge [sflag:s19], $0x4000  }
0x2f3: {  	[sflag:s19] =	ssyncset.done $0x0  }
0x2f4: {  	[sflag:s19] =	ssyncadd.s32 $0xFFFFC000  }
0x2f5: {  	_ =	swait.ge [sflag:s19], $0x4000  }
0x2f6: {  	[sflag:s19] =	ssyncset.done $0x0  }
0x2f7: {  	[sflag:s19] =	ssyncadd.s32 $0xFFFFC000  }
0x2f8: {  	_ =	swait.ge [sflag:s19], $0x4000  }
0x2f9: {  	[sflag:s19] =	ssyncset.done $0x0  }
0x2fa: {  	[sflag:s19] =	ssyncadd.s32 $0xFFFFC000  }
0x2fb: {  	_ =	swait.ge [sflag:s19], $0x4000  }
0x2fc: {  	[sflag:s19] =	ssyncset.done $0x0  }
0x2fd: {  	[sflag:s19] =	ssyncadd.s32 $0xFFFFC000  }
0x2fe: {  	_ =	swait.ge [sflag:s19], $0x4000  }
0x2ff: {  	[sflag:s19] =	ssyncset.done $0x0  }
0x300: {  	[sflag:s19] =	ssyncadd.s32 $0xFFFFC000  }
0x301: {  	_ =	swait.ge [sflag:s19], $0x4000  }
0x302: {  	[sflag:s19] =	ssyncset.done $0x0  }
0x303: {  	[sflag:s19] =	ssyncadd.s32 $0xFFFFC000  }
0x304: {  	_ =	swait.ge [sflag:s19], $0x4000  }
0x305: {  	[sflag:s19] =	ssyncset.done $0x0  }
0x306: {  	[sflag:s19] =	ssyncadd.s32 $0xFFFFC000  }
0x307: {  	_ =	swait.ge [sflag:s19], $0x4000  }
0x308: {  	[sflag:s19] =	ssyncset.done $0x0  }
0x309: {  	[sflag:s19] =	ssyncadd.s32 $0xFFFFC000  }
0x30a: {  	s26 =	simm.s32 $0x0;
	_ =	swait.ge [sflag:s19], $0x4000  }
0x30b: {  	v9 =	vor.u32 s26, v0;
	[sflag:s19] =	ssyncset.done $0x0  }
0x30c: {  	[sflag:s19] =	ssyncadd.s32 $0xFFFFC000  }
0x30d: {  	v10 =	vmov s26;
	_ =	swait.ge [sflag:s19], $0x4000  }
0x30e: {  	[sflag:s19] =	ssyncset.done $0x0  }
0x30f: {  	[sflag:s19] =	ssyncadd.s32 $0xFFFFC000  }
0x310: {  	v11 =	vld.idx.msk [tilespmem:v9+s0+$0x0], $0xffff;
	_ =	sdelay $0x1  }
0x311: {  	v9 =	vld.idx.msk [tilespmem:v10+s2+$0x0], $0xffff;
	_ =	sdelay $0x2  }
0x312: {  	v10 =	vmul.f32 $6.250000000e-02, v11;
	v11 =	vor.u32 s26, v2;
	_ =	sdelay $0x1  }
0x313: {  	v10 =	vadd.f32 v10, v9  }
0x314: {  	s25 =	simm.s32 $0xA8C0  }
0x315: {  	[tilespmem:s25+$0xFFFFFFC0] =	vst v10  }
0x316: {  	v10 =	vld.idx.msk [tilespmem:v11+s0+$0x0], $0xffff;
	_ =	sdelay $0x4  }
0x317: {  	v11 =	vor.u32 s26, v3;
	v10 =	vmul.f32 $6.250000000e-02, v10;
	_ =	sdelay $0x1  }
0x318: {  	v10 =	vadd.f32 v10, v9;
	_ =	sdelay $0x1  }
0x319: {  	[tilespmem:s25+$0xFFFFFFD0] =	vst v10  }
0x31a: {  	v10 =	vld.idx.msk [tilespmem:v11+s0+$0x0], $0xffff;
	_ =	sdelay $0x4  }
0x31b: {  	v11 =	vor.u32 s26, v4;
	v10 =	vmul.f32 $6.250000000e-02, v10;
	_ =	sdelay $0x1  }
0x31c: {  	v10 =	vadd.f32 v10, v9;
	_ =	sdelay $0x1  }
0x31d: {  	[tilespmem:s25+$0xFFFFFFE0] =	vst v10  }
0x31e: {  	v10 =	vld.idx.msk [tilespmem:v11+s0+$0x0], $0xffff;
	_ =	sdelay $0x4  }
0x31f: {  	v11 =	vor.u32 s26, v5;
	v10 =	vmul.f32 $6.250000000e-02, v10;
	_ =	sdelay $0x1  }
0x320: {  	v10 =	vadd.f32 v10, v9;
	_ =	sdelay $0x1  }
0x321: {  	[tilespmem:s25+$0xFFFFFFF0] =	vst v10  }
0x322: {  	v10 =	vld.idx.msk [tilespmem:v11+s0+$0x0], $0xffff;
	_ =	sdelay $0x4  }
0x323: {  	v11 =	vor.u32 s26, v6;
	v10 =	vmul.f32 $6.250000000e-02, v10;
	_ =	sdelay $0x1  }
0x324: {  	v10 =	vadd.f32 v10, v9;
	_ =	sdelay $0x1  }
0x325: {  	[tilespmem:s25+$0x0] =	vst v10  }
0x326: {  	v10 =	vld.idx.msk [tilespmem:v11+s0+$0x0], $0xffff;
	_ =	sdelay $0x4  }
0x327: {  	v11 =	vor.u32 s26, v7;
	v10 =	vmul.f32 $6.250000000e-02, v10;
	_ =	sdelay $0x1  }
0x328: {  	v10 =	vadd.f32 v10, v9;
	_ =	sdelay $0x1  }
0x329: {  	[tilespmem:s25+$0x10] =	vst v10  }
0x32a: {  	v10 =	vld.idx.msk [tilespmem:v11+s0+$0x0], $0xffff;
	_ =	sdelay $0x4  }
0x32b: {  	v11 =	vor.u32 s26, v8;
	v10 =	vmul.f32 $6.250000000e-02, v10;
	_ =	sdelay $0x1  }
0x32c: {  	v10 =	vadd.f32 v10, v9;
	_ =	sdelay $0x1  }
0x32d: {  	[tilespmem:s25+$0x20] =	vst v10  }
0x32e: {  	v11 =	vld.idx.msk [tilespmem:v11+s0+$0x0], $0xffff;
	_ =	sdelay $0x3  }
0x32f: {  	s26 =	simm.s32 $0x1  }
0x330: {  	s28 =	simm.s32 $0x2;
	v10 =	vor.u32 s26, v0;
	v11 =	vmul.f32 $6.250000000e-02, v11  }
.LBB2_16:
0x331: {  	p0 =	sne.s32 s28, $0x3F;
	v12 =	vmov s26  }
0x332: {  	v9 =	vadd.f32 v11, v9;
	_ =	sdelay $0x1  }
0x333: {  	[tilespmem:s25+$0x30] =	vst v9  }
0x334: {  	v10 =	vld.idx.msk [tilespmem:v10+s0+$0x0], $0xffff  }
0x335: {  	v9 =	vld.idx.msk [tilespmem:v12+s2+$0x0], $0xffff;
	_ =	sdelay $0x4  }
0x336: {  	v11 =	vor.u32 s26, v2;
	v10 =	vmul.f32 $6.250000000e-02, v10;
	_ =	sdelay $0x1  }
0x337: {  	v10 =	vadd.f32 v10, v9  }
0x338: {  	s25 =	sadd.s32 $0x80, s25  }
0x339: {  	[tilespmem:s25+$0xFFFFFFC0] =	vst v10  }
0x33a: {  	v10 =	vld.idx.msk [tilespmem:v11+s0+$0x0], $0xffff;
	_ =	sdelay $0x5  }
0x33b: {  	v11 =	vor.u32 s26, v3;
	v10 =	vmul.f32 $6.250000000e-02, v10;
	_ =	sdelay $0x1  }
0x33c: {  	v10 =	vadd.f32 v10, v9;
	_ =	sdelay $0x1  }
0x33d: {  	[tilespmem:s25+$0xFFFFFFD0] =	vst v10  }
0x33e: {  	v10 =	vld.idx.msk [tilespmem:v11+s0+$0x0], $0xffff;
	_ =	sdelay $0x5  }
0x33f: {  	v11 =	vor.u32 s26, v4;
	v10 =	vmul.f32 $6.250000000e-02, v10;
	_ =	sdelay $0x1  }
0x340: {  	v10 =	vadd.f32 v10, v9;
	_ =	sdelay $0x1  }
0x341: {  	[tilespmem:s25+$0xFFFFFFE0] =	vst v10  }
0x342: {  	v10 =	vld.idx.msk [tilespmem:v11+s0+$0x0], $0xffff;
	_ =	sdelay $0x5  }
0x343: {  	v11 =	vor.u32 s26, v5;
	v10 =	vmul.f32 $6.250000000e-02, v10;
	_ =	sdelay $0x1  }
0x344: {  	v10 =	vadd.f32 v10, v9;
	_ =	sdelay $0x1  }
0x345: {  	[tilespmem:s25+$0xFFFFFFF0] =	vst v10  }
0x346: {  	v10 =	vld.idx.msk [tilespmem:v11+s0+$0x0], $0xffff;
	_ =	sdelay $0x5  }
0x347: {  	v11 =	vor.u32 s26, v6;
	v10 =	vmul.f32 $6.250000000e-02, v10;
	_ =	sdelay $0x1  }
0x348: {  	v10 =	vadd.f32 v10, v9;
	_ =	sdelay $0x1  }
0x349: {  	[tilespmem:s25+$0x0] =	vst v10  }
0x34a: {  	v10 =	vld.idx.msk [tilespmem:v11+s0+$0x0], $0xffff;
	_ =	sdelay $0x5  }
0x34b: {  	v11 =	vor.u32 s26, v7;
	v10 =	vmul.f32 $6.250000000e-02, v10;
	_ =	sdelay $0x1  }
0x34c: {  	v10 =	vadd.f32 v10, v9;
	_ =	sdelay $0x1  }
0x34d: {  	[tilespmem:s25+$0x10] =	vst v10  }
0x34e: {  	v10 =	vld.idx.msk [tilespmem:v11+s0+$0x0], $0xffff;
	_ =	sdelay $0x5  }
0x34f: {  	v11 =	vor.u32 s26, v8;
	s26 =	smov.u32 s28;
	v10 =	vmul.f32 $6.250000000e-02, v10;
	_ =	sdelay $0x1  }
0x350: {  	v10 =	vadd.f32 v10, v9;
	_ =	sdelay $0x1  }
0x351: {  	[tilespmem:s25+$0x20] =	vst v10  }
0x352: {  	v11 =	vld.idx.msk [tilespmem:v11+s0+$0x0], $0xffff;
	_ =	sdelay $0x1  }
.Ltmp7:
0x353: {  	(pc) =	sbr.rel @p0 .LBB2_16-.Ltmp7, $2  }
0x354: {  	_ =	sdelay $0x2  }
0x355: {  	s28 =	sadd.s32 $0x1, s28;
	v10 =	vor.u32 s26, v0;
	v11 =	vmul.f32 $6.250000000e-02, v11  }
0x356: {  	_ = 	snop  }
0x357: {  	v12 =	vmov s26;
	v9 =	vadd.f32 v11, v9;
	_ =	sdelay $0x1  }
0x358: {  	[tilespmem:s25+$0x30] =	vst v9  }
0x359: {  	v9 =	vld.idx.msk [tilespmem:v10+s0+$0x0], $0xffff;
	_ =	sdelay $0x1  }
0x35a: {  	v10 =	vld.idx.msk [tilespmem:v12+s2+$0x0], $0xffff;
	_ =	sdelay $0x2  }
0x35b: {  	v11 =	vor.u32 s26, v2;
	v9 =	vmul.f32 $6.250000000e-02, v9;
	_ =	sdelay $0x1  }
0x35c: {  	v9 =	vadd.f32 v9, v10  }
0x35d: {  	s28 =	sadd.s32 $0x80, s25  }
0x35e: {  	[tilespmem:s28+$0xFFFFFFC0] =	vst v9  }
0x35f: {  	v9 =	vld.idx.msk [tilespmem:v11+s0+$0x0], $0xffff;
	_ =	sdelay $0x4  }
0x360: {  	v11 =	vor.u32 s26, v3;
	v9 =	vmul.f32 $6.250000000e-02, v9;
	_ =	sdelay $0x1  }
0x361: {  	v9 =	vadd.f32 v9, v10;
	_ =	sdelay $0x1  }
0x362: {  	[tilespmem:s28+$0xFFFFFFD0] =	vst v9  }
0x363: {  	v9 =	vld.idx.msk [tilespmem:v11+s0+$0x0], $0xffff;
	_ =	sdelay $0x4  }
0x364: {  	v11 =	vor.u32 s26, v4;
	v9 =	vmul.f32 $6.250000000e-02, v9;
	_ =	sdelay $0x1  }
0x365: {  	v9 =	vadd.f32 v9, v10;
	_ =	sdelay $0x1  }
0x366: {  	[tilespmem:s28+$0xFFFFFFE0] =	vst v9  }
0x367: {  	v9 =	vld.idx.msk [tilespmem:v11+s0+$0x0], $0xffff;
	_ =	sdelay $0x4  }
0x368: {  	v11 =	vor.u32 s26, v5;
	v9 =	vmul.f32 $6.250000000e-02, v9;
	_ =	sdelay $0x1  }
0x369: {  	v9 =	vadd.f32 v9, v10;
	_ =	sdelay $0x1  }
0x36a: {  	[tilespmem:s28+$0xFFFFFFF0] =	vst v9  }
0x36b: {  	v9 =	vld.idx.msk [tilespmem:v11+s0+$0x0], $0xffff;
	_ =	sdelay $0x4  }
0x36c: {  	v11 =	vor.u32 s26, v6;
	v9 =	vmul.f32 $6.250000000e-02, v9;
	_ =	sdelay $0x1  }
0x36d: {  	v9 =	vadd.f32 v9, v10;
	_ =	sdelay $0x1  }
0x36e: {  	[tilespmem:s28+$0x0] =	vst v9  }
0x36f: {  	v9 =	vld.idx.msk [tilespmem:v11+s0+$0x0], $0xffff;
	_ =	sdelay $0x4  }
0x370: {  	v11 =	vor.u32 s26, v7;
	v9 =	vmul.f32 $6.250000000e-02, v9;
	_ =	sdelay $0x1  }
0x371: {  	v9 =	vadd.f32 v9, v10;
	_ =	sdelay $0x1  }
0x372: {  	[tilespmem:s28+$0x10] =	vst v9  }
0x373: {  	v9 =	vld.idx.msk [tilespmem:v11+s0+$0x0], $0xffff;
	_ =	sdelay $0x4  }
0x374: {  	v11 =	vor.u32 s26, v8;
	v9 =	vmul.f32 $6.250000000e-02, v9;
	_ =	sdelay $0x1  }
0x375: {  	v9 =	vadd.f32 v9, v10;
	_ =	sdelay $0x1  }
0x376: {  	[tilespmem:s28+$0x20] =	vst v9  }
0x377: {  	v9 =	vld.idx.msk [tilespmem:v11+s0+$0x0], $0xffff;
	_ =	sdelay $0x4  }
0x378: {  	v9 =	vmul.f32 $6.250000000e-02, v9;
	_ =	sdelay $0x1  }
0x379: {  	s24 =	sadd.s32 $0x1, s24;
	v9 =	vadd.f32 v9, v10  }
0x37a: {  	p0 =	sne.s32 s24, s10  }
.Ltmp8:
0x37b: {  	[tilespmem:s28+$0x30] =	vst v9;
	(pc) =	sbr.rel @p0 .LBB2_1-.Ltmp8, $4  }
0x37c: {  	[hbm4b:s9+s31] =	stream.strided.scatter [tilespmem:s1], [sflag:$0x3], $0x2000, s12, s31, $0x38;
	[tilespmem:$0xC880] =	vst v63  }
0x37d: {  	_ =	swait.ge [sflag:s13], $0x2000  }
0x37e: {  	[sflag:s13] =	ssyncset.done $0x0  }
0x37f: {  	[sflag:s13] =	ssyncadd.s32 $0xFFFFE000  }
0x380: {  	_ =	sfence.sel $0x180000  }
0x381: {  	[bflag:$0x0] =	sbarrier.arrive $0xFFFF  }
0x382: {  	_ =	strace $0x90000047  }
0x383: {  	s0 =	stileid.u32;
	[bflag:$0x2] =	sbarrier.arrive $0xFFFF  }
0x384: {  	p0 =	sne.s32 s0, $0x0;
	s0 =	rddreg [dreg:$0x4]  }
0x385: {  	s0 =	sadd.s32 @!p0 $0x100000, s0  }
0x386: {  	[sflag:s0] =	ssyncadd.tile.s32 @!p0 $0x1;
	_ =	shalt  }
.Lfunc_end2:
_tile_overlayer_lowered:
.L_overlay_start_2:
0x387: {  	(tag) =	ssettag $0x2  }
0x388: {  	s0 =	rddreg [dreg:$0x0];
	s2 =	stileid.u32  }
0x389: {  	s1 =	rddreg [dreg:$0x1];
	p0 =	sne.s32 s2, $0x0  }
0x38a: {  	s3 =	rddreg [dreg:$0x2];
	[bflag:$0x3] =	sbarrier.arrive $0xFFFF;
	s2 =	simm.s32 @!p0 $0x1C03  }
0x38b: {  	[timem:s3], [sflag:s2] =	dma.local @!p0 [hbm:s0], s1  }
0x38c: {  	s0 =	simm.s32 @!p0 $0x3  }
0x38d: {  	_ =	swait.ge @!p0 [sflag:s0], s1  }
0x38e: {  	s1 =	ssub.s32 @!p0 $0x0, s1;
	[sflag:s0] =	ssyncset.done @!p0 $0x0  }
0x38f: {  	[sflag:s0] =	ssyncadd.s32 @!p0 s1  }
0x390: {  	[bflag:$0x3] =	sbarrier.arrive $0xFFFF  }
0x391: {  	_ =	shalt  }

</sc_bundles>
